<compile_context>
chip_gen: v7x
topology: tpu7x:2x2x1
jax: 0.10.2.dev20260603
libtpu: 0.0.44.dev20260713+nightly
codegen_flags: <defaults>
</compile_context>

<pallas_src>
import functools

import jax
import jax.numpy as jnp
from jax import lax
from jax.experimental import pallas as pl
from jax.experimental.pallas import tpu as pltpu
from jax.experimental.pallas import tpu_sc as plsc

N = 10000
F = 128
E = 320000
NC = 2
NS = 16
NW = NC * NS
CHUNK = 128
N_PAD = 10016
E_PAD = 327680
TOTAL_CHUNKS = E_PAD // CHUNK
NCH = TOTAL_CHUNKS // NW
BLK = 16
NBLK = N_PAD // BLK
BASE_BLKS = NBLK // NS
BLK_EXTRA = NBLK - BASE_BLKS * NS
DW = 16

_mesh = plsc.VectorSubcoreMesh(core_axis_name="c", subcore_axis_name="s")


def _row_blocks(s):
    return BASE_BLKS + jnp.where(s < BLK_EXTRA, 1, 0)


def _load_indices(src2_hbm, dst2_hbm, si_v, di_v, wid):
    ch0 = wid * NCH
    pltpu.sync_copy(src2_hbm.at[pl.ds(ch0, NCH)], si_v)
    pltpu.sync_copy(dst2_hbm.at[pl.ds(ch0, NCH)], di_v)


@functools.partial(
    pl.kernel,
    out_type=jax.ShapeDtypeStruct((NC, 2, N_PAD, DW), jnp.float32),
    mesh=_mesh,
    compiler_params=pltpu.CompilerParams(use_tc_tiling_on_sc=False),
    scratch_types=[
        pltpu.VMEM((NCH, CHUNK), jnp.int32),
        pltpu.VMEM((NCH, CHUNK), jnp.int32),
        pltpu.VMEM((CHUNK, DW), jnp.float32),
        pltpu.VMEM((BLK, DW), jnp.float32),
        pltpu.VMEM_SHARED((N_PAD, DW), jnp.float32),
        pltpu.VMEM_SHARED((N_PAD, DW), jnp.float32),
        pltpu.SemaphoreType.DMA,
    ],
)
def _sc_degrees(src2_hbm, dst2_hbm, out_hbm, si_v, di_v, ones_v, zsl_v,
                acca_sh, accb_sh, sem):
    c = lax.axis_index("c")
    s = lax.axis_index("s")
    wid = s * NC + c

    def fill(i, carry):
        ones_v[i, pl.ds(0, 16)] = jnp.full((16,), 1.0, jnp.float32)
        return carry

    lax.fori_loop(0, CHUNK, fill, 0)

    def zfill(i, carry):
        zsl_v[i, pl.ds(0, 16)] = jnp.zeros((16,), jnp.float32)
        return carry

    lax.fori_loop(0, BLK, zfill, 0)

    _load_indices(src2_hbm, dst2_hbm, si_v, di_v, wid)

    def zcopy(i, carry):
        row = (s + i * NS) * BLK
        pltpu.sync_copy(zsl_v, acca_sh.at[pl.ds(row, BLK)])
        pltpu.sync_copy(zsl_v, accb_sh.at[pl.ds(row, BLK)])
        return carry

    lax.fori_loop(0, _row_blocks(s), zcopy, 0)
    plsc.subcore_barrier()

    def body(g, carry):
        pltpu.async_copy(ones_v, acca_sh.at[si_v.at[g]], sem, add=True)
        pltpu.async_copy(ones_v, accb_sh.at[di_v.at[g]], sem, add=True)
        return carry

    lax.fori_loop(0, NCH, body, 0)

    def drain(i, carry):
        pltpu.make_async_copy(out_hbm.at[c, 0, pl.ds(0, CHUNK)], ones_v, sem).wait()
        return carry

    lax.fori_loop(0, 2 * NCH, drain, 0)
    plsc.subcore_barrier()

    def wcopy(i, carry):
        row = (s + i * NS) * BLK
        pltpu.sync_copy(acca_sh.at[pl.ds(row, BLK)], out_hbm.at[c, 0, pl.ds(row, BLK)])
        pltpu.sync_copy(accb_sh.at[pl.ds(row, BLK)], out_hbm.at[c, 1, pl.ds(row, BLK)])
        return carry

    lax.fori_loop(0, _row_blocks(s), wcopy, 0)


@functools.partial(
    pl.kernel,
    out_type=jax.ShapeDtypeStruct((NC, N_PAD, F), jnp.float32),
    mesh=_mesh,
    scratch_types=[
        pltpu.VMEM((NCH, CHUNK), jnp.int32),
        pltpu.VMEM((2, CHUNK), jnp.int32),
        pltpu.VMEM((2, CHUNK, F), jnp.float32),
        pltpu.VMEM((BLK, F), jnp.float32),
        pltpu.VMEM_SHARED((N_PAD, F), jnp.float32),
        pltpu.SemaphoreType.DMA,
        pltpu.SemaphoreType.DMA,
        pltpu.SemaphoreType.DMA,
        pltpu.SemaphoreType.DMA,
    ],
)
def _sc_aggregate(hs_hbm, src2_hbm, dst2_hbm, out_hbm, si_v, di_v, msg_v, zsl_v,
                  acc_sh, gsem0, gsem1, isem0, isem1):
    c = lax.axis_index("c")
    s = lax.axis_index("s")
    wid = s * NC + c
    ch0 = wid * NCH

    def zfill(i, carry):
        def zcol(j, c2):
            zsl_v[i, pl.ds(j * 16, 16)] = jnp.zeros((16,), jnp.float32)
            return c2

        return lax.fori_loop(0, F // 16, zcol, carry)

    lax.fori_loop(0, BLK, zfill, 0)

    pltpu.sync_copy(src2_hbm.at[pl.ds(ch0, NCH)], si_v)
    pltpu.sync_copy(dst2_hbm.at[ch0], di_v.at[0])

    def zcopy(i, carry):
        row = (s + i * NS) * BLK
        pltpu.sync_copy(zsl_v, acc_sh.at[pl.ds(row, BLK)])
        return carry

    lax.fori_loop(0, _row_blocks(s), zcopy, 0)
    plsc.subcore_barrier()

    pltpu.async_copy(hs_hbm.at[si_v.at[0]], msg_v.at[0], gsem0)
    pltpu.async_copy(dst2_hbm.at[ch0 + 1], di_v.at[1], isem1)

    def body(g, carry):
        def step(p, gsem_p, gsem_o, isem_p):
            @pl.when(g + 1 < NCH)
            def _():
                pltpu.async_copy(hs_hbm.at[si_v.at[g + 1]], msg_v.at[1 - p], gsem_o)

            pltpu.make_async_copy(hs_hbm.at[si_v.at[g]], msg_v.at[p], gsem_p).wait()

            @pl.when(g >= 1)
            def _():
                pltpu.make_async_copy(dst2_hbm.at[ch0], di_v.at[p], isem_p).wait()

            pltpu.sync_copy(msg_v.at[p], acc_sh.at[di_v.at[p]], add=True)

            @pl.when(g + 2 < NCH)
            def _():
                pltpu.async_copy(dst2_hbm.at[ch0 + g + 2], di_v.at[p], isem_p)

        @pl.when(g % 2 == 0)
        def _():
            step(0, gsem0, gsem1, isem0)

        @pl.when(g % 2 == 1)
        def _():
            step(1, gsem1, gsem0, isem1)

        return carry

    lax.fori_loop(0, NCH, body, 0)
    plsc.subcore_barrier()

    def wcopy(i, carry):
        row = (s + i * NS) * BLK
        pltpu.sync_copy(acc_sh.at[pl.ds(row, BLK)], out_hbm.at[c, pl.ds(row, BLK)])
        return carry

    lax.fori_loop(0, _row_blocks(s), wcopy, 0)


def _prep_body(dp_ref, x_ref, hs_ref, nm_ref):
    deg = dp_ref[0] + dp_ref[1]
    nm = lax.rsqrt(jnp.maximum(deg[:, :, 0:1], 1.0))
    row = lax.broadcasted_iota(jnp.int32, (1, N_PAD, 1), 1)
    nm = jnp.where(row < N, nm, 0.0)
    nm_ref[...] = nm
    hs_ref[0:N] = x_ref[...] * nm[0, 0:N]
    hs_ref[N:N_PAD] = jnp.zeros((N_PAD - N, F), jnp.float32)


def _bn_relu(p_ref, nd_ref, w_ref, b_ref, g_ref, be_ref):
    agg = (p_ref[0] + p_ref[1]) * nd_ref[...]
    hp = jnp.dot(agg, w_ref[...], preferred_element_type=jnp.float32) + b_ref[...]
    hpn = hp[0:N]
    mu = jnp.mean(hpn, axis=0, keepdims=True)
    var = jnp.mean((hpn - mu) ** 2, axis=0, keepdims=True)
    return jnp.maximum((hp - mu) * lax.rsqrt(var + 1e-5) * g_ref[...] + be_ref[...], 0.0)


def _dense_body(p_ref, nd_ref, ns_ref, w_ref, b_ref, g_ref, be_ref, o_ref):
    h = _bn_relu(p_ref, nd_ref, w_ref, b_ref, g_ref, be_ref)
    o_ref[...] = h * ns_ref[...]


def _head_body(p_ref, nd_ref, w_ref, b_ref, g_ref, be_ref, wc_ref, bc_ref, o_ref):
    h = _bn_relu(p_ref, nd_ref, w_ref, b_ref, g_ref, be_ref)
    hg = jnp.mean(h[0:N], axis=0, keepdims=True)
    o_ref[...] = jnp.dot(hg, wc_ref[...], preferred_element_type=jnp.float32) + bc_ref[...]


def kernel(x, edge_index, W1, b1, g1, be1, W2, b2, g2, be2, Wc, bc):
    f32 = jnp.float32
    i32 = jnp.int32
    pad = N + jnp.arange(E_PAD - E, dtype=i32) % (N_PAD - N)
    src2 = jnp.concatenate([edge_index[0].astype(i32), pad]).reshape(TOTAL_CHUNKS, CHUNK)
    dst2 = jnp.concatenate([edge_index[1].astype(i32), pad]).reshape(TOTAL_CHUNKS, CHUNK)


    dp = _sc_degrees(src2, dst2)

    hs, nm = pl.pallas_call(
        _prep_body,
        out_shape=[jax.ShapeDtypeStruct((N_PAD, F), f32),
                   jax.ShapeDtypeStruct((2, N_PAD, 1), f32)],
    )(dp, x)
    ns_col = nm[0]
    nd_col = nm[1]

    p1 = _sc_aggregate(hs, src2, dst2)

    h1s = pl.pallas_call(
        _dense_body, out_shape=jax.ShapeDtypeStruct((N_PAD, F), f32)
    )(p1, nd_col, ns_col, W1, b1.reshape(1, F), g1.reshape(1, F), be1.reshape(1, F))

    p2 = _sc_aggregate(h1s, src2, dst2)

    out = pl.pallas_call(
        _head_body, out_shape=jax.ShapeDtypeStruct((1, 2), f32)
    )(p2, nd_col, W2, b2.reshape(1, F), g2.reshape(1, F), be2.reshape(1, F),
      Wc, bc.reshape(1, 2))
    return out

# --- scband reference (transcript-rebuilt; emitter-appended) ---
"""Pipeline reference for scband-co-pemodel-19997367730796 (READ-ONLY COPY).

The authoritative reference and input builder live on the scoring server;
editing this copy changes nothing except your own understanding.
"""

import jax, jax.numpy as jnp
import numpy as np

N_NODES = 10000


def _graph_conv(x, src, dst, W, b, n_nodes):
    # DGL GraphConv with norm='both': D_out^{-1/2} A^T D_in^{-1/2} style symmetric norm
    ones = jnp.ones(src.shape[0], dtype=jnp.float32)
    deg_out = jax.ops.segment_sum(ones, src, num_segments=n_nodes)
    deg_in = jax.ops.segment_sum(ones, dst, num_segments=n_nodes)
    norm_src = jnp.power(jnp.clip(deg_out, 1.0, None), -0.5)
    norm_dst = jnp.power(jnp.clip(deg_in, 1.0, None), -0.5)
    h = x * norm_src[:, None]
    msgs = h[src]                                    # gather (SparseCore)
    agg = jax.ops.segment_sum(msgs, dst, num_segments=n_nodes)  # scatter-add
    agg = agg * norm_dst[:, None]
    return agg @ W + b


def _batch_norm(h, gamma, beta, eps=1e-5):
    mu = jnp.mean(h, axis=0)
    var = jnp.var(h, axis=0)
    return (h - mu) / jnp.sqrt(var + eps) * gamma + beta


def setup_inputs(seed: int = 0) -> dict:
    key = jax.random.key(seed)
    ks = jax.random.split(key, 12)
    in_feats, hid = 128, 128
    n_edges = 320000
    x = jax.random.normal(ks[0], (N_NODES, in_feats), dtype=jnp.float32)
    edge_index = jax.random.randint(ks[1], (2, n_edges), 0, N_NODES, dtype=jnp.int64)
    s1 = 1.0 / np.sqrt(in_feats)
    s2 = 1.0 / np.sqrt(hid)
    W1 = jax.random.uniform(ks[2], (in_feats, hid), jnp.float32, -s1, s1)
    b1 = jnp.zeros((hid,), jnp.float32)
    g1 = jnp.ones((hid,), jnp.float32)
    be1 = jnp.zeros((hid,), jnp.float32)
    W2 = jax.random.uniform(ks[3], (hid, hid), jnp.float32, -s2, s2)
    b2 = jnp.zeros((hid,), jnp.float32)
    g2 = jnp.ones((hid,), jnp.float32)
    be2 = jnp.zeros((hid,), jnp.float32)
    Wc = jax.random.uniform(ks[4], (hid, 2), jnp.float32, -s2, s2)
    bc = jnp.zeros((2,), jnp.float32)
    return {"x": x, "edge_index": edge_index, "W1": W1, "b1": b1, "g1": g1,
            "be1": be1, "W2": W2, "b2": b2, "g2": g2, "be2": be2,
            "Wc": Wc, "bc": bc}


def reference(x, edge_index, W1, b1, g1, be1, W2, b2, g2, be2, Wc, bc):
    src = edge_index[0]
    dst = edge_index[1]
    h = _graph_conv(x, src, dst, W1, b1, N_NODES)
    h = jax.nn.relu(_batch_norm(h, g1, be1))
    # dropout is identity in eval/reference mode
    h = _graph_conv(h, src, dst, W2, b2, N_NODES)
    h = jax.nn.relu(_batch_norm(h, g2, be2))
    hg = jnp.mean(h, axis=0, keepdims=True)
    return hg @ Wc + bc

if __name__ == "__main__":
    import jax
    _d = setup_inputs()
    print(jax.jit(kernel)(*tuple(_d.values())))

</pallas_src>

<mosaic_0001>
#map = affine_map<(d0, d1) -> (0, 0)>
#map1 = affine_map<(d0, d1) -> (0, 0, 0)>
module attributes {stable_mosaic.version = 14 : i64} {
  func.func @_sc_aggregate(%arg0: i32, %arg1: i32, %arg2: memref<10016x128xf32, #tpu.memory_space<hbm>>, %arg3: memref<2560x128xi32, #tpu.memory_space<hbm>>, %arg4: memref<2560x128xi32, #tpu.memory_space<hbm>>, %arg5: memref<2x10016x128xf32, #tpu.memory_space<hbm>>, %arg6: memref<80x128xi32, #tpu.memory_space<vmem>>, %arg7: memref<2x128xi32, #tpu.memory_space<vmem>>, %arg8: memref<2x128x128xf32, #tpu.memory_space<vmem>>, %arg9: memref<16x128xf32, #tpu.memory_space<vmem>>, %arg10: memref<10016x128xf32, #tpu.memory_space<vmem_shared>>, %arg11: memref<!tpu.dma_semaphore, #tpu.memory_space<semaphore_mem>>, %arg12: memref<!tpu.dma_semaphore, #tpu.memory_space<semaphore_mem>>, %arg13: memref<!tpu.dma_semaphore, #tpu.memory_space<semaphore_mem>>, %arg14: memref<!tpu.dma_semaphore, #tpu.memory_space<semaphore_mem>>) attributes {dimension_semantics = [#tpu.dimension_semantics<core_parallel>, #tpu.dimension_semantics<subcore_parallel>], iteration_bounds = array<i64: 2, 16>, scalar_prefetch = 0 : i64, scratch_operands = 9 : i64, tpu.core_type = #tpu.core_type<sc_vector_subcore>, window_params = [{transform_indices = #map}, {transform_indices = #map}, {transform_indices = #map}, {transform_indices = #map1}]} {
    %mul3A = arith.constant 2 : i32
    %mul3A_0 = arith.muli %arg1, %mul3A : i32
    %add3A = arith.addi %mul3A_0, %arg0 : i32
    %mul3A_1 = arith.constant 80 : i32
    %mul3A_2 = arith.muli %add3A, %mul3A_1 : i32
    %scan3A = arith.constant 0 : i32
    %scan3A_3 = arith.constant 0 : i32
    %scan3A_4 = arith.constant 16 : i32
    %scan3A_5 = arith.addi %scan3A_3, %scan3A_4 : i32
    %scan3A_6 = arith.constant 1 : i32
    scf.for %scan3A_71 = %scan3A_3 to %scan3A_5 step %scan3A_6  : i32 {
      %scan3A_72 = arith.constant 0 : i32
      %scan3A_73 = arith.constant 8 : i32
      %scan3A_74 = arith.addi %scan3A_72, %scan3A_73 : i32
      %scan3A_75 = arith.constant 1 : i32
      scf.for %scan3A_77 = %scan3A_72 to %scan3A_74 step %scan3A_75  : i32 {
        %broadcast_in_dim3A = arith.constant 0.000000e+00 : f32
        %broadcast_in_dim3A_78 = vector.broadcast %broadcast_in_dim3A : f32 to vector<16xf32>
        %mul3A_79 = arith.constant 16 : i32
        %mul3A_80 = arith.muli %scan3A_77, %mul3A_79 : i32
        %swap3A = arith.index_cast %scan3A_71 : i32 to index
        %swap3A_81 = arith.index_cast %mul3A_80 : i32 to index
        %swap3A_82 = tpu.vector_load %arg9[%swap3A, %swap3A_81] {strides = array<i32>} : memref<16x128xf32, #tpu.memory_space<vmem>>, vector<1x16xf32>,
        %swap3A_83 = vector.shape_cast %swap3A_82 : vector<1x16xf32> to vector<16xf32>
        %swap3A_84 = vector.shape_cast %broadcast_in_dim3A_78 : vector<16xf32> to vector<1x16xf32>
        tpu.vector_store %arg9[%swap3A, %swap3A_81], %swap3A_84 {strides = array<i32>} : memref<16x128xf32, #tpu.memory_space<vmem>>, vector<1x16xf32>,
      }
      %scan3A_76 = arith.constant 8 : i32
    }
    %scan3A_7 = arith.constant 16 : i32
    "tpu.region"() ({
      %run_scoped3A_71 = tpu.sem_alloc : memref<!tpu.dma_semaphore, #tpu.memory_space<semaphore_mem>>
      %dma_start3A_72 = arith.constant 0 : i32
      %dma_start3A_73 = tpu.memref_slice %arg3[%mul3A_2, %dma_start3A_72] : memref<2560x128xi32, #tpu.memory_space<hbm>> -> memref<80x128xi32, #tpu.memory_space<hbm>>
      %dma_start3A_74 = arith.constant 0 : i32
      %dma_start3A_75 = tpu.memref_slice %arg3[%mul3A_2, %dma_start3A_74] : memref<2560x128xi32, #tpu.memory_space<hbm>> -> memref<80x128xi32, #tpu.memory_space<hbm>>
      tpu.enqueue_dma source(%dma_start3A_75 : memref<80x128xi32, #tpu.memory_space<hbm>>) target(%arg6 : memref<80x128xi32, #tpu.memory_space<vmem>>) target_semaphore(%run_scoped3A_71 : memref<!tpu.dma_semaphore, #tpu.memory_space<semaphore_mem>>)
      %dma_wait3A = arith.constant 0 : i32
      %dma_wait3A_76 = tpu.memref_slice %arg3[%mul3A_2, %dma_wait3A] : memref<2560x128xi32, #tpu.memory_space<hbm>> -> memref<80x128xi32, #tpu.memory_space<hbm>>
      %dma_wait3A_77 = arith.constant 0 : i32
      %dma_wait3A_78 = tpu.memref_slice %arg3[%mul3A_2, %dma_wait3A_77] : memref<2560x128xi32, #tpu.memory_space<hbm>> -> memref<80x128xi32, #tpu.memory_space<hbm>>
      tpu.wait_dma2 semaphore(%run_scoped3A_71 : memref<!tpu.dma_semaphore, #tpu.memory_space<semaphore_mem>>) src(%dma_wait3A_78 : memref<80x128xi32, #tpu.memory_space<hbm>>) dst(%arg6 : memref<80x128xi32, #tpu.memory_space<vmem>>)
      tpu.yield
    }) : () -> ()
    %run_scoped3A = arith.constant 0 : i32
    "tpu.region"() ({
      %run_scoped3A_71 = tpu.sem_alloc : memref<!tpu.dma_semaphore, #tpu.memory_space<semaphore_mem>>
      %dma_start3A_72 = arith.constant 0 : i32
      %dma_start3A_73 = tpu.memref_slice %arg7[%run_scoped3A, %dma_start3A_72] : memref<2x128xi32, #tpu.memory_space<vmem>> -> memref<1x128xi32, #tpu.memory_space<vmem>>
      %dma_start3A_74 = tpu.memref_squeeze %dma_start3A_73 : memref<1x128xi32, #tpu.memory_space<vmem>> -> memref<128xi32, #tpu.memory_space<vmem>>
      %dma_start3A_75 = arith.constant 0 : i32
      %dma_start3A_76 = tpu.memref_slice %arg4[%mul3A_2, %dma_start3A_75] : memref<2560x128xi32, #tpu.memory_space<hbm>> -> memref<1x128xi32, #tpu.memory_space<hbm>>
      %dma_start3A_77 = tpu.memref_squeeze %dma_start3A_76 : memref<1x128xi32, #tpu.memory_space<hbm>> -> memref<128xi32, #tpu.memory_space<hbm>>
      %dma_start3A_78 = arith.constant 0 : i32
      %dma_start3A_79 = tpu.memref_slice %arg7[%run_scoped3A, %dma_start3A_78] : memref<2x128xi32, #tpu.memory_space<vmem>> -> memref<1x128xi32, #tpu.memory_space<vmem>>
      %dma_start3A_80 = tpu.memref_squeeze %dma_start3A_79 : memref<1x128xi32, #tpu.memory_space<vmem>> -> memref<128xi32, #tpu.memory_space<vmem>>
      %dma_start3A_81 = arith.constant 0 : i32
      %dma_start3A_82 = tpu.memref_slice %arg4[%mul3A_2, %dma_start3A_81] : memref<2560x128xi32, #tpu.memory_space<hbm>> -> memref<1x128xi32, #tpu.memory_space<hbm>>
      %dma_start3A_83 = tpu.memref_squeeze %dma_start3A_82 : memref<1x128xi32, #tpu.memory_space<hbm>> -> memref<128xi32, #tpu.memory_space<hbm>>
      tpu.enqueue_dma source(%dma_start3A_83 : memref<128xi32, #tpu.memory_space<hbm>>) target(%dma_start3A_80 : memref<128xi32, #tpu.memory_space<vmem>>) target_semaphore(%run_scoped3A_71 : memref<!tpu.dma_semaphore, #tpu.memory_space<semaphore_mem>>)
      %dma_wait3A = arith.constant 0 : i32
      %dma_wait3A_84 = tpu.memref_slice %arg7[%run_scoped3A, %dma_wait3A] : memref<2x128xi32, #tpu.memory_space<vmem>> -> memref<1x128xi32, #tpu.memory_space<vmem>>
      %dma_wait3A_85 = tpu.memref_squeeze %dma_wait3A_84 : memref<1x128xi32, #tpu.memory_space<vmem>> -> memref<128xi32, #tpu.memory_space<vmem>>
      %dma_wait3A_86 = arith.constant 0 : i32
      %dma_wait3A_87 = tpu.memref_slice %arg4[%mul3A_2, %dma_wait3A_86] : memref<2560x128xi32, #tpu.memory_space<hbm>> -> memref<1x128xi32, #tpu.memory_space<hbm>>
      %dma_wait3A_88 = tpu.memref_squeeze %dma_wait3A_87 : memref<1x128xi32, #tpu.memory_space<hbm>> -> memref<128xi32, #tpu.memory_space<hbm>>
      %dma_wait3A_89 = arith.constant 0 : i32
      %dma_wait3A_90 = tpu.memref_slice %arg7[%run_scoped3A, %dma_wait3A_89] : memref<2x128xi32, #tpu.memory_space<vmem>> -> memref<1x128xi32, #tpu.memory_space<vmem>>
      %dma_wait3A_91 = tpu.memref_squeeze %dma_wait3A_90 : memref<1x128xi32, #tpu.memory_space<vmem>> -> memref<128xi32, #tpu.memory_space<vmem>>
      %dma_wait3A_92 = arith.constant 0 : i32
      %dma_wait3A_93 = tpu.memref_slice %arg4[%mul3A_2, %dma_wait3A_92] : memref<2560x128xi32, #tpu.memory_space<hbm>> -> memref<1x128xi32, #tpu.memory_space<hbm>>
      %dma_wait3A_94 = tpu.memref_squeeze %dma_wait3A_93 : memref<1x128xi32, #tpu.memory_space<hbm>> -> memref<128xi32, #tpu.memory_space<hbm>>
      tpu.wait_dma2 semaphore(%run_scoped3A_71 : memref<!tpu.dma_semaphore, #tpu.memory_space<semaphore_mem>>) src(%dma_wait3A_94 : memref<128xi32, #tpu.memory_space<hbm>>) dst(%dma_wait3A_91 : memref<128xi32, #tpu.memory_space<vmem>>)
      tpu.yield
    }) : () -> ()
    %lt3A = arith.constant 2 : i32
    %lt3A_8 = arith.cmpi slt, %arg1, %lt3A : i32
    %jit3A = arith.constant 1 : i32
    %jit3A_9 = arith.constant 0 : i32
    %select_n3A = arith.select %lt3A_8, %jit3A, %jit3A_9 : i32
    %add3A_10 = arith.constant 39 : i32
    %add3A_11 = arith.addi %add3A_10, %select_n3A : i32
    %while3A = arith.constant 0 : i32
    %while3A_12 = arith.constant 0 : i32
    %while3A_13 = arith.subi %add3A_11, %while3A_12 : i32
    %while3A_14 = arith.addi %while3A_12, %while3A_13 : i32
    %while3A_15 = arith.constant 1 : i32
    %while3A_16 = arith.divsi %while3A_13, %while3A_15 : i32
    %while3A_17 = arith.muli %while3A_16, %while3A_15 : i32
    %while3A_18 = arith.addi %while3A_12, %while3A_17 : i32
    %while3A_19 = arith.constant 1 : i32
    scf.for %while3A_71 = %while3A_12 to %while3A_18 step %while3A_19  : i32 {
      %mul3A_72 = arith.constant 16 : i32
      %mul3A_73 = arith.muli %while3A_71, %mul3A_72 : i32
      %add3A_74 = arith.addi %arg1, %mul3A_73 : i32
      %mul3A_75 = arith.constant 16 : i32
      %mul3A_76 = arith.muli %add3A_74, %mul3A_75 : i32
      "tpu.region"() ({
        %run_scoped3A_77 = tpu.sem_alloc : memref<!tpu.dma_semaphore, #tpu.memory_space<semaphore_mem>>
        %dma_start3A_78 = arith.constant 0 : i32
        %dma_start3A_79 = tpu.memref_slice %arg10[%mul3A_76, %dma_start3A_78] : memref<10016x128xf32, #tpu.memory_space<vmem_shared>> -> memref<16x128xf32, #tpu.memory_space<vmem_shared>>
        %dma_start3A_80 = arith.constant 0 : i32
        %dma_start3A_81 = tpu.memref_slice %arg10[%mul3A_76, %dma_start3A_80] : memref<10016x128xf32, #tpu.memory_space<vmem_shared>> -> memref<16x128xf32, #tpu.memory_space<vmem_shared>>
        tpu.enqueue_dma source(%arg9 : memref<16x128xf32, #tpu.memory_space<vmem>>) target(%dma_start3A_81 : memref<16x128xf32, #tpu.memory_space<vmem_shared>>) target_semaphore(%run_scoped3A_77 : memref<!tpu.dma_semaphore, #tpu.memory_space<semaphore_mem>>)
        %dma_wait3A = arith.constant 0 : i32
        %dma_wait3A_82 = tpu.memref_slice %arg10[%mul3A_76, %dma_wait3A] : memref<10016x128xf32, #tpu.memory_space<vmem_shared>> -> memref<16x128xf32, #tpu.memory_space<vmem_shared>>
        %dma_wait3A_83 = arith.constant 0 : i32
        %dma_wait3A_84 = tpu.memref_slice %arg10[%mul3A_76, %dma_wait3A_83] : memref<10016x128xf32, #tpu.memory_space<vmem_shared>> -> memref<16x128xf32, #tpu.memory_space<vmem_shared>>
        tpu.wait_dma2 semaphore(%run_scoped3A_77 : memref<!tpu.dma_semaphore, #tpu.memory_space<semaphore_mem>>) src(%arg9 : memref<16x128xf32, #tpu.memory_space<vmem>>) dst(%dma_wait3A_84 : memref<16x128xf32, #tpu.memory_space<vmem_shared>>)
        tpu.yield
      }) : () -> ()
    }
    %while3A_20 = arith.constant 1 : i32
    scf.for %while3A_71 = %while3A_18 to %while3A_14 step %while3A_20  : i32 {
      %mul3A_72 = arith.constant 16 : i32
      %mul3A_73 = arith.muli %while3A_71, %mul3A_72 : i32
      %add3A_74 = arith.addi %arg1, %mul3A_73 : i32
      %mul3A_75 = arith.constant 16 : i32
      %mul3A_76 = arith.muli %add3A_74, %mul3A_75 : i32
      "tpu.region"() ({
        %run_scoped3A_77 = tpu.sem_alloc : memref<!tpu.dma_semaphore, #tpu.memory_space<semaphore_mem>>
        %dma_start3A_78 = arith.constant 0 : i32
        %dma_start3A_79 = tpu.memref_slice %arg10[%mul3A_76, %dma_start3A_78] : memref<10016x128xf32, #tpu.memory_space<vmem_shared>> -> memref<16x128xf32, #tpu.memory_space<vmem_shared>>
        %dma_start3A_80 = arith.constant 0 : i32
        %dma_start3A_81 = tpu.memref_slice %arg10[%mul3A_76, %dma_start3A_80] : memref<10016x128xf32, #tpu.memory_space<vmem_shared>> -> memref<16x128xf32, #tpu.memory_space<vmem_shared>>
        tpu.enqueue_dma source(%arg9 : memref<16x128xf32, #tpu.memory_space<vmem>>) target(%dma_start3A_81 : memref<16x128xf32, #tpu.memory_space<vmem_shared>>) target_semaphore(%run_scoped3A_77 : memref<!tpu.dma_semaphore, #tpu.memory_space<semaphore_mem>>)
        %dma_wait3A = arith.constant 0 : i32
        %dma_wait3A_82 = tpu.memref_slice %arg10[%mul3A_76, %dma_wait3A] : memref<10016x128xf32, #tpu.memory_space<vmem_shared>> -> memref<16x128xf32, #tpu.memory_space<vmem_shared>>
        %dma_wait3A_83 = arith.constant 0 : i32
        %dma_wait3A_84 = tpu.memref_slice %arg10[%mul3A_76, %dma_wait3A_83] : memref<10016x128xf32, #tpu.memory_space<vmem_shared>> -> memref<16x128xf32, #tpu.memory_space<vmem_shared>>
        tpu.wait_dma2 semaphore(%run_scoped3A_77 : memref<!tpu.dma_semaphore, #tpu.memory_space<semaphore_mem>>) src(%arg9 : memref<16x128xf32, #tpu.memory_space<vmem>>) dst(%dma_wait3A_84 : memref<16x128xf32, #tpu.memory_space<vmem_shared>>)
        tpu.yield
      }) : () -> ()
    }
    %barrier3A = arith.constant 0 : index
    tpu.barrier barrier_id(%barrier3A)
    %dma_start3A = arith.constant 0 : i32
    %dma_start3A_21 = arith.constant 0 : i32
    %dma_start3A_22 = arith.constant 0 : i32
    %dma_start3A_23 = arith.constant 0 : i32
    %dma_start3A_24 = tpu.memref_slice %arg8[%dma_start3A_21, %dma_start3A_22, %dma_start3A_23] : memref<2x128x128xf32, #tpu.memory_space<vmem>> -> memref<1x128x128xf32, #tpu.memory_space<vmem>>
    %dma_start3A_25 = tpu.memref_squeeze %dma_start3A_24 : memref<1x128x128xf32, #tpu.memory_space<vmem>> -> memref<128x128xf32, #tpu.memory_space<vmem>>
    %dma_start3A_26 = arith.constant 0 : i32
    %dma_start3A_27 = tpu.memref_slice %arg6[%dma_start3A, %dma_start3A_26] : memref<80x128xi32, #tpu.memory_space<vmem>> -> memref<1x128xi32, #tpu.memory_space<vmem>>
    %dma_start3A_28 = tpu.memref_squeeze %dma_start3A_27 : memref<1x128xi32, #tpu.memory_space<vmem>> -> memref<128xi32, #tpu.memory_space<vmem>>
    %dma_start3A_29 = arith.constant 0 : i32
    %dma_start3A_30 = arith.constant 0 : i32
    %dma_start3A_31 = tpu.memref_slice %arg2[%dma_start3A_29, %dma_start3A_30] : memref<10016x128xf32, #tpu.memory_space<hbm>> -> memref<10016x128xf32, #tpu.memory_space<hbm>>
    tpu.enqueue_indirect_dma source(%dma_start3A_31 : memref<10016x128xf32, #tpu.memory_space<hbm>>) target(%dma_start3A_25 : memref<128x128xf32, #tpu.memory_space<vmem>>) offsets(%dma_start3A_28 : memref<128xi32, #tpu.memory_space<vmem>>) semaphore(%arg11 : memref<!tpu.dma_semaphore, #tpu.memory_space<semaphore_mem>>)
    %add3A_32 = arith.constant 1 : i32
    %add3A_33 = arith.addi %mul3A_2, %add3A_32 : i32
    %dma_start3A_34 = arith.constant 1 : i32
    %dma_start3A_35 = arith.constant 0 : i32
    %dma_start3A_36 = tpu.memref_slice %arg7[%dma_start3A_34, %dma_start3A_35] : memref<2x128xi32, #tpu.memory_space<vmem>> -> memref<1x128xi32, #tpu.memory_space<vmem>>
    %dma_start3A_37 = tpu.memref_squeeze %dma_start3A_36 : memref<1x128xi32, #tpu.memory_space<vmem>> -> memref<128xi32, #tpu.memory_space<vmem>>
    %dma_start3A_38 = arith.constant 0 : i32
    %dma_start3A_39 = tpu.memref_slice %arg4[%add3A_33, %dma_start3A_38] : memref<2560x128xi32, #tpu.memory_space<hbm>> -> memref<1x128xi32, #tpu.memory_space<hbm>>
    %dma_start3A_40 = tpu.memref_squeeze %dma_start3A_39 : memref<1x128xi32, #tpu.memory_space<hbm>> -> memref<128xi32, #tpu.memory_space<hbm>>
    %dma_start3A_41 = arith.constant 0 : i32
    %dma_start3A_42 = tpu.memref_slice %arg7[%dma_start3A_34, %dma_start3A_41] : memref<2x128xi32, #tpu.memory_space<vmem>> -> memref<1x128xi32, #tpu.memory_space<vmem>>
    %dma_start3A_43 = tpu.memref_squeeze %dma_start3A_42 : memref<1x128xi32, #tpu.memory_space<vmem>> -> memref<128xi32, #tpu.memory_space<vmem>>
    %dma_start3A_44 = arith.constant 0 : i32
    %dma_start3A_45 = tpu.memref_slice %arg4[%add3A_33, %dma_start3A_44] : memref<2560x128xi32, #tpu.memory_space<hbm>> -> memref<1x128xi32, #tpu.memory_space<hbm>>
    %dma_start3A_46 = tpu.memref_squeeze %dma_start3A_45 : memref<1x128xi32, #tpu.memory_space<hbm>> -> memref<128xi32, #tpu.memory_space<hbm>>
    tpu.enqueue_dma source(%dma_start3A_46 : memref<128xi32, #tpu.memory_space<hbm>>) target(%dma_start3A_43 : memref<128xi32, #tpu.memory_space<vmem>>) target_semaphore(%arg14 : memref<!tpu.dma_semaphore, #tpu.memory_space<semaphore_mem>>)
    %scan3A_47 = arith.constant 0 : i32
    %scan3A_48 = arith.constant 0 : i32
    %scan3A_49 = arith.constant 80 : i32
    %scan3A_50 = arith.addi %scan3A_48, %scan3A_49 : i32
    %scan3A_51 = arith.constant 1 : i32
    scf.for %scan3A_71 = %scan3A_48 to %scan3A_50 step %scan3A_51  : i32 {
      %jit3A_72 = arith.constant 2 : i32
      %eq3A = arith.constant 0 : i32
      %eq3A_73 = arith.cmpi eq, %jit3A_72, %eq3A : i32
      %jit3A_74 = arith.constant 1 : i32
      %select_n3A_75 = arith.select %eq3A_73, %jit3A_74, %jit3A_72 : i32
      %rem3A = arith.remsi %scan3A_71, %select_n3A_75 : i32
      %ne3A = arith.constant 0 : i32
      %ne3A_76 = arith.cmpi ne, %rem3A, %ne3A : i32
      %lt3A_77 = arith.constant 0 : i32
      %lt3A_78 = arith.cmpi slt, %rem3A, %lt3A_77 : i32
      %lt3A_79 = arith.constant 0 : i32
      %lt3A_80 = arith.cmpi slt, %select_n3A_75, %lt3A_79 : i32
      %ne3A_81 = arith.xori %lt3A_78, %lt3A_80 : i1
      %and3A = arith.andi %ne3A_81, %ne3A_76 : i1
      %add3A_82 = arith.addi %rem3A, %select_n3A_75 : i32
      %select_n3A_83 = arith.select %and3A, %add3A_82, %rem3A : i32
      %eq3A_84 = arith.constant 0 : i32
      %eq3A_85 = arith.cmpi eq, %select_n3A_83, %eq3A_84 : i32
      %convert_element_type3A = arith.extui %eq3A_85 : i1 to i32
      %cond3A = arith.constant 0 : i32
      %cond3A_86 = arith.cmpi ne, %convert_element_type3A, %cond3A : i32
      scf.if %cond3A_86 {
        %add3A_108 = arith.constant 1 : i32
        %add3A_109 = arith.addi %scan3A_71, %add3A_108 : i32
        %lt3A_110 = arith.constant 80 : i32
        %lt3A_111 = arith.cmpi slt, %add3A_109, %lt3A_110 : i32
        %convert_element_type3A_112 = arith.extui %lt3A_111 : i1 to i32
        %cond3A_113 = arith.constant 0 : i32
        %cond3A_114 = arith.cmpi ne, %convert_element_type3A_112, %cond3A_113 : i32
        scf.if %cond3A_114 {
          %add3A_138 = arith.constant 1 : i32
          %add3A_139 = arith.addi %scan3A_71, %add3A_138 : i32
          %dma_start3A_140 = arith.constant 1 : i32
          %dma_start3A_141 = arith.constant 0 : i32
          %dma_start3A_142 = arith.constant 0 : i32
          %dma_start3A_143 = tpu.memref_slice %arg8[%dma_start3A_140, %dma_start3A_141, %dma_start3A_142] : memref<2x128x128xf32, #tpu.memory_space<vmem>> -> memref<1x128x128xf32, #tpu.memory_space<vmem>>
          %dma_start3A_144 = tpu.memref_squeeze %dma_start3A_143 : memref<1x128x128xf32, #tpu.memory_space<vmem>> -> memref<128x128xf32, #tpu.memory_space<vmem>>
          %dma_start3A_145 = arith.constant 0 : i32
          %dma_start3A_146 = tpu.memref_slice %arg6[%add3A_139, %dma_start3A_145] : memref<80x128xi32, #tpu.memory_space<vmem>> -> memref<1x128xi32, #tpu.memory_space<vmem>>
          %dma_start3A_147 = tpu.memref_squeeze %dma_start3A_146 : memref<1x128xi32, #tpu.memory_space<vmem>> -> memref<128xi32, #tpu.memory_space<vmem>>
          %dma_start3A_148 = arith.constant 0 : i32
          %dma_start3A_149 = arith.constant 0 : i32
          %dma_start3A_150 = tpu.memref_slice %arg2[%dma_start3A_148, %dma_start3A_149] : memref<10016x128xf32, #tpu.memory_space<hbm>> -> memref<10016x128xf32, #tpu.memory_space<hbm>>
          tpu.enqueue_indirect_dma source(%dma_start3A_150 : memref<10016x128xf32, #tpu.memory_space<hbm>>) target(%dma_start3A_144 : memref<128x128xf32, #tpu.memory_space<vmem>>) offsets(%dma_start3A_147 : memref<128xi32, #tpu.memory_space<vmem>>) semaphore(%arg12 : memref<!tpu.dma_semaphore, #tpu.memory_space<semaphore_mem>>)
        } else {
        }
        %dma_wait3A = arith.constant 0 : i32
        %dma_wait3A_115 = arith.constant 0 : i32
        %dma_wait3A_116 = arith.constant 0 : i32
        %dma_wait3A_117 = tpu.memref_slice %arg8[%dma_wait3A, %dma_wait3A_115, %dma_wait3A_116] : memref<2x128x128xf32, #tpu.memory_space<vmem>> -> memref<1x128x128xf32, #tpu.memory_space<vmem>>
        %dma_wait3A_118 = tpu.memref_squeeze %dma_wait3A_117 : memref<1x128x128xf32, #tpu.memory_space<vmem>> -> memref<128x128xf32, #tpu.memory_space<vmem>>
        %dma_wait3A_119 = arith.constant 0 : i32
        %dma_wait3A_120 = tpu.memref_slice %arg6[%scan3A_71, %dma_wait3A_119] : memref<80x128xi32, #tpu.memory_space<vmem>> -> memref<1x128xi32, #tpu.memory_space<vmem>>
        %dma_wait3A_121 = tpu.memref_squeeze %dma_wait3A_120 : memref<1x128xi32, #tpu.memory_space<vmem>> -> memref<128xi32, #tpu.memory_space<vmem>>
        %dma_wait3A_122 = arith.constant 0 : i32
        %dma_wait3A_123 = arith.constant 0 : i32
        %dma_wait3A_124 = tpu.memref_slice %arg2[%dma_wait3A_122, %dma_wait3A_123] : memref<10016x128xf32, #tpu.memory_space<hbm>> -> memref<10016x128xf32, #tpu.memory_space<hbm>>
        tpu.wait_indirect_dma semaphore(%arg11 : memref<!tpu.dma_semaphore, #tpu.memory_space<semaphore_mem>>) src(%dma_wait3A_124 : memref<10016x128xf32, #tpu.memory_space<hbm>>) dst(%dma_wait3A_118 : memref<128x128xf32, #tpu.memory_space<vmem>>)
        %ge3A = arith.constant 1 : i32
        %ge3A_125 = arith.cmpi sge, %scan3A_71, %ge3A : i32
        %convert_element_type3A_126 = arith.extui %ge3A_125 : i1 to i32
        %cond3A_127 = arith.constant 0 : i32
        %cond3A_128 = arith.cmpi ne, %convert_element_type3A_126, %cond3A_127 : i32
        scf.if %cond3A_128 {
          %dma_wait3A_138 = arith.constant 0 : i32
          %dma_wait3A_139 = arith.constant 0 : i32
          %dma_wait3A_140 = tpu.memref_slice %arg7[%dma_wait3A_138, %dma_wait3A_139] : memref<2x128xi32, #tpu.memory_space<vmem>> -> memref<1x128xi32, #tpu.memory_space<vmem>>
          %dma_wait3A_141 = tpu.memref_squeeze %dma_wait3A_140 : memref<1x128xi32, #tpu.memory_space<vmem>> -> memref<128xi32, #tpu.memory_space<vmem>>
          %dma_wait3A_142 = arith.constant 0 : i32
          %dma_wait3A_143 = tpu.memref_slice %arg4[%mul3A_2, %dma_wait3A_142] : memref<2560x128xi32, #tpu.memory_space<hbm>> -> memref<1x128xi32, #tpu.memory_space<hbm>>
          %dma_wait3A_144 = tpu.memref_squeeze %dma_wait3A_143 : memref<1x128xi32, #tpu.memory_space<hbm>> -> memref<128xi32, #tpu.memory_space<hbm>>
          %dma_wait3A_145 = arith.constant 0 : i32
          %dma_wait3A_146 = tpu.memref_slice %arg7[%dma_wait3A_138, %dma_wait3A_145] : memref<2x128xi32, #tpu.memory_space<vmem>> -> memref<1x128xi32, #tpu.memory_space<vmem>>
          %dma_wait3A_147 = tpu.memref_squeeze %dma_wait3A_146 : memref<1x128xi32, #tpu.memory_space<vmem>> -> memref<128xi32, #tpu.memory_space<vmem>>
          %dma_wait3A_148 = arith.constant 0 : i32
          %dma_wait3A_149 = tpu.memref_slice %arg4[%mul3A_2, %dma_wait3A_148] : memref<2560x128xi32, #tpu.memory_space<hbm>> -> memref<1x128xi32, #tpu.memory_space<hbm>>
          %dma_wait3A_150 = tpu.memref_squeeze %dma_wait3A_149 : memref<1x128xi32, #tpu.memory_space<hbm>> -> memref<128xi32, #tpu.memory_space<hbm>>
          tpu.wait_dma2 semaphore(%arg13 : memref<!tpu.dma_semaphore, #tpu.memory_space<semaphore_mem>>) src(%dma_wait3A_150 : memref<128xi32, #tpu.memory_space<hbm>>) dst(%dma_wait3A_147 : memref<128xi32, #tpu.memory_space<vmem>>)
        } else {
        }
        %run_scoped3A_129 = arith.constant 0 : i32
        %run_scoped3A_130 = arith.constant 0 : i32
        "tpu.region"() ({
          %run_scoped3A_138 = tpu.sem_alloc : memref<!tpu.dma_semaphore, #tpu.memory_space<semaphore_mem>>
          %dma_start3A_139 = arith.constant 0 : i32
          %dma_start3A_140 = arith.constant 0 : i32
          %dma_start3A_141 = tpu.memref_slice %arg8[%run_scoped3A_129, %dma_start3A_139, %dma_start3A_140] : memref<2x128x128xf32, #tpu.memory_space<vmem>> -> memref<1x128x128xf32, #tpu.memory_space<vmem>>
          %dma_start3A_142 = tpu.memref_squeeze %dma_start3A_141 : memref<1x128x128xf32, #tpu.memory_space<vmem>> -> memref<128x128xf32, #tpu.memory_space<vmem>>
          %dma_start3A_143 = arith.constant 0 : i32
          %dma_start3A_144 = tpu.memref_slice %arg7[%run_scoped3A_130, %dma_start3A_143] : memref<2x128xi32, #tpu.memory_space<vmem>> -> memref<1x128xi32, #tpu.memory_space<vmem>>
          %dma_start3A_145 = tpu.memref_squeeze %dma_start3A_144 : memref<1x128xi32, #tpu.memory_space<vmem>> -> memref<128xi32, #tpu.memory_space<vmem>>
          %dma_start3A_146 = arith.constant 0 : i32
          %dma_start3A_147 = arith.constant 0 : i32
          %dma_start3A_148 = tpu.memref_slice %arg10[%dma_start3A_146, %dma_start3A_147] : memref<10016x128xf32, #tpu.memory_space<vmem_shared>> -> memref<10016x128xf32, #tpu.memory_space<vmem_shared>>
          tpu.enqueue_indirect_dma source(%dma_start3A_142 : memref<128x128xf32, #tpu.memory_space<vmem>>) target(%dma_start3A_148 : memref<10016x128xf32, #tpu.memory_space<vmem_shared>>) offsets(%dma_start3A_145 : memref<128xi32, #tpu.memory_space<vmem>>) semaphore(%run_scoped3A_138 : memref<!tpu.dma_semaphore, #tpu.memory_space<semaphore_mem>>) {add = true}
          %dma_wait3A_149 = arith.constant 0 : i32
          %dma_wait3A_150 = arith.constant 0 : i32
          %dma_wait3A_151 = tpu.memref_slice %arg8[%run_scoped3A_129, %dma_wait3A_149, %dma_wait3A_150] : memref<2x128x128xf32, #tpu.memory_space<vmem>> -> memref<1x128x128xf32, #tpu.memory_space<vmem>>
          %dma_wait3A_152 = tpu.memref_squeeze %dma_wait3A_151 : memref<1x128x128xf32, #tpu.memory_space<vmem>> -> memref<128x128xf32, #tpu.memory_space<vmem>>
          %dma_wait3A_153 = arith.constant 0 : i32
          %dma_wait3A_154 = tpu.memref_slice %arg7[%run_scoped3A_130, %dma_wait3A_153] : memref<2x128xi32, #tpu.memory_space<vmem>> -> memref<1x128xi32, #tpu.memory_space<vmem>>
          %dma_wait3A_155 = tpu.memref_squeeze %dma_wait3A_154 : memref<1x128xi32, #tpu.memory_space<vmem>> -> memref<128xi32, #tpu.memory_space<vmem>>
          %dma_wait3A_156 = arith.constant 0 : i32
          %dma_wait3A_157 = arith.constant 0 : i32
          %dma_wait3A_158 = tpu.memref_slice %arg10[%dma_wait3A_156, %dma_wait3A_157] : memref<10016x128xf32, #tpu.memory_space<vmem_shared>> -> memref<10016x128xf32, #tpu.memory_space<vmem_shared>>
          tpu.wait_indirect_dma semaphore(%run_scoped3A_138 : memref<!tpu.dma_semaphore, #tpu.memory_space<semaphore_mem>>) src(%dma_wait3A_152 : memref<128x128xf32, #tpu.memory_space<vmem>>) dst(%dma_wait3A_158 : memref<10016x128xf32, #tpu.memory_space<vmem_shared>>)
          tpu.yield
        }) : () -> ()
        %add3A_131 = arith.constant 2 : i32
        %add3A_132 = arith.addi %scan3A_71, %add3A_131 : i32
        %lt3A_133 = arith.constant 80 : i32
        %lt3A_134 = arith.cmpi slt, %add3A_132, %lt3A_133 : i32
        %convert_element_type3A_135 = arith.extui %lt3A_134 : i1 to i32
        %cond3A_136 = arith.constant 0 : i32
        %cond3A_137 = arith.cmpi ne, %convert_element_type3A_135, %cond3A_136 : i32
        scf.if %cond3A_137 {
          %add3A_138 = arith.addi %mul3A_2, %scan3A_71 : i32
          %add3A_139 = arith.constant 2 : i32
          %add3A_140 = arith.addi %add3A_138, %add3A_139 : i32
          %dma_start3A_141 = arith.constant 0 : i32
          %dma_start3A_142 = arith.constant 0 : i32
          %dma_start3A_143 = tpu.memref_slice %arg7[%dma_start3A_141, %dma_start3A_142] : memref<2x128xi32, #tpu.memory_space<vmem>> -> memref<1x128xi32, #tpu.memory_space<vmem>>
          %dma_start3A_144 = tpu.memref_squeeze %dma_start3A_143 : memref<1x128xi32, #tpu.memory_space<vmem>> -> memref<128xi32, #tpu.memory_space<vmem>>
          %dma_start3A_145 = arith.constant 0 : i32
          %dma_start3A_146 = tpu.memref_slice %arg4[%add3A_140, %dma_start3A_145] : memref<2560x128xi32, #tpu.memory_space<hbm>> -> memref<1x128xi32, #tpu.memory_space<hbm>>
          %dma_start3A_147 = tpu.memref_squeeze %dma_start3A_146 : memref<1x128xi32, #tpu.memory_space<hbm>> -> memref<128xi32, #tpu.memory_space<hbm>>
          %dma_start3A_148 = arith.constant 0 : i32
          %dma_start3A_149 = tpu.memref_slice %arg7[%dma_start3A_141, %dma_start3A_148] : memref<2x128xi32, #tpu.memory_space<vmem>> -> memref<1x128xi32, #tpu.memory_space<vmem>>
          %dma_start3A_150 = tpu.memref_squeeze %dma_start3A_149 : memref<1x128xi32, #tpu.memory_space<vmem>> -> memref<128xi32, #tpu.memory_space<vmem>>
          %dma_start3A_151 = arith.constant 0 : i32
          %dma_start3A_152 = tpu.memref_slice %arg4[%add3A_140, %dma_start3A_151] : memref<2560x128xi32, #tpu.memory_space<hbm>> -> memref<1x128xi32, #tpu.memory_space<hbm>>
          %dma_start3A_153 = tpu.memref_squeeze %dma_start3A_152 : memref<1x128xi32, #tpu.memory_space<hbm>> -> memref<128xi32, #tpu.memory_space<hbm>>
          tpu.enqueue_dma source(%dma_start3A_153 : memref<128xi32, #tpu.memory_space<hbm>>) target(%dma_start3A_150 : memref<128xi32, #tpu.memory_space<vmem>>) target_semaphore(%arg13 : memref<!tpu.dma_semaphore, #tpu.memory_space<semaphore_mem>>)
        } else {
        }
      } else {
      }
      %jit3A_87 = arith.constant 2 : i32
      %eq3A_88 = arith.constant 0 : i32
      %eq3A_89 = arith.cmpi eq, %jit3A_87, %eq3A_88 : i32
      %jit3A_90 = arith.constant 1 : i32
      %select_n3A_91 = arith.select %eq3A_89, %jit3A_90, %jit3A_87 : i32
      %rem3A_92 = arith.remsi %scan3A_71, %select_n3A_91 : i32
      %ne3A_93 = arith.constant 0 : i32
      %ne3A_94 = arith.cmpi ne, %rem3A_92, %ne3A_93 : i32
      %lt3A_95 = arith.constant 0 : i32
      %lt3A_96 = arith.cmpi slt, %rem3A_92, %lt3A_95 : i32
      %lt3A_97 = arith.constant 0 : i32
      %lt3A_98 = arith.cmpi slt, %select_n3A_91, %lt3A_97 : i32
      %ne3A_99 = arith.xori %lt3A_96, %lt3A_98 : i1
      %and3A_100 = arith.andi %ne3A_99, %ne3A_94 : i1
      %add3A_101 = arith.addi %rem3A_92, %select_n3A_91 : i32
      %select_n3A_102 = arith.select %and3A_100, %add3A_101, %rem3A_92 : i32
      %eq3A_103 = arith.constant 1 : i32
      %eq3A_104 = arith.cmpi eq, %select_n3A_102, %eq3A_103 : i32
      %convert_element_type3A_105 = arith.extui %eq3A_104 : i1 to i32
      %cond3A_106 = arith.constant 0 : i32
      %cond3A_107 = arith.cmpi ne, %convert_element_type3A_105, %cond3A_106 : i32
      scf.if %cond3A_107 {
        %add3A_108 = arith.constant 1 : i32
        %add3A_109 = arith.addi %scan3A_71, %add3A_108 : i32
        %lt3A_110 = arith.constant 80 : i32
        %lt3A_111 = arith.cmpi slt, %add3A_109, %lt3A_110 : i32
        %convert_element_type3A_112 = arith.extui %lt3A_111 : i1 to i32
        %cond3A_113 = arith.constant 0 : i32
        %cond3A_114 = arith.cmpi ne, %convert_element_type3A_112, %cond3A_113 : i32
        scf.if %cond3A_114 {
          %add3A_138 = arith.constant 1 : i32
          %add3A_139 = arith.addi %scan3A_71, %add3A_138 : i32
          %dma_start3A_140 = arith.constant 0 : i32
          %dma_start3A_141 = arith.constant 0 : i32
          %dma_start3A_142 = arith.constant 0 : i32
          %dma_start3A_143 = tpu.memref_slice %arg8[%dma_start3A_140, %dma_start3A_141, %dma_start3A_142] : memref<2x128x128xf32, #tpu.memory_space<vmem>> -> memref<1x128x128xf32, #tpu.memory_space<vmem>>
          %dma_start3A_144 = tpu.memref_squeeze %dma_start3A_143 : memref<1x128x128xf32, #tpu.memory_space<vmem>> -> memref<128x128xf32, #tpu.memory_space<vmem>>
          %dma_start3A_145 = arith.constant 0 : i32
          %dma_start3A_146 = tpu.memref_slice %arg6[%add3A_139, %dma_start3A_145] : memref<80x128xi32, #tpu.memory_space<vmem>> -> memref<1x128xi32, #tpu.memory_space<vmem>>
          %dma_start3A_147 = tpu.memref_squeeze %dma_start3A_146 : memref<1x128xi32, #tpu.memory_space<vmem>> -> memref<128xi32, #tpu.memory_space<vmem>>
          %dma_start3A_148 = arith.constant 0 : i32
          %dma_start3A_149 = arith.constant 0 : i32
          %dma_start3A_150 = tpu.memref_slice %arg2[%dma_start3A_148, %dma_start3A_149] : memref<10016x128xf32, #tpu.memory_space<hbm>> -> memref<10016x128xf32, #tpu.memory_space<hbm>>
          tpu.enqueue_indirect_dma source(%dma_start3A_150 : memref<10016x128xf32, #tpu.memory_space<hbm>>) target(%dma_start3A_144 : memref<128x128xf32, #tpu.memory_space<vmem>>) offsets(%dma_start3A_147 : memref<128xi32, #tpu.memory_space<vmem>>) semaphore(%arg11 : memref<!tpu.dma_semaphore, #tpu.memory_space<semaphore_mem>>)
        } else {
        }
        %dma_wait3A = arith.constant 1 : i32
        %dma_wait3A_115 = arith.constant 0 : i32
        %dma_wait3A_116 = arith.constant 0 : i32
        %dma_wait3A_117 = tpu.memref_slice %arg8[%dma_wait3A, %dma_wait3A_115, %dma_wait3A_116] : memref<2x128x128xf32, #tpu.memory_space<vmem>> -> memref<1x128x128xf32, #tpu.memory_space<vmem>>
        %dma_wait3A_118 = tpu.memref_squeeze %dma_wait3A_117 : memref<1x128x128xf32, #tpu.memory_space<vmem>> -> memref<128x128xf32, #tpu.memory_space<vmem>>
        %dma_wait3A_119 = arith.constant 0 : i32
        %dma_wait3A_120 = tpu.memref_slice %arg6[%scan3A_71, %dma_wait3A_119] : memref<80x128xi32, #tpu.memory_space<vmem>> -> memref<1x128xi32, #tpu.memory_space<vmem>>
        %dma_wait3A_121 = tpu.memref_squeeze %dma_wait3A_120 : memref<1x128xi32, #tpu.memory_space<vmem>> -> memref<128xi32, #tpu.memory_space<vmem>>
        %dma_wait3A_122 = arith.constant 0 : i32
        %dma_wait3A_123 = arith.constant 0 : i32
        %dma_wait3A_124 = tpu.memref_slice %arg2[%dma_wait3A_122, %dma_wait3A_123] : memref<10016x128xf32, #tpu.memory_space<hbm>> -> memref<10016x128xf32, #tpu.memory_space<hbm>>
        tpu.wait_indirect_dma semaphore(%arg12 : memref<!tpu.dma_semaphore, #tpu.memory_space<semaphore_mem>>) src(%dma_wait3A_124 : memref<10016x128xf32, #tpu.memory_space<hbm>>) dst(%dma_wait3A_118 : memref<128x128xf32, #tpu.memory_space<vmem>>)
        %ge3A = arith.constant 1 : i32
        %ge3A_125 = arith.cmpi sge, %scan3A_71, %ge3A : i32
        %convert_element_type3A_126 = arith.extui %ge3A_125 : i1 to i32
        %cond3A_127 = arith.constant 0 : i32
        %cond3A_128 = arith.cmpi ne, %convert_element_type3A_126, %cond3A_127 : i32
        scf.if %cond3A_128 {
          %dma_wait3A_138 = arith.constant 1 : i32
          %dma_wait3A_139 = arith.constant 0 : i32
          %dma_wait3A_140 = tpu.memref_slice %arg7[%dma_wait3A_138, %dma_wait3A_139] : memref<2x128xi32, #tpu.memory_space<vmem>> -> memref<1x128xi32, #tpu.memory_space<vmem>>
          %dma_wait3A_141 = tpu.memref_squeeze %dma_wait3A_140 : memref<1x128xi32, #tpu.memory_space<vmem>> -> memref<128xi32, #tpu.memory_space<vmem>>
          %dma_wait3A_142 = arith.constant 0 : i32
          %dma_wait3A_143 = tpu.memref_slice %arg4[%mul3A_2, %dma_wait3A_142] : memref<2560x128xi32, #tpu.memory_space<hbm>> -> memref<1x128xi32, #tpu.memory_space<hbm>>
          %dma_wait3A_144 = tpu.memref_squeeze %dma_wait3A_143 : memref<1x128xi32, #tpu.memory_space<hbm>> -> memref<128xi32, #tpu.memory_space<hbm>>
          %dma_wait3A_145 = arith.constant 0 : i32
          %dma_wait3A_146 = tpu.memref_slice %arg7[%dma_wait3A_138, %dma_wait3A_145] : memref<2x128xi32, #tpu.memory_space<vmem>> -> memref<1x128xi32, #tpu.memory_space<vmem>>
          %dma_wait3A_147 = tpu.memref_squeeze %dma_wait3A_146 : memref<1x128xi32, #tpu.memory_space<vmem>> -> memref<128xi32, #tpu.memory_space<vmem>>
          %dma_wait3A_148 = arith.constant 0 : i32
          %dma_wait3A_149 = tpu.memref_slice %arg4[%mul3A_2, %dma_wait3A_148] : memref<2560x128xi32, #tpu.memory_space<hbm>> -> memref<1x128xi32, #tpu.memory_space<hbm>>
          %dma_wait3A_150 = tpu.memref_squeeze %dma_wait3A_149 : memref<1x128xi32, #tpu.memory_space<hbm>> -> memref<128xi32, #tpu.memory_space<hbm>>
          tpu.wait_dma2 semaphore(%arg14 : memref<!tpu.dma_semaphore, #tpu.memory_space<semaphore_mem>>) src(%dma_wait3A_150 : memref<128xi32, #tpu.memory_space<hbm>>) dst(%dma_wait3A_147 : memref<128xi32, #tpu.memory_space<vmem>>)
        } else {
        }
        %run_scoped3A_129 = arith.constant 1 : i32
        %run_scoped3A_130 = arith.constant 1 : i32
        "tpu.region"() ({
          %run_scoped3A_138 = tpu.sem_alloc : memref<!tpu.dma_semaphore, #tpu.memory_space<semaphore_mem>>
          %dma_start3A_139 = arith.constant 0 : i32
          %dma_start3A_140 = arith.constant 0 : i32
          %dma_start3A_141 = tpu.memref_slice %arg8[%run_scoped3A_129, %dma_start3A_139, %dma_start3A_140] : memref<2x128x128xf32, #tpu.memory_space<vmem>> -> memref<1x128x128xf32, #tpu.memory_space<vmem>>
          %dma_start3A_142 = tpu.memref_squeeze %dma_start3A_141 : memref<1x128x128xf32, #tpu.memory_space<vmem>> -> memref<128x128xf32, #tpu.memory_space<vmem>>
          %dma_start3A_143 = arith.constant 0 : i32
          %dma_start3A_144 = tpu.memref_slice %arg7[%run_scoped3A_130, %dma_start3A_143] : memref<2x128xi32, #tpu.memory_space<vmem>> -> memref<1x128xi32, #tpu.memory_space<vmem>>
          %dma_start3A_145 = tpu.memref_squeeze %dma_start3A_144 : memref<1x128xi32, #tpu.memory_space<vmem>> -> memref<128xi32, #tpu.memory_space<vmem>>
          %dma_start3A_146 = arith.constant 0 : i32
          %dma_start3A_147 = arith.constant 0 : i32
          %dma_start3A_148 = tpu.memref_slice %arg10[%dma_start3A_146, %dma_start3A_147] : memref<10016x128xf32, #tpu.memory_space<vmem_shared>> -> memref<10016x128xf32, #tpu.memory_space<vmem_shared>>
          tpu.enqueue_indirect_dma source(%dma_start3A_142 : memref<128x128xf32, #tpu.memory_space<vmem>>) target(%dma_start3A_148 : memref<10016x128xf32, #tpu.memory_space<vmem_shared>>) offsets(%dma_start3A_145 : memref<128xi32, #tpu.memory_space<vmem>>) semaphore(%run_scoped3A_138 : memref<!tpu.dma_semaphore, #tpu.memory_space<semaphore_mem>>) {add = true}
          %dma_wait3A_149 = arith.constant 0 : i32
          %dma_wait3A_150 = arith.constant 0 : i32
          %dma_wait3A_151 = tpu.memref_slice %arg8[%run_scoped3A_129, %dma_wait3A_149, %dma_wait3A_150] : memref<2x128x128xf32, #tpu.memory_space<vmem>> -> memref<1x128x128xf32, #tpu.memory_space<vmem>>
          %dma_wait3A_152 = tpu.memref_squeeze %dma_wait3A_151 : memref<1x128x128xf32, #tpu.memory_space<vmem>> -> memref<128x128xf32, #tpu.memory_space<vmem>>
          %dma_wait3A_153 = arith.constant 0 : i32
          %dma_wait3A_154 = tpu.memref_slice %arg7[%run_scoped3A_130, %dma_wait3A_153] : memref<2x128xi32, #tpu.memory_space<vmem>> -> memref<1x128xi32, #tpu.memory_space<vmem>>
          %dma_wait3A_155 = tpu.memref_squeeze %dma_wait3A_154 : memref<1x128xi32, #tpu.memory_space<vmem>> -> memref<128xi32, #tpu.memory_space<vmem>>
          %dma_wait3A_156 = arith.constant 0 : i32
          %dma_wait3A_157 = arith.constant 0 : i32
          %dma_wait3A_158 = tpu.memref_slice %arg10[%dma_wait3A_156, %dma_wait3A_157] : memref<10016x128xf32, #tpu.memory_space<vmem_shared>> -> memref<10016x128xf32, #tpu.memory_space<vmem_shared>>
          tpu.wait_indirect_dma semaphore(%run_scoped3A_138 : memref<!tpu.dma_semaphore, #tpu.memory_space<semaphore_mem>>) src(%dma_wait3A_152 : memref<128x128xf32, #tpu.memory_space<vmem>>) dst(%dma_wait3A_158 : memref<10016x128xf32, #tpu.memory_space<vmem_shared>>)
          tpu.yield
        }) : () -> ()
        %add3A_131 = arith.constant 2 : i32
        %add3A_132 = arith.addi %scan3A_71, %add3A_131 : i32
        %lt3A_133 = arith.constant 80 : i32
        %lt3A_134 = arith.cmpi slt, %add3A_132, %lt3A_133 : i32
        %convert_element_type3A_135 = arith.extui %lt3A_134 : i1 to i32
        %cond3A_136 = arith.constant 0 : i32
        %cond3A_137 = arith.cmpi ne, %convert_element_type3A_135, %cond3A_136 : i32
        scf.if %cond3A_137 {
          %add3A_138 = arith.addi %mul3A_2, %scan3A_71 : i32
          %add3A_139 = arith.constant 2 : i32
          %add3A_140 = arith.addi %add3A_138, %add3A_139 : i32
          %dma_start3A_141 = arith.constant 1 : i32
          %dma_start3A_142 = arith.constant 0 : i32
          %dma_start3A_143 = tpu.memref_slice %arg7[%dma_start3A_141, %dma_start3A_142] : memref<2x128xi32, #tpu.memory_space<vmem>> -> memref<1x128xi32, #tpu.memory_space<vmem>>
          %dma_start3A_144 = tpu.memref_squeeze %dma_start3A_143 : memref<1x128xi32, #tpu.memory_space<vmem>> -> memref<128xi32, #tpu.memory_space<vmem>>
          %dma_start3A_145 = arith.constant 0 : i32
          %dma_start3A_146 = tpu.memref_slice %arg4[%add3A_140, %dma_start3A_145] : memref<2560x128xi32, #tpu.memory_space<hbm>> -> memref<1x128xi32, #tpu.memory_space<hbm>>
          %dma_start3A_147 = tpu.memref_squeeze %dma_start3A_146 : memref<1x128xi32, #tpu.memory_space<hbm>> -> memref<128xi32, #tpu.memory_space<hbm>>
          %dma_start3A_148 = arith.constant 0 : i32
          %dma_start3A_149 = tpu.memref_slice %arg7[%dma_start3A_141, %dma_start3A_148] : memref<2x128xi32, #tpu.memory_space<vmem>> -> memref<1x128xi32, #tpu.memory_space<vmem>>
          %dma_start3A_150 = tpu.memref_squeeze %dma_start3A_149 : memref<1x128xi32, #tpu.memory_space<vmem>> -> memref<128xi32, #tpu.memory_space<vmem>>
          %dma_start3A_151 = arith.constant 0 : i32
          %dma_start3A_152 = tpu.memref_slice %arg4[%add3A_140, %dma_start3A_151] : memref<2560x128xi32, #tpu.memory_space<hbm>> -> memref<1x128xi32, #tpu.memory_space<hbm>>
          %dma_start3A_153 = tpu.memref_squeeze %dma_start3A_152 : memref<1x128xi32, #tpu.memory_space<hbm>> -> memref<128xi32, #tpu.memory_space<hbm>>
          tpu.enqueue_dma source(%dma_start3A_153 : memref<128xi32, #tpu.memory_space<hbm>>) target(%dma_start3A_150 : memref<128xi32, #tpu.memory_space<vmem>>) target_semaphore(%arg14 : memref<!tpu.dma_semaphore, #tpu.memory_space<semaphore_mem>>)
        } else {
        }
      } else {
      }
    }
    %scan3A_52 = arith.constant 80 : i32
    %barrier3A_53 = arith.constant 0 : index
    tpu.barrier barrier_id(%barrier3A_53)
    %lt3A_54 = arith.constant 2 : i32
    %lt3A_55 = arith.cmpi slt, %arg1, %lt3A_54 : i32
    %jit3A_56 = arith.constant 1 : i32
    %jit3A_57 = arith.constant 0 : i32
    %select_n3A_58 = arith.select %lt3A_55, %jit3A_56, %jit3A_57 : i32
    %add3A_59 = arith.constant 39 : i32
    %add3A_60 = arith.addi %add3A_59, %select_n3A_58 : i32
    %while3A_61 = arith.constant 0 : i32
    %while3A_62 = arith.constant 0 : i32
    %while3A_63 = arith.subi %add3A_60, %while3A_62 : i32
    %while3A_64 = arith.addi %while3A_62, %while3A_63 : i32
    %while3A_65 = arith.constant 1 : i32
    %while3A_66 = arith.divsi %while3A_63, %while3A_65 : i32
    %while3A_67 = arith.muli %while3A_66, %while3A_65 : i32
    %while3A_68 = arith.addi %while3A_62, %while3A_67 : i32
    %while3A_69 = arith.constant 1 : i32
    scf.for %while3A_71 = %while3A_62 to %while3A_68 step %while3A_69  : i32 {
      %mul3A_72 = arith.constant 16 : i32
      %mul3A_73 = arith.muli %while3A_71, %mul3A_72 : i32
      %add3A_74 = arith.addi %arg1, %mul3A_73 : i32
      %mul3A_75 = arith.constant 16 : i32
      %mul3A_76 = arith.muli %add3A_74, %mul3A_75 : i32
      "tpu.region"() ({
        %run_scoped3A_77 = tpu.sem_alloc : memref<!tpu.dma_semaphore, #tpu.memory_space<semaphore_mem>>
        %dma_start3A_78 = arith.constant 0 : i32
        %dma_start3A_79 = tpu.memref_slice %arg5[%arg0, %mul3A_76, %dma_start3A_78] : memref<2x10016x128xf32, #tpu.memory_space<hbm>> -> memref<1x16x128xf32, #tpu.memory_space<hbm>>
        %dma_start3A_80 = tpu.memref_squeeze %dma_start3A_79 : memref<1x16x128xf32, #tpu.memory_space<hbm>> -> memref<16x128xf32, #tpu.memory_space<hbm>>
        %dma_start3A_81 = arith.constant 0 : i32
        %dma_start3A_82 = tpu.memref_slice %arg10[%mul3A_76, %dma_start3A_81] : memref<10016x128xf32, #tpu.memory_space<vmem_shared>> -> memref<16x128xf32, #tpu.memory_space<vmem_shared>>
        tpu.enqueue_dma source(%dma_start3A_82 : memref<16x128xf32, #tpu.memory_space<vmem_shared>>) target(%dma_start3A_80 : memref<16x128xf32, #tpu.memory_space<hbm>>) target_semaphore(%run_scoped3A_77 : memref<!tpu.dma_semaphore, #tpu.memory_space<semaphore_mem>>)
        %dma_wait3A = arith.constant 0 : i32
        %dma_wait3A_83 = tpu.memref_slice %arg5[%arg0, %mul3A_76, %dma_wait3A] : memref<2x10016x128xf32, #tpu.memory_space<hbm>> -> memref<1x16x128xf32, #tpu.memory_space<hbm>>
        %dma_wait3A_84 = tpu.memref_squeeze %dma_wait3A_83 : memref<1x16x128xf32, #tpu.memory_space<hbm>> -> memref<16x128xf32, #tpu.memory_space<hbm>>
        %dma_wait3A_85 = arith.constant 0 : i32
        %dma_wait3A_86 = tpu.memref_slice %arg10[%mul3A_76, %dma_wait3A_85] : memref<10016x128xf32, #tpu.memory_space<vmem_shared>> -> memref<16x128xf32, #tpu.memory_space<vmem_shared>>
        tpu.wait_dma2 semaphore(%run_scoped3A_77 : memref<!tpu.dma_semaphore, #tpu.memory_space<semaphore_mem>>) src(%dma_wait3A_86 : memref<16x128xf32, #tpu.memory_space<vmem_shared>>) dst(%dma_wait3A_84 : memref<16x128xf32, #tpu.memory_space<hbm>>)
        tpu.yield
      }) : () -> ()
    }
    %while3A_70 = arith.constant 1 : i32
    scf.for %while3A_71 = %while3A_68 to %while3A_64 step %while3A_70  : i32 {
      %mul3A_72 = arith.constant 16 : i32
      %mul3A_73 = arith.muli %while3A_71, %mul3A_72 : i32
      %add3A_74 = arith.addi %arg1, %mul3A_73 : i32
      %mul3A_75 = arith.constant 16 : i32
      %mul3A_76 = arith.muli %add3A_74, %mul3A_75 : i32
      "tpu.region"() ({
        %run_scoped3A_77 = tpu.sem_alloc : memref<!tpu.dma_semaphore, #tpu.memory_space<semaphore_mem>>
        %dma_start3A_78 = arith.constant 0 : i32
        %dma_start3A_79 = tpu.memref_slice %arg5[%arg0, %mul3A_76, %dma_start3A_78] : memref<2x10016x128xf32, #tpu.memory_space<hbm>> -> memref<1x16x128xf32, #tpu.memory_space<hbm>>
        %dma_start3A_80 = tpu.memref_squeeze %dma_start3A_79 : memref<1x16x128xf32, #tpu.memory_space<hbm>> -> memref<16x128xf32, #tpu.memory_space<hbm>>
        %dma_start3A_81 = arith.constant 0 : i32
        %dma_start3A_82 = tpu.memref_slice %arg10[%mul3A_76, %dma_start3A_81] : memref<10016x128xf32, #tpu.memory_space<vmem_shared>> -> memref<16x128xf32, #tpu.memory_space<vmem_shared>>
        tpu.enqueue_dma source(%dma_start3A_82 : memref<16x128xf32, #tpu.memory_space<vmem_shared>>) target(%dma_start3A_80 : memref<16x128xf32, #tpu.memory_space<hbm>>) target_semaphore(%run_scoped3A_77 : memref<!tpu.dma_semaphore, #tpu.memory_space<semaphore_mem>>)
        %dma_wait3A = arith.constant 0 : i32
        %dma_wait3A_83 = tpu.memref_slice %arg5[%arg0, %mul3A_76, %dma_wait3A] : memref<2x10016x128xf32, #tpu.memory_space<hbm>> -> memref<1x16x128xf32, #tpu.memory_space<hbm>>
        %dma_wait3A_84 = tpu.memref_squeeze %dma_wait3A_83 : memref<1x16x128xf32, #tpu.memory_space<hbm>> -> memref<16x128xf32, #tpu.memory_space<hbm>>
        %dma_wait3A_85 = arith.constant 0 : i32
        %dma_wait3A_86 = tpu.memref_slice %arg10[%mul3A_76, %dma_wait3A_85] : memref<10016x128xf32, #tpu.memory_space<vmem_shared>> -> memref<16x128xf32, #tpu.memory_space<vmem_shared>>
        tpu.wait_dma2 semaphore(%run_scoped3A_77 : memref<!tpu.dma_semaphore, #tpu.memory_space<semaphore_mem>>) src(%dma_wait3A_86 : memref<16x128xf32, #tpu.memory_space<vmem_shared>>) dst(%dma_wait3A_84 : memref<16x128xf32, #tpu.memory_space<hbm>>)
        tpu.yield
      }) : () -> ()
    }
    return
  }
}

#map = affine_map<(d0, d1) -> (0, 0)>
#map1 = affine_map<(d0, d1) -> (0, 0, 0, 0)>
module attributes {stable_mosaic.version = 14 : i64} {
  func.func @_sc_degrees(%arg0: i32, %arg1: i32, %arg2: memref<2560x128xi32, #tpu.memory_space<hbm>>, %arg3: memref<2560x128xi32, #tpu.memory_space<hbm>>, %arg4: memref<2x2x10016x16xf32, #tpu.memory_space<hbm>>, %arg5: memref<80x128xi32, #tpu.memory_space<vmem>>, %arg6: memref<80x128xi32, #tpu.memory_space<vmem>>, %arg7: memref<128x16xf32, #tpu.memory_space<vmem>>, %arg8: memref<16x16xf32, #tpu.memory_space<vmem>>, %arg9: memref<10016x16xf32, #tpu.memory_space<vmem_shared>>, %arg10: memref<10016x16xf32, #tpu.memory_space<vmem_shared>>, %arg11: memref<!tpu.dma_semaphore, #tpu.memory_space<semaphore_mem>>) attributes {dimension_semantics = [#tpu.dimension_semantics<core_parallel>, #tpu.dimension_semantics<subcore_parallel>], iteration_bounds = array<i64: 2, 16>, scalar_prefetch = 0 : i64, scratch_operands = 7 : i64, tpu.core_type = #tpu.core_type<sc_vector_subcore>, window_params = [{transform_indices = #map}, {transform_indices = #map}, {transform_indices = #map1}]} {
    %mul3A = arith.constant 2 : i32
    %mul3A_0 = arith.muli %arg1, %mul3A : i32
    %add3A = arith.addi %mul3A_0, %arg0 : i32
    %scan3A = arith.constant 0 : i32
    %scan3A_1 = arith.constant 0 : i32
    %scan3A_2 = arith.constant 128 : i32
    %scan3A_3 = arith.addi %scan3A_1, %scan3A_2 : i32
    %scan3A_4 = arith.constant 1 : i32
    scf.for %scan3A_57 = %scan3A_1 to %scan3A_3 step %scan3A_4  : i32 {
      %broadcast_in_dim3A = arith.constant 1.000000e+00 : f32
      %broadcast_in_dim3A_58 = vector.broadcast %broadcast_in_dim3A : f32 to vector<16xf32>
      %swap3A = arith.index_cast %scan3A_57 : i32 to index
      %swap3A_59 = arith.constant 0 : index
      %swap3A_60 = tpu.vector_load %arg7[%swap3A, %swap3A_59] {strides = array<i32>} : memref<128x16xf32, #tpu.memory_space<vmem>>, vector<1x16xf32>,
      %swap3A_61 = vector.shape_cast %swap3A_60 : vector<1x16xf32> to vector<16xf32>
      %swap3A_62 = vector.shape_cast %broadcast_in_dim3A_58 : vector<16xf32> to vector<1x16xf32>
      tpu.vector_store %arg7[%swap3A, %swap3A_59], %swap3A_62 {strides = array<i32>} : memref<128x16xf32, #tpu.memory_space<vmem>>, vector<1x16xf32>,
    }
    %scan3A_5 = arith.constant 128 : i32
    %scan3A_6 = arith.constant 0 : i32
    %scan3A_7 = arith.constant 0 : i32
    %scan3A_8 = arith.constant 16 : i32
    %scan3A_9 = arith.addi %scan3A_7, %scan3A_8 : i32
    %scan3A_10 = arith.constant 1 : i32
    scf.for %scan3A_57 = %scan3A_7 to %scan3A_9 step %scan3A_10  : i32 {
      %broadcast_in_dim3A = arith.constant 0.000000e+00 : f32
      %broadcast_in_dim3A_58 = vector.broadcast %broadcast_in_dim3A : f32 to vector<16xf32>
      %swap3A = arith.index_cast %scan3A_57 : i32 to index
      %swap3A_59 = arith.constant 0 : index
      %swap3A_60 = tpu.vector_load %arg8[%swap3A, %swap3A_59] {strides = array<i32>} : memref<16x16xf32, #tpu.memory_space<vmem>>, vector<1x16xf32>,
      %swap3A_61 = vector.shape_cast %swap3A_60 : vector<1x16xf32> to vector<16xf32>
      %swap3A_62 = vector.shape_cast %broadcast_in_dim3A_58 : vector<16xf32> to vector<1x16xf32>
      tpu.vector_store %arg8[%swap3A, %swap3A_59], %swap3A_62 {strides = array<i32>} : memref<16x16xf32, #tpu.memory_space<vmem>>, vector<1x16xf32>,
    }
    %scan3A_11 = arith.constant 16 : i32
    %mul3A_12 = arith.constant 80 : i32
    %mul3A_13 = arith.muli %add3A, %mul3A_12 : i32
    "tpu.region"() ({
      %run_scoped3A = tpu.sem_alloc : memref<!tpu.dma_semaphore, #tpu.memory_space<semaphore_mem>>
      %dma_start3A = arith.constant 0 : i32
      %dma_start3A_57 = tpu.memref_slice %arg2[%mul3A_13, %dma_start3A] : memref<2560x128xi32, #tpu.memory_space<hbm>> -> memref<80x128xi32, #tpu.memory_space<hbm>>
      %dma_start3A_58 = arith.constant 0 : i32
      %dma_start3A_59 = tpu.memref_slice %arg2[%mul3A_13, %dma_start3A_58] : memref<2560x128xi32, #tpu.memory_space<hbm>> -> memref<80x128xi32, #tpu.memory_space<hbm>>
      tpu.enqueue_dma source(%dma_start3A_59 : memref<80x128xi32, #tpu.memory_space<hbm>>) target(%arg5 : memref<80x128xi32, #tpu.memory_space<vmem>>) target_semaphore(%run_scoped3A : memref<!tpu.dma_semaphore, #tpu.memory_space<semaphore_mem>>)
      %dma_wait3A = arith.constant 0 : i32
      %dma_wait3A_60 = tpu.memref_slice %arg2[%mul3A_13, %dma_wait3A] : memref<2560x128xi32, #tpu.memory_space<hbm>> -> memref<80x128xi32, #tpu.memory_space<hbm>>
      %dma_wait3A_61 = arith.constant 0 : i32
      %dma_wait3A_62 = tpu.memref_slice %arg2[%mul3A_13, %dma_wait3A_61] : memref<2560x128xi32, #tpu.memory_space<hbm>> -> memref<80x128xi32, #tpu.memory_space<hbm>>
      tpu.wait_dma2 semaphore(%run_scoped3A : memref<!tpu.dma_semaphore, #tpu.memory_space<semaphore_mem>>) src(%dma_wait3A_62 : memref<80x128xi32, #tpu.memory_space<hbm>>) dst(%arg5 : memref<80x128xi32, #tpu.memory_space<vmem>>)
      tpu.yield
    }) : () -> ()
    "tpu.region"() ({
      %run_scoped3A = tpu.sem_alloc : memref<!tpu.dma_semaphore, #tpu.memory_space<semaphore_mem>>
      %dma_start3A = arith.constant 0 : i32
      %dma_start3A_57 = tpu.memref_slice %arg3[%mul3A_13, %dma_start3A] : memref<2560x128xi32, #tpu.memory_space<hbm>> -> memref<80x128xi32, #tpu.memory_space<hbm>>
      %dma_start3A_58 = arith.constant 0 : i32
      %dma_start3A_59 = tpu.memref_slice %arg3[%mul3A_13, %dma_start3A_58] : memref<2560x128xi32, #tpu.memory_space<hbm>> -> memref<80x128xi32, #tpu.memory_space<hbm>>
      tpu.enqueue_dma source(%dma_start3A_59 : memref<80x128xi32, #tpu.memory_space<hbm>>) target(%arg6 : memref<80x128xi32, #tpu.memory_space<vmem>>) target_semaphore(%run_scoped3A : memref<!tpu.dma_semaphore, #tpu.memory_space<semaphore_mem>>)
      %dma_wait3A = arith.constant 0 : i32
      %dma_wait3A_60 = tpu.memref_slice %arg3[%mul3A_13, %dma_wait3A] : memref<2560x128xi32, #tpu.memory_space<hbm>> -> memref<80x128xi32, #tpu.memory_space<hbm>>
      %dma_wait3A_61 = arith.constant 0 : i32
      %dma_wait3A_62 = tpu.memref_slice %arg3[%mul3A_13, %dma_wait3A_61] : memref<2560x128xi32, #tpu.memory_space<hbm>> -> memref<80x128xi32, #tpu.memory_space<hbm>>
      tpu.wait_dma2 semaphore(%run_scoped3A : memref<!tpu.dma_semaphore, #tpu.memory_space<semaphore_mem>>) src(%dma_wait3A_62 : memref<80x128xi32, #tpu.memory_space<hbm>>) dst(%arg6 : memref<80x128xi32, #tpu.memory_space<vmem>>)
      tpu.yield
    }) : () -> ()
    %lt3A = arith.constant 2 : i32
    %lt3A_14 = arith.cmpi slt, %arg1, %lt3A : i32
    %jit3A = arith.constant 1 : i32
    %jit3A_15 = arith.constant 0 : i32
    %select_n3A = arith.select %lt3A_14, %jit3A, %jit3A_15 : i32
    %add3A_16 = arith.constant 39 : i32
    %add3A_17 = arith.addi %add3A_16, %select_n3A : i32
    %while3A = arith.constant 0 : i32
    %while3A_18 = arith.constant 0 : i32
    %while3A_19 = arith.subi %add3A_17, %while3A_18 : i32
    %while3A_20 = arith.addi %while3A_18, %while3A_19 : i32
    %while3A_21 = arith.constant 1 : i32
    %while3A_22 = arith.divsi %while3A_19, %while3A_21 : i32
    %while3A_23 = arith.muli %while3A_22, %while3A_21 : i32
    %while3A_24 = arith.addi %while3A_18, %while3A_23 : i32
    %while3A_25 = arith.constant 1 : i32
    scf.for %while3A_57 = %while3A_18 to %while3A_24 step %while3A_25  : i32 {
      %mul3A_58 = arith.constant 16 : i32
      %mul3A_59 = arith.muli %while3A_57, %mul3A_58 : i32
      %add3A_60 = arith.addi %arg1, %mul3A_59 : i32
      %mul3A_61 = arith.constant 16 : i32
      %mul3A_62 = arith.muli %add3A_60, %mul3A_61 : i32
      "tpu.region"() ({
        %run_scoped3A = tpu.sem_alloc : memref<!tpu.dma_semaphore, #tpu.memory_space<semaphore_mem>>
        %dma_start3A = arith.constant 0 : i32
        %dma_start3A_63 = tpu.memref_slice %arg9[%mul3A_62, %dma_start3A] : memref<10016x16xf32, #tpu.memory_space<vmem_shared>> -> memref<16x16xf32, #tpu.memory_space<vmem_shared>>
        %dma_start3A_64 = arith.constant 0 : i32
        %dma_start3A_65 = tpu.memref_slice %arg9[%mul3A_62, %dma_start3A_64] : memref<10016x16xf32, #tpu.memory_space<vmem_shared>> -> memref<16x16xf32, #tpu.memory_space<vmem_shared>>
        tpu.enqueue_dma source(%arg8 : memref<16x16xf32, #tpu.memory_space<vmem>>) target(%dma_start3A_65 : memref<16x16xf32, #tpu.memory_space<vmem_shared>>) target_semaphore(%run_scoped3A : memref<!tpu.dma_semaphore, #tpu.memory_space<semaphore_mem>>)
        %dma_wait3A = arith.constant 0 : i32
        %dma_wait3A_66 = tpu.memref_slice %arg9[%mul3A_62, %dma_wait3A] : memref<10016x16xf32, #tpu.memory_space<vmem_shared>> -> memref<16x16xf32, #tpu.memory_space<vmem_shared>>
        %dma_wait3A_67 = arith.constant 0 : i32
        %dma_wait3A_68 = tpu.memref_slice %arg9[%mul3A_62, %dma_wait3A_67] : memref<10016x16xf32, #tpu.memory_space<vmem_shared>> -> memref<16x16xf32, #tpu.memory_space<vmem_shared>>
        tpu.wait_dma2 semaphore(%run_scoped3A : memref<!tpu.dma_semaphore, #tpu.memory_space<semaphore_mem>>) src(%arg8 : memref<16x16xf32, #tpu.memory_space<vmem>>) dst(%dma_wait3A_68 : memref<16x16xf32, #tpu.memory_space<vmem_shared>>)
        tpu.yield
      }) : () -> ()
      "tpu.region"() ({
        %run_scoped3A = tpu.sem_alloc : memref<!tpu.dma_semaphore, #tpu.memory_space<semaphore_mem>>
        %dma_start3A = arith.constant 0 : i32
        %dma_start3A_63 = tpu.memref_slice %arg10[%mul3A_62, %dma_start3A] : memref<10016x16xf32, #tpu.memory_space<vmem_shared>> -> memref<16x16xf32, #tpu.memory_space<vmem_shared>>
        %dma_start3A_64 = arith.constant 0 : i32
        %dma_start3A_65 = tpu.memref_slice %arg10[%mul3A_62, %dma_start3A_64] : memref<10016x16xf32, #tpu.memory_space<vmem_shared>> -> memref<16x16xf32, #tpu.memory_space<vmem_shared>>
        tpu.enqueue_dma source(%arg8 : memref<16x16xf32, #tpu.memory_space<vmem>>) target(%dma_start3A_65 : memref<16x16xf32, #tpu.memory_space<vmem_shared>>) target_semaphore(%run_scoped3A : memref<!tpu.dma_semaphore, #tpu.memory_space<semaphore_mem>>)
        %dma_wait3A = arith.constant 0 : i32
        %dma_wait3A_66 = tpu.memref_slice %arg10[%mul3A_62, %dma_wait3A] : memref<10016x16xf32, #tpu.memory_space<vmem_shared>> -> memref<16x16xf32, #tpu.memory_space<vmem_shared>>
        %dma_wait3A_67 = arith.constant 0 : i32
        %dma_wait3A_68 = tpu.memref_slice %arg10[%mul3A_62, %dma_wait3A_67] : memref<10016x16xf32, #tpu.memory_space<vmem_shared>> -> memref<16x16xf32, #tpu.memory_space<vmem_shared>>
        tpu.wait_dma2 semaphore(%run_scoped3A : memref<!tpu.dma_semaphore, #tpu.memory_space<semaphore_mem>>) src(%arg8 : memref<16x16xf32, #tpu.memory_space<vmem>>) dst(%dma_wait3A_68 : memref<16x16xf32, #tpu.memory_space<vmem_shared>>)
        tpu.yield
      }) : () -> ()
    }
    %while3A_26 = arith.constant 1 : i32
    scf.for %while3A_57 = %while3A_24 to %while3A_20 step %while3A_26  : i32 {
      %mul3A_58 = arith.constant 16 : i32
      %mul3A_59 = arith.muli %while3A_57, %mul3A_58 : i32
      %add3A_60 = arith.addi %arg1, %mul3A_59 : i32
      %mul3A_61 = arith.constant 16 : i32
      %mul3A_62 = arith.muli %add3A_60, %mul3A_61 : i32
      "tpu.region"() ({
        %run_scoped3A = tpu.sem_alloc : memref<!tpu.dma_semaphore, #tpu.memory_space<semaphore_mem>>
        %dma_start3A = arith.constant 0 : i32
        %dma_start3A_63 = tpu.memref_slice %arg9[%mul3A_62, %dma_start3A] : memref<10016x16xf32, #tpu.memory_space<vmem_shared>> -> memref<16x16xf32, #tpu.memory_space<vmem_shared>>
        %dma_start3A_64 = arith.constant 0 : i32
        %dma_start3A_65 = tpu.memref_slice %arg9[%mul3A_62, %dma_start3A_64] : memref<10016x16xf32, #tpu.memory_space<vmem_shared>> -> memref<16x16xf32, #tpu.memory_space<vmem_shared>>
        tpu.enqueue_dma source(%arg8 : memref<16x16xf32, #tpu.memory_space<vmem>>) target(%dma_start3A_65 : memref<16x16xf32, #tpu.memory_space<vmem_shared>>) target_semaphore(%run_scoped3A : memref<!tpu.dma_semaphore, #tpu.memory_space<semaphore_mem>>)
        %dma_wait3A = arith.constant 0 : i32
        %dma_wait3A_66 = tpu.memref_slice %arg9[%mul3A_62, %dma_wait3A] : memref<10016x16xf32, #tpu.memory_space<vmem_shared>> -> memref<16x16xf32, #tpu.memory_space<vmem_shared>>
        %dma_wait3A_67 = arith.constant 0 : i32
        %dma_wait3A_68 = tpu.memref_slice %arg9[%mul3A_62, %dma_wait3A_67] : memref<10016x16xf32, #tpu.memory_space<vmem_shared>> -> memref<16x16xf32, #tpu.memory_space<vmem_shared>>
        tpu.wait_dma2 semaphore(%run_scoped3A : memref<!tpu.dma_semaphore, #tpu.memory_space<semaphore_mem>>) src(%arg8 : memref<16x16xf32, #tpu.memory_space<vmem>>) dst(%dma_wait3A_68 : memref<16x16xf32, #tpu.memory_space<vmem_shared>>)
        tpu.yield
      }) : () -> ()
      "tpu.region"() ({
        %run_scoped3A = tpu.sem_alloc : memref<!tpu.dma_semaphore, #tpu.memory_space<semaphore_mem>>
        %dma_start3A = arith.constant 0 : i32
        %dma_start3A_63 = tpu.memref_slice %arg10[%mul3A_62, %dma_start3A] : memref<10016x16xf32, #tpu.memory_space<vmem_shared>> -> memref<16x16xf32, #tpu.memory_space<vmem_shared>>
        %dma_start3A_64 = arith.constant 0 : i32
        %dma_start3A_65 = tpu.memref_slice %arg10[%mul3A_62, %dma_start3A_64] : memref<10016x16xf32, #tpu.memory_space<vmem_shared>> -> memref<16x16xf32, #tpu.memory_space<vmem_shared>>
        tpu.enqueue_dma source(%arg8 : memref<16x16xf32, #tpu.memory_space<vmem>>) target(%dma_start3A_65 : memref<16x16xf32, #tpu.memory_space<vmem_shared>>) target_semaphore(%run_scoped3A : memref<!tpu.dma_semaphore, #tpu.memory_space<semaphore_mem>>)
        %dma_wait3A = arith.constant 0 : i32
        %dma_wait3A_66 = tpu.memref_slice %arg10[%mul3A_62, %dma_wait3A] : memref<10016x16xf32, #tpu.memory_space<vmem_shared>> -> memref<16x16xf32, #tpu.memory_space<vmem_shared>>
        %dma_wait3A_67 = arith.constant 0 : i32
        %dma_wait3A_68 = tpu.memref_slice %arg10[%mul3A_62, %dma_wait3A_67] : memref<10016x16xf32, #tpu.memory_space<vmem_shared>> -> memref<16x16xf32, #tpu.memory_space<vmem_shared>>
        tpu.wait_dma2 semaphore(%run_scoped3A : memref<!tpu.dma_semaphore, #tpu.memory_space<semaphore_mem>>) src(%arg8 : memref<16x16xf32, #tpu.memory_space<vmem>>) dst(%dma_wait3A_68 : memref<16x16xf32, #tpu.memory_space<vmem_shared>>)
        tpu.yield
      }) : () -> ()
    }
    %barrier3A = arith.constant 0 : index
    tpu.barrier barrier_id(%barrier3A)
    %scan3A_27 = arith.constant 0 : i32
    %scan3A_28 = arith.constant 0 : i32
    %scan3A_29 = arith.constant 80 : i32
    %scan3A_30 = arith.addi %scan3A_28, %scan3A_29 : i32
    %scan3A_31 = arith.constant 1 : i32
    scf.for %scan3A_57 = %scan3A_28 to %scan3A_30 step %scan3A_31  : i32 {
      %dma_start3A = arith.constant 0 : i32
      %dma_start3A_58 = tpu.memref_slice %arg5[%scan3A_57, %dma_start3A] : memref<80x128xi32, #tpu.memory_space<vmem>> -> memref<1x128xi32, #tpu.memory_space<vmem>>
      %dma_start3A_59 = tpu.memref_squeeze %dma_start3A_58 : memref<1x128xi32, #tpu.memory_space<vmem>> -> memref<128xi32, #tpu.memory_space<vmem>>
      %dma_start3A_60 = arith.constant 0 : i32
      %dma_start3A_61 = arith.constant 0 : i32
      %dma_start3A_62 = tpu.memref_slice %arg9[%dma_start3A_60, %dma_start3A_61] : memref<10016x16xf32, #tpu.memory_space<vmem_shared>> -> memref<10016x16xf32, #tpu.memory_space<vmem_shared>>
      tpu.enqueue_indirect_dma source(%arg7 : memref<128x16xf32, #tpu.memory_space<vmem>>) target(%dma_start3A_62 : memref<10016x16xf32, #tpu.memory_space<vmem_shared>>) offsets(%dma_start3A_59 : memref<128xi32, #tpu.memory_space<vmem>>) semaphore(%arg11 : memref<!tpu.dma_semaphore, #tpu.memory_space<semaphore_mem>>) {add = true}
      %dma_start3A_63 = arith.constant 0 : i32
      %dma_start3A_64 = tpu.memref_slice %arg6[%scan3A_57, %dma_start3A_63] : memref<80x128xi32, #tpu.memory_space<vmem>> -> memref<1x128xi32, #tpu.memory_space<vmem>>
      %dma_start3A_65 = tpu.memref_squeeze %dma_start3A_64 : memref<1x128xi32, #tpu.memory_space<vmem>> -> memref<128xi32, #tpu.memory_space<vmem>>
      %dma_start3A_66 = arith.constant 0 : i32
      %dma_start3A_67 = arith.constant 0 : i32
      %dma_start3A_68 = tpu.memref_slice %arg10[%dma_start3A_66, %dma_start3A_67] : memref<10016x16xf32, #tpu.memory_space<vmem_shared>> -> memref<10016x16xf32, #tpu.memory_space<vmem_shared>>
      tpu.enqueue_indirect_dma source(%arg7 : memref<128x16xf32, #tpu.memory_space<vmem>>) target(%dma_start3A_68 : memref<10016x16xf32, #tpu.memory_space<vmem_shared>>) offsets(%dma_start3A_65 : memref<128xi32, #tpu.memory_space<vmem>>) semaphore(%arg11 : memref<!tpu.dma_semaphore, #tpu.memory_space<semaphore_mem>>) {add = true}
    }
    %scan3A_32 = arith.constant 80 : i32
    %scan3A_33 = arith.constant 0 : i32
    %scan3A_34 = arith.constant 0 : i32
    %scan3A_35 = arith.constant 160 : i32
    %scan3A_36 = arith.addi %scan3A_34, %scan3A_35 : i32
    %scan3A_37 = arith.constant 1 : i32
    scf.for %scan3A_57 = %scan3A_34 to %scan3A_36 step %scan3A_37  : i32 {
      %dma_wait3A = arith.constant 0 : i32
      %dma_wait3A_58 = arith.constant 0 : i32
      %dma_wait3A_59 = arith.constant 0 : i32
      %dma_wait3A_60 = tpu.memref_slice %arg4[%arg0, %dma_wait3A, %dma_wait3A_58, %dma_wait3A_59] : memref<2x2x10016x16xf32, #tpu.memory_space<hbm>> -> memref<1x1x128x16xf32, #tpu.memory_space<hbm>>
      %dma_wait3A_61 = tpu.memref_squeeze %dma_wait3A_60 : memref<1x1x128x16xf32, #tpu.memory_space<hbm>> -> memref<128x16xf32, #tpu.memory_space<hbm>>
      %dma_wait3A_62 = arith.constant 0 : i32
      %dma_wait3A_63 = arith.constant 0 : i32
      %dma_wait3A_64 = tpu.memref_slice %arg4[%arg0, %dma_wait3A, %dma_wait3A_62, %dma_wait3A_63] : memref<2x2x10016x16xf32, #tpu.memory_space<hbm>> -> memref<1x1x128x16xf32, #tpu.memory_space<hbm>>
      %dma_wait3A_65 = tpu.memref_squeeze %dma_wait3A_64 : memref<1x1x128x16xf32, #tpu.memory_space<hbm>> -> memref<128x16xf32, #tpu.memory_space<hbm>>
      tpu.wait_dma2 semaphore(%arg11 : memref<!tpu.dma_semaphore, #tpu.memory_space<semaphore_mem>>) src(%dma_wait3A_65 : memref<128x16xf32, #tpu.memory_space<hbm>>) dst(%arg7 : memref<128x16xf32, #tpu.memory_space<vmem>>)
    }
    %scan3A_38 = arith.constant 160 : i32
    %barrier3A_39 = arith.constant 0 : index
    tpu.barrier barrier_id(%barrier3A_39)
    %lt3A_40 = arith.constant 2 : i32
    %lt3A_41 = arith.cmpi slt, %arg1, %lt3A_40 : i32
    %jit3A_42 = arith.constant 1 : i32
    %jit3A_43 = arith.constant 0 : i32
    %select_n3A_44 = arith.select %lt3A_41, %jit3A_42, %jit3A_43 : i32
    %add3A_45 = arith.constant 39 : i32
    %add3A_46 = arith.addi %add3A_45, %select_n3A_44 : i32
    %while3A_47 = arith.constant 0 : i32
    %while3A_48 = arith.constant 0 : i32
    %while3A_49 = arith.subi %add3A_46, %while3A_48 : i32
    %while3A_50 = arith.addi %while3A_48, %while3A_49 : i32
    %while3A_51 = arith.constant 1 : i32
    %while3A_52 = arith.divsi %while3A_49, %while3A_51 : i32
    %while3A_53 = arith.muli %while3A_52, %while3A_51 : i32
    %while3A_54 = arith.addi %while3A_48, %while3A_53 : i32
    %while3A_55 = arith.constant 1 : i32
    scf.for %while3A_57 = %while3A_48 to %while3A_54 step %while3A_55  : i32 {
      %mul3A_58 = arith.constant 16 : i32
      %mul3A_59 = arith.muli %while3A_57, %mul3A_58 : i32
      %add3A_60 = arith.addi %arg1, %mul3A_59 : i32
      %mul3A_61 = arith.constant 16 : i32
      %mul3A_62 = arith.muli %add3A_60, %mul3A_61 : i32
      %run_scoped3A = arith.constant 0 : i32
      "tpu.region"() ({
        %run_scoped3A_64 = tpu.sem_alloc : memref<!tpu.dma_semaphore, #tpu.memory_space<semaphore_mem>>
        %dma_start3A = arith.constant 0 : i32
        %dma_start3A_65 = tpu.memref_slice %arg4[%arg0, %run_scoped3A, %mul3A_62, %dma_start3A] : memref<2x2x10016x16xf32, #tpu.memory_space<hbm>> -> memref<1x1x16x16xf32, #tpu.memory_space<hbm>>
        %dma_start3A_66 = tpu.memref_squeeze %dma_start3A_65 : memref<1x1x16x16xf32, #tpu.memory_space<hbm>> -> memref<16x16xf32, #tpu.memory_space<hbm>>
        %dma_start3A_67 = arith.constant 0 : i32
        %dma_start3A_68 = tpu.memref_slice %arg9[%mul3A_62, %dma_start3A_67] : memref<10016x16xf32, #tpu.memory_space<vmem_shared>> -> memref<16x16xf32, #tpu.memory_space<vmem_shared>>
        tpu.enqueue_dma source(%dma_start3A_68 : memref<16x16xf32, #tpu.memory_space<vmem_shared>>) target(%dma_start3A_66 : memref<16x16xf32, #tpu.memory_space<hbm>>) target_semaphore(%run_scoped3A_64 : memref<!tpu.dma_semaphore, #tpu.memory_space<semaphore_mem>>)
        %dma_wait3A = arith.constant 0 : i32
        %dma_wait3A_69 = tpu.memref_slice %arg4[%arg0, %run_scoped3A, %mul3A_62, %dma_wait3A] : memref<2x2x10016x16xf32, #tpu.memory_space<hbm>> -> memref<1x1x16x16xf32, #tpu.memory_space<hbm>>
        %dma_wait3A_70 = tpu.memref_squeeze %dma_wait3A_69 : memref<1x1x16x16xf32, #tpu.memory_space<hbm>> -> memref<16x16xf32, #tpu.memory_space<hbm>>
        %dma_wait3A_71 = arith.constant 0 : i32
        %dma_wait3A_72 = tpu.memref_slice %arg9[%mul3A_62, %dma_wait3A_71] : memref<10016x16xf32, #tpu.memory_space<vmem_shared>> -> memref<16x16xf32, #tpu.memory_space<vmem_shared>>
        tpu.wait_dma2 semaphore(%run_scoped3A_64 : memref<!tpu.dma_semaphore, #tpu.memory_space<semaphore_mem>>) src(%dma_wait3A_72 : memref<16x16xf32, #tpu.memory_space<vmem_shared>>) dst(%dma_wait3A_70 : memref<16x16xf32, #tpu.memory_space<hbm>>)
        tpu.yield
      }) : () -> ()
      %run_scoped3A_63 = arith.constant 1 : i32
      "tpu.region"() ({
        %run_scoped3A_64 = tpu.sem_alloc : memref<!tpu.dma_semaphore, #tpu.memory_space<semaphore_mem>>
        %dma_start3A = arith.constant 0 : i32
        %dma_start3A_65 = tpu.memref_slice %arg4[%arg0, %run_scoped3A_63, %mul3A_62, %dma_start3A] : memref<2x2x10016x16xf32, #tpu.memory_space<hbm>> -> memref<1x1x16x16xf32, #tpu.memory_space<hbm>>
        %dma_start3A_66 = tpu.memref_squeeze %dma_start3A_65 : memref<1x1x16x16xf32, #tpu.memory_space<hbm>> -> memref<16x16xf32, #tpu.memory_space<hbm>>
        %dma_start3A_67 = arith.constant 0 : i32
        %dma_start3A_68 = tpu.memref_slice %arg10[%mul3A_62, %dma_start3A_67] : memref<10016x16xf32, #tpu.memory_space<vmem_shared>> -> memref<16x16xf32, #tpu.memory_space<vmem_shared>>
        tpu.enqueue_dma source(%dma_start3A_68 : memref<16x16xf32, #tpu.memory_space<vmem_shared>>) target(%dma_start3A_66 : memref<16x16xf32, #tpu.memory_space<hbm>>) target_semaphore(%run_scoped3A_64 : memref<!tpu.dma_semaphore, #tpu.memory_space<semaphore_mem>>)
        %dma_wait3A = arith.constant 0 : i32
        %dma_wait3A_69 = tpu.memref_slice %arg4[%arg0, %run_scoped3A_63, %mul3A_62, %dma_wait3A] : memref<2x2x10016x16xf32, #tpu.memory_space<hbm>> -> memref<1x1x16x16xf32, #tpu.memory_space<hbm>>
        %dma_wait3A_70 = tpu.memref_squeeze %dma_wait3A_69 : memref<1x1x16x16xf32, #tpu.memory_space<hbm>> -> memref<16x16xf32, #tpu.memory_space<hbm>>
        %dma_wait3A_71 = arith.constant 0 : i32
        %dma_wait3A_72 = tpu.memref_slice %arg10[%mul3A_62, %dma_wait3A_71] : memref<10016x16xf32, #tpu.memory_space<vmem_shared>> -> memref<16x16xf32, #tpu.memory_space<vmem_shared>>
        tpu.wait_dma2 semaphore(%run_scoped3A_64 : memref<!tpu.dma_semaphore, #tpu.memory_space<semaphore_mem>>) src(%dma_wait3A_72 : memref<16x16xf32, #tpu.memory_space<vmem_shared>>) dst(%dma_wait3A_70 : memref<16x16xf32, #tpu.memory_space<hbm>>)
        tpu.yield
      }) : () -> ()
    }
    %while3A_56 = arith.constant 1 : i32
    scf.for %while3A_57 = %while3A_54 to %while3A_50 step %while3A_56  : i32 {
      %mul3A_58 = arith.constant 16 : i32
      %mul3A_59 = arith.muli %while3A_57, %mul3A_58 : i32
      %add3A_60 = arith.addi %arg1, %mul3A_59 : i32
      %mul3A_61 = arith.constant 16 : i32
      %mul3A_62 = arith.muli %add3A_60, %mul3A_61 : i32
      %run_scoped3A = arith.constant 0 : i32
      "tpu.region"() ({
        %run_scoped3A_64 = tpu.sem_alloc : memref<!tpu.dma_semaphore, #tpu.memory_space<semaphore_mem>>
        %dma_start3A = arith.constant 0 : i32
        %dma_start3A_65 = tpu.memref_slice %arg4[%arg0, %run_scoped3A, %mul3A_62, %dma_start3A] : memref<2x2x10016x16xf32, #tpu.memory_space<hbm>> -> memref<1x1x16x16xf32, #tpu.memory_space<hbm>>
        %dma_start3A_66 = tpu.memref_squeeze %dma_start3A_65 : memref<1x1x16x16xf32, #tpu.memory_space<hbm>> -> memref<16x16xf32, #tpu.memory_space<hbm>>
        %dma_start3A_67 = arith.constant 0 : i32
        %dma_start3A_68 = tpu.memref_slice %arg9[%mul3A_62, %dma_start3A_67] : memref<10016x16xf32, #tpu.memory_space<vmem_shared>> -> memref<16x16xf32, #tpu.memory_space<vmem_shared>>
        tpu.enqueue_dma source(%dma_start3A_68 : memref<16x16xf32, #tpu.memory_space<vmem_shared>>) target(%dma_start3A_66 : memref<16x16xf32, #tpu.memory_space<hbm>>) target_semaphore(%run_scoped3A_64 : memref<!tpu.dma_semaphore, #tpu.memory_space<semaphore_mem>>)
        %dma_wait3A = arith.constant 0 : i32
        %dma_wait3A_69 = tpu.memref_slice %arg4[%arg0, %run_scoped3A, %mul3A_62, %dma_wait3A] : memref<2x2x10016x16xf32, #tpu.memory_space<hbm>> -> memref<1x1x16x16xf32, #tpu.memory_space<hbm>>
        %dma_wait3A_70 = tpu.memref_squeeze %dma_wait3A_69 : memref<1x1x16x16xf32, #tpu.memory_space<hbm>> -> memref<16x16xf32, #tpu.memory_space<hbm>>
        %dma_wait3A_71 = arith.constant 0 : i32
        %dma_wait3A_72 = tpu.memref_slice %arg9[%mul3A_62, %dma_wait3A_71] : memref<10016x16xf32, #tpu.memory_space<vmem_shared>> -> memref<16x16xf32, #tpu.memory_space<vmem_shared>>
        tpu.wait_dma2 semaphore(%run_scoped3A_64 : memref<!tpu.dma_semaphore, #tpu.memory_space<semaphore_mem>>) src(%dma_wait3A_72 : memref<16x16xf32, #tpu.memory_space<vmem_shared>>) dst(%dma_wait3A_70 : memref<16x16xf32, #tpu.memory_space<hbm>>)
        tpu.yield
      }) : () -> ()
      %run_scoped3A_63 = arith.constant 1 : i32
      "tpu.region"() ({
        %run_scoped3A_64 = tpu.sem_alloc : memref<!tpu.dma_semaphore, #tpu.memory_space<semaphore_mem>>
        %dma_start3A = arith.constant 0 : i32
        %dma_start3A_65 = tpu.memref_slice %arg4[%arg0, %run_scoped3A_63, %mul3A_62, %dma_start3A] : memref<2x2x10016x16xf32, #tpu.memory_space<hbm>> -> memref<1x1x16x16xf32, #tpu.memory_space<hbm>>
        %dma_start3A_66 = tpu.memref_squeeze %dma_start3A_65 : memref<1x1x16x16xf32, #tpu.memory_space<hbm>> -> memref<16x16xf32, #tpu.memory_space<hbm>>
        %dma_start3A_67 = arith.constant 0 : i32
        %dma_start3A_68 = tpu.memref_slice %arg10[%mul3A_62, %dma_start3A_67] : memref<10016x16xf32, #tpu.memory_space<vmem_shared>> -> memref<16x16xf32, #tpu.memory_space<vmem_shared>>
        tpu.enqueue_dma source(%dma_start3A_68 : memref<16x16xf32, #tpu.memory_space<vmem_shared>>) target(%dma_start3A_66 : memref<16x16xf32, #tpu.memory_space<hbm>>) target_semaphore(%run_scoped3A_64 : memref<!tpu.dma_semaphore, #tpu.memory_space<semaphore_mem>>)
        %dma_wait3A = arith.constant 0 : i32
        %dma_wait3A_69 = tpu.memref_slice %arg4[%arg0, %run_scoped3A_63, %mul3A_62, %dma_wait3A] : memref<2x2x10016x16xf32, #tpu.memory_space<hbm>> -> memref<1x1x16x16xf32, #tpu.memory_space<hbm>>
        %dma_wait3A_70 = tpu.memref_squeeze %dma_wait3A_69 : memref<1x1x16x16xf32, #tpu.memory_space<hbm>> -> memref<16x16xf32, #tpu.memory_space<hbm>>
        %dma_wait3A_71 = arith.constant 0 : i32
        %dma_wait3A_72 = tpu.memref_slice %arg10[%mul3A_62, %dma_wait3A_71] : memref<10016x16xf32, #tpu.memory_space<vmem_shared>> -> memref<16x16xf32, #tpu.memory_space<vmem_shared>>
        tpu.wait_dma2 semaphore(%run_scoped3A_64 : memref<!tpu.dma_semaphore, #tpu.memory_space<semaphore_mem>>) src(%dma_wait3A_72 : memref<16x16xf32, #tpu.memory_space<vmem_shared>>) dst(%dma_wait3A_70 : memref<16x16xf32, #tpu.memory_space<hbm>>)
        tpu.yield
      }) : () -> ()
    }
    return
  }
}

#map = affine_map<(d0, d1) -> (0, 0)>
#map1 = affine_map<(d0, d1) -> (0, 0, 0)>
module attributes {stable_mosaic.version = 14 : i64} {
  func.func @_sc_aggregate(%arg0: i32, %arg1: i32, %arg2: memref<10016x128xf32, #tpu.memory_space<hbm>>, %arg3: memref<2560x128xi32, #tpu.memory_space<hbm>>, %arg4: memref<2560x128xi32, #tpu.memory_space<hbm>>, %arg5: memref<2x10016x128xf32, #tpu.memory_space<hbm>>, %arg6: memref<80x128xi32, #tpu.memory_space<vmem>>, %arg7: memref<2x128xi32, #tpu.memory_space<vmem>>, %arg8: memref<2x128x128xf32, #tpu.memory_space<vmem>>, %arg9: memref<16x128xf32, #tpu.memory_space<vmem>>, %arg10: memref<10016x128xf32, #tpu.memory_space<vmem_shared>>, %arg11: memref<!tpu.dma_semaphore, #tpu.memory_space<semaphore_mem>>, %arg12: memref<!tpu.dma_semaphore, #tpu.memory_space<semaphore_mem>>, %arg13: memref<!tpu.dma_semaphore, #tpu.memory_space<semaphore_mem>>, %arg14: memref<!tpu.dma_semaphore, #tpu.memory_space<semaphore_mem>>) attributes {dimension_semantics = [#tpu.dimension_semantics<core_parallel>, #tpu.dimension_semantics<subcore_parallel>], iteration_bounds = array<i64: 2, 16>, scalar_prefetch = 0 : i64, scratch_operands = 9 : i64, tpu.core_type = #tpu.core_type<sc_vector_subcore>, window_params = [{transform_indices = #map}, {transform_indices = #map}, {transform_indices = #map}, {transform_indices = #map1}]} {
    %mul3A = arith.constant 2 : i32
    %mul3A_0 = arith.muli %arg1, %mul3A : i32
    %add3A = arith.addi %mul3A_0, %arg0 : i32
    %mul3A_1 = arith.constant 80 : i32
    %mul3A_2 = arith.muli %add3A, %mul3A_1 : i32
    %scan3A = arith.constant 0 : i32
    %scan3A_3 = arith.constant 0 : i32
    %scan3A_4 = arith.constant 16 : i32
    %scan3A_5 = arith.addi %scan3A_3, %scan3A_4 : i32
    %scan3A_6 = arith.constant 1 : i32
    scf.for %scan3A_71 = %scan3A_3 to %scan3A_5 step %scan3A_6  : i32 {
      %scan3A_72 = arith.constant 0 : i32
      %scan3A_73 = arith.constant 8 : i32
      %scan3A_74 = arith.addi %scan3A_72, %scan3A_73 : i32
      %scan3A_75 = arith.constant 1 : i32
      scf.for %scan3A_77 = %scan3A_72 to %scan3A_74 step %scan3A_75  : i32 {
        %broadcast_in_dim3A = arith.constant 0.000000e+00 : f32
        %broadcast_in_dim3A_78 = vector.broadcast %broadcast_in_dim3A : f32 to vector<16xf32>
        %mul3A_79 = arith.constant 16 : i32
        %mul3A_80 = arith.muli %scan3A_77, %mul3A_79 : i32
        %swap3A = arith.index_cast %scan3A_71 : i32 to index
        %swap3A_81 = arith.index_cast %mul3A_80 : i32 to index
        %swap3A_82 = tpu.vector_load %arg9[%swap3A, %swap3A_81] {strides = array<i32>} : memref<16x128xf32, #tpu.memory_space<vmem>>, vector<1x16xf32>,
        %swap3A_83 = vector.shape_cast %swap3A_82 : vector<1x16xf32> to vector<16xf32>
        %swap3A_84 = vector.shape_cast %broadcast_in_dim3A_78 : vector<16xf32> to vector<1x16xf32>
        tpu.vector_store %arg9[%swap3A, %swap3A_81], %swap3A_84 {strides = array<i32>} : memref<16x128xf32, #tpu.memory_space<vmem>>, vector<1x16xf32>,
      }
      %scan3A_76 = arith.constant 8 : i32
    }
    %scan3A_7 = arith.constant 16 : i32
    "tpu.region"() ({
      %run_scoped3A_71 = tpu.sem_alloc : memref<!tpu.dma_semaphore, #tpu.memory_space<semaphore_mem>>
      %dma_start3A_72 = arith.constant 0 : i32
      %dma_start3A_73 = tpu.memref_slice %arg3[%mul3A_2, %dma_start3A_72] : memref<2560x128xi32, #tpu.memory_space<hbm>> -> memref<80x128xi32, #tpu.memory_space<hbm>>
      %dma_start3A_74 = arith.constant 0 : i32
      %dma_start3A_75 = tpu.memref_slice %arg3[%mul3A_2, %dma_start3A_74] : memref<2560x128xi32, #tpu.memory_space<hbm>> -> memref<80x128xi32, #tpu.memory_space<hbm>>
      tpu.enqueue_dma source(%dma_start3A_75 : memref<80x128xi32, #tpu.memory_space<hbm>>) target(%arg6 : memref<80x128xi32, #tpu.memory_space<vmem>>) target_semaphore(%run_scoped3A_71 : memref<!tpu.dma_semaphore, #tpu.memory_space<semaphore_mem>>)
      %dma_wait3A = arith.constant 0 : i32
      %dma_wait3A_76 = tpu.memref_slice %arg3[%mul3A_2, %dma_wait3A] : memref<2560x128xi32, #tpu.memory_space<hbm>> -> memref<80x128xi32, #tpu.memory_space<hbm>>
      %dma_wait3A_77 = arith.constant 0 : i32
      %dma_wait3A_78 = tpu.memref_slice %arg3[%mul3A_2, %dma_wait3A_77] : memref<2560x128xi32, #tpu.memory_space<hbm>> -> memref<80x128xi32, #tpu.memory_space<hbm>>
      tpu.wait_dma2 semaphore(%run_scoped3A_71 : memref<!tpu.dma_semaphore, #tpu.memory_space<semaphore_mem>>) src(%dma_wait3A_78 : memref<80x128xi32, #tpu.memory_space<hbm>>) dst(%arg6 : memref<80x128xi32, #tpu.memory_space<vmem>>)
      tpu.yield
    }) : () -> ()
    %run_scoped3A = arith.constant 0 : i32
    "tpu.region"() ({
      %run_scoped3A_71 = tpu.sem_alloc : memref<!tpu.dma_semaphore, #tpu.memory_space<semaphore_mem>>
      %dma_start3A_72 = arith.constant 0 : i32
      %dma_start3A_73 = tpu.memref_slice %arg7[%run_scoped3A, %dma_start3A_72] : memref<2x128xi32, #tpu.memory_space<vmem>> -> memref<1x128xi32, #tpu.memory_space<vmem>>
      %dma_start3A_74 = tpu.memref_squeeze %dma_start3A_73 : memref<1x128xi32, #tpu.memory_space<vmem>> -> memref<128xi32, #tpu.memory_space<vmem>>
      %dma_start3A_75 = arith.constant 0 : i32
      %dma_start3A_76 = tpu.memref_slice %arg4[%mul3A_2, %dma_start3A_75] : memref<2560x128xi32, #tpu.memory_space<hbm>> -> memref<1x128xi32, #tpu.memory_space<hbm>>
      %dma_start3A_77 = tpu.memref_squeeze %dma_start3A_76 : memref<1x128xi32, #tpu.memory_space<hbm>> -> memref<128xi32, #tpu.memory_space<hbm>>
      %dma_start3A_78 = arith.constant 0 : i32
      %dma_start3A_79 = tpu.memref_slice %arg7[%run_scoped3A, %dma_start3A_78] : memref<2x128xi32, #tpu.memory_space<vmem>> -> memref<1x128xi32, #tpu.memory_space<vmem>>
      %dma_start3A_80 = tpu.memref_squeeze %dma_start3A_79 : memref<1x128xi32, #tpu.memory_space<vmem>> -> memref<128xi32, #tpu.memory_space<vmem>>
      %dma_start3A_81 = arith.constant 0 : i32
      %dma_start3A_82 = tpu.memref_slice %arg4[%mul3A_2, %dma_start3A_81] : memref<2560x128xi32, #tpu.memory_space<hbm>> -> memref<1x128xi32, #tpu.memory_space<hbm>>
      %dma_start3A_83 = tpu.memref_squeeze %dma_start3A_82 : memref<1x128xi32, #tpu.memory_space<hbm>> -> memref<128xi32, #tpu.memory_space<hbm>>
      tpu.enqueue_dma source(%dma_start3A_83 : memref<128xi32, #tpu.memory_space<hbm>>) target(%dma_start3A_80 : memref<128xi32, #tpu.memory_space<vmem>>) target_semaphore(%run_scoped3A_71 : memref<!tpu.dma_semaphore, #tpu.memory_space<semaphore_mem>>)
      %dma_wait3A = arith.constant 0 : i32
      %dma_wait3A_84 = tpu.memref_slice %arg7[%run_scoped3A, %dma_wait3A] : memref<2x128xi32, #tpu.memory_space<vmem>> -> memref<1x128xi32, #tpu.memory_space<vmem>>
      %dma_wait3A_85 = tpu.memref_squeeze %dma_wait3A_84 : memref<1x128xi32, #tpu.memory_space<vmem>> -> memref<128xi32, #tpu.memory_space<vmem>>
      %dma_wait3A_86 = arith.constant 0 : i32
      %dma_wait3A_87 = tpu.memref_slice %arg4[%mul3A_2, %dma_wait3A_86] : memref<2560x128xi32, #tpu.memory_space<hbm>> -> memref<1x128xi32, #tpu.memory_space<hbm>>
      %dma_wait3A_88 = tpu.memref_squeeze %dma_wait3A_87 : memref<1x128xi32, #tpu.memory_space<hbm>> -> memref<128xi32, #tpu.memory_space<hbm>>
      %dma_wait3A_89 = arith.constant 0 : i32
      %dma_wait3A_90 = tpu.memref_slice %arg7[%run_scoped3A, %dma_wait3A_89] : memref<2x128xi32, #tpu.memory_space<vmem>> -> memref<1x128xi32, #tpu.memory_space<vmem>>
      %dma_wait3A_91 = tpu.memref_squeeze %dma_wait3A_90 : memref<1x128xi32, #tpu.memory_space<vmem>> -> memref<128xi32, #tpu.memory_space<vmem>>
      %dma_wait3A_92 = arith.constant 0 : i32
      %dma_wait3A_93 = tpu.memref_slice %arg4[%mul3A_2, %dma_wait3A_92] : memref<2560x128xi32, #tpu.memory_space<hbm>> -> memref<1x128xi32, #tpu.memory_space<hbm>>
      %dma_wait3A_94 = tpu.memref_squeeze %dma_wait3A_93 : memref<1x128xi32, #tpu.memory_space<hbm>> -> memref<128xi32, #tpu.memory_space<hbm>>
      tpu.wait_dma2 semaphore(%run_scoped3A_71 : memref<!tpu.dma_semaphore, #tpu.memory_space<semaphore_mem>>) src(%dma_wait3A_94 : memref<128xi32, #tpu.memory_space<hbm>>) dst(%dma_wait3A_91 : memref<128xi32, #tpu.memory_space<vmem>>)
      tpu.yield
    }) : () -> ()
    %lt3A = arith.constant 2 : i32
    %lt3A_8 = arith.cmpi slt, %arg1, %lt3A : i32
    %jit3A = arith.constant 1 : i32
    %jit3A_9 = arith.constant 0 : i32
    %select_n3A = arith.select %lt3A_8, %jit3A, %jit3A_9 : i32
    %add3A_10 = arith.constant 39 : i32
    %add3A_11 = arith.addi %add3A_10, %select_n3A : i32
    %while3A = arith.constant 0 : i32
    %while3A_12 = arith.constant 0 : i32
    %while3A_13 = arith.subi %add3A_11, %while3A_12 : i32
    %while3A_14 = arith.addi %while3A_12, %while3A_13 : i32
    %while3A_15 = arith.constant 1 : i32
    %while3A_16 = arith.divsi %while3A_13, %while3A_15 : i32
    %while3A_17 = arith.muli %while3A_16, %while3A_15 : i32
    %while3A_18 = arith.addi %while3A_12, %while3A_17 : i32
    %while3A_19 = arith.constant 1 : i32
    scf.for %while3A_71 = %while3A_12 to %while3A_18 step %while3A_19  : i32 {
      %mul3A_72 = arith.constant 16 : i32
      %mul3A_73 = arith.muli %while3A_71, %mul3A_72 : i32
      %add3A_74 = arith.addi %arg1, %mul3A_73 : i32
      %mul3A_75 = arith.constant 16 : i32
      %mul3A_76 = arith.muli %add3A_74, %mul3A_75 : i32
      "tpu.region"() ({
        %run_scoped3A_77 = tpu.sem_alloc : memref<!tpu.dma_semaphore, #tpu.memory_space<semaphore_mem>>
        %dma_start3A_78 = arith.constant 0 : i32
        %dma_start3A_79 = tpu.memref_slice %arg10[%mul3A_76, %dma_start3A_78] : memref<10016x128xf32, #tpu.memory_space<vmem_shared>> -> memref<16x128xf32, #tpu.memory_space<vmem_shared>>
        %dma_start3A_80 = arith.constant 0 : i32
        %dma_start3A_81 = tpu.memref_slice %arg10[%mul3A_76, %dma_start3A_80] : memref<10016x128xf32, #tpu.memory_space<vmem_shared>> -> memref<16x128xf32, #tpu.memory_space<vmem_shared>>
        tpu.enqueue_dma source(%arg9 : memref<16x128xf32, #tpu.memory_space<vmem>>) target(%dma_start3A_81 : memref<16x128xf32, #tpu.memory_space<vmem_shared>>) target_semaphore(%run_scoped3A_77 : memref<!tpu.dma_semaphore, #tpu.memory_space<semaphore_mem>>)
        %dma_wait3A = arith.constant 0 : i32
        %dma_wait3A_82 = tpu.memref_slice %arg10[%mul3A_76, %dma_wait3A] : memref<10016x128xf32, #tpu.memory_space<vmem_shared>> -> memref<16x128xf32, #tpu.memory_space<vmem_shared>>
        %dma_wait3A_83 = arith.constant 0 : i32
        %dma_wait3A_84 = tpu.memref_slice %arg10[%mul3A_76, %dma_wait3A_83] : memref<10016x128xf32, #tpu.memory_space<vmem_shared>> -> memref<16x128xf32, #tpu.memory_space<vmem_shared>>
        tpu.wait_dma2 semaphore(%run_scoped3A_77 : memref<!tpu.dma_semaphore, #tpu.memory_space<semaphore_mem>>) src(%arg9 : memref<16x128xf32, #tpu.memory_space<vmem>>) dst(%dma_wait3A_84 : memref<16x128xf32, #tpu.memory_space<vmem_shared>>)
        tpu.yield
      }) : () -> ()
    }
    %while3A_20 = arith.constant 1 : i32
    scf.for %while3A_71 = %while3A_18 to %while3A_14 step %while3A_20  : i32 {
      %mul3A_72 = arith.constant 16 : i32
      %mul3A_73 = arith.muli %while3A_71, %mul3A_72 : i32
      %add3A_74 = arith.addi %arg1, %mul3A_73 : i32
      %mul3A_75 = arith.constant 16 : i32
      %mul3A_76 = arith.muli %add3A_74, %mul3A_75 : i32
      "tpu.region"() ({
        %run_scoped3A_77 = tpu.sem_alloc : memref<!tpu.dma_semaphore, #tpu.memory_space<semaphore_mem>>
        %dma_start3A_78 = arith.constant 0 : i32
        %dma_start3A_79 = tpu.memref_slice %arg10[%mul3A_76, %dma_start3A_78] : memref<10016x128xf32, #tpu.memory_space<vmem_shared>> -> memref<16x128xf32, #tpu.memory_space<vmem_shared>>
        %dma_start3A_80 = arith.constant 0 : i32
        %dma_start3A_81 = tpu.memref_slice %arg10[%mul3A_76, %dma_start3A_80] : memref<10016x128xf32, #tpu.memory_space<vmem_shared>> -> memref<16x128xf32, #tpu.memory_space<vmem_shared>>
        tpu.enqueue_dma source(%arg9 : memref<16x128xf32, #tpu.memory_space<vmem>>) target(%dma_start3A_81 : memref<16x128xf32, #tpu.memory_space<vmem_shared>>) target_semaphore(%run_scoped3A_77 : memref<!tpu.dma_semaphore, #tpu.memory_space<semaphore_mem>>)
        %dma_wait3A = arith.constant 0 : i32
        %dma_wait3A_82 = tpu.memref_slice %arg10[%mul3A_76, %dma_wait3A] : memref<10016x128xf32, #tpu.memory_space<vmem_shared>> -> memref<16x128xf32, #tpu.memory_space<vmem_shared>>
        %dma_wait3A_83 = arith.constant 0 : i32
        %dma_wait3A_84 = tpu.memref_slice %arg10[%mul3A_76, %dma_wait3A_83] : memref<10016x128xf32, #tpu.memory_space<vmem_shared>> -> memref<16x128xf32, #tpu.memory_space<vmem_shared>>
        tpu.wait_dma2 semaphore(%run_scoped3A_77 : memref<!tpu.dma_semaphore, #tpu.memory_space<semaphore_mem>>) src(%arg9 : memref<16x128xf32, #tpu.memory_space<vmem>>) dst(%dma_wait3A_84 : memref<16x128xf32, #tpu.memory_space<vmem_shared>>)
        tpu.yield
      }) : () -> ()
    }
    %barrier3A = arith.constant 0 : index
    tpu.barrier barrier_id(%barrier3A)
    %dma_start3A = arith.constant 0 : i32
    %dma_start3A_21 = arith.constant 0 : i32
    %dma_start3A_22 = arith.constant 0 : i32
    %dma_start3A_23 = arith.constant 0 : i32
    %dma_start3A_24 = tpu.memref_slice %arg8[%dma_start3A_21, %dma_start3A_22, %dma_start3A_23] : memref<2x128x128xf32, #tpu.memory_space<vmem>> -> memref<1x128x128xf32, #tpu.memory_space<vmem>>
    %dma_start3A_25 = tpu.memref_squeeze %dma_start3A_24 : memref<1x128x128xf32, #tpu.memory_space<vmem>> -> memref<128x128xf32, #tpu.memory_space<vmem>>
    %dma_start3A_26 = arith.constant 0 : i32
    %dma_start3A_27 = tpu.memref_slice %arg6[%dma_start3A, %dma_start3A_26] : memref<80x128xi32, #tpu.memory_space<vmem>> -> memref<1x128xi32, #tpu.memory_space<vmem>>
    %dma_start3A_28 = tpu.memref_squeeze %dma_start3A_27 : memref<1x128xi32, #tpu.memory_space<vmem>> -> memref<128xi32, #tpu.memory_space<vmem>>
    %dma_start3A_29 = arith.constant 0 : i32
    %dma_start3A_30 = arith.constant 0 : i32
    %dma_start3A_31 = tpu.memref_slice %arg2[%dma_start3A_29, %dma_start3A_30] : memref<10016x128xf32, #tpu.memory_space<hbm>> -> memref<10016x128xf32, #tpu.memory_space<hbm>>
    tpu.enqueue_indirect_dma source(%dma_start3A_31 : memref<10016x128xf32, #tpu.memory_space<hbm>>) target(%dma_start3A_25 : memref<128x128xf32, #tpu.memory_space<vmem>>) offsets(%dma_start3A_28 : memref<128xi32, #tpu.memory_space<vmem>>) semaphore(%arg11 : memref<!tpu.dma_semaphore, #tpu.memory_space<semaphore_mem>>)
    %add3A_32 = arith.constant 1 : i32
    %add3A_33 = arith.addi %mul3A_2, %add3A_32 : i32
    %dma_start3A_34 = arith.constant 1 : i32
    %dma_start3A_35 = arith.constant 0 : i32
    %dma_start3A_36 = tpu.memref_slice %arg7[%dma_start3A_34, %dma_start3A_35] : memref<2x128xi32, #tpu.memory_space<vmem>> -> memref<1x128xi32, #tpu.memory_space<vmem>>
    %dma_start3A_37 = tpu.memref_squeeze %dma_start3A_36 : memref<1x128xi32, #tpu.memory_space<vmem>> -> memref<128xi32, #tpu.memory_space<vmem>>
    %dma_start3A_38 = arith.constant 0 : i32
    %dma_start3A_39 = tpu.memref_slice %arg4[%add3A_33, %dma_start3A_38] : memref<2560x128xi32, #tpu.memory_space<hbm>> -> memref<1x128xi32, #tpu.memory_space<hbm>>
    %dma_start3A_40 = tpu.memref_squeeze %dma_start3A_39 : memref<1x128xi32, #tpu.memory_space<hbm>> -> memref<128xi32, #tpu.memory_space<hbm>>
    %dma_start3A_41 = arith.constant 0 : i32
    %dma_start3A_42 = tpu.memref_slice %arg7[%dma_start3A_34, %dma_start3A_41] : memref<2x128xi32, #tpu.memory_space<vmem>> -> memref<1x128xi32, #tpu.memory_space<vmem>>
    %dma_start3A_43 = tpu.memref_squeeze %dma_start3A_42 : memref<1x128xi32, #tpu.memory_space<vmem>> -> memref<128xi32, #tpu.memory_space<vmem>>
    %dma_start3A_44 = arith.constant 0 : i32
    %dma_start3A_45 = tpu.memref_slice %arg4[%add3A_33, %dma_start3A_44] : memref<2560x128xi32, #tpu.memory_space<hbm>> -> memref<1x128xi32, #tpu.memory_space<hbm>>
    %dma_start3A_46 = tpu.memref_squeeze %dma_start3A_45 : memref<1x128xi32, #tpu.memory_space<hbm>> -> memref<128xi32, #tpu.memory_space<hbm>>
    tpu.enqueue_dma source(%dma_start3A_46 : memref<128xi32, #tpu.memory_space<hbm>>) target(%dma_start3A_43 : memref<128xi32, #tpu.memory_space<vmem>>) target_semaphore(%arg14 : memref<!tpu.dma_semaphore, #tpu.memory_space<semaphore_mem>>)
    %scan3A_47 = arith.constant 0 : i32
    %scan3A_48 = arith.constant 0 : i32
    %scan3A_49 = arith.constant 80 : i32
    %scan3A_50 = arith.addi %scan3A_48, %scan3A_49 : i32
    %scan3A_51 = arith.constant 1 : i32
    scf.for %scan3A_71 = %scan3A_48 to %scan3A_50 step %scan3A_51  : i32 {
      %jit3A_72 = arith.constant 2 : i32
      %eq3A = arith.constant 0 : i32
      %eq3A_73 = arith.cmpi eq, %jit3A_72, %eq3A : i32
      %jit3A_74 = arith.constant 1 : i32
      %select_n3A_75 = arith.select %eq3A_73, %jit3A_74, %jit3A_72 : i32
      %rem3A = arith.remsi %scan3A_71, %select_n3A_75 : i32
      %ne3A = arith.constant 0 : i32
      %ne3A_76 = arith.cmpi ne, %rem3A, %ne3A : i32
      %lt3A_77 = arith.constant 0 : i32
      %lt3A_78 = arith.cmpi slt, %rem3A, %lt3A_77 : i32
      %lt3A_79 = arith.constant 0 : i32
      %lt3A_80 = arith.cmpi slt, %select_n3A_75, %lt3A_79 : i32
      %ne3A_81 = arith.xori %lt3A_78, %lt3A_80 : i1
      %and3A = arith.andi %ne3A_81, %ne3A_76 : i1
      %add3A_82 = arith.addi %rem3A, %select_n3A_75 : i32
      %select_n3A_83 = arith.select %and3A, %add3A_82, %rem3A : i32
      %eq3A_84 = arith.constant 0 : i32
      %eq3A_85 = arith.cmpi eq, %select_n3A_83, %eq3A_84 : i32
      %convert_element_type3A = arith.extui %eq3A_85 : i1 to i32
      %cond3A = arith.constant 0 : i32
      %cond3A_86 = arith.cmpi ne, %convert_element_type3A, %cond3A : i32
      scf.if %cond3A_86 {
        %add3A_108 = arith.constant 1 : i32
        %add3A_109 = arith.addi %scan3A_71, %add3A_108 : i32
        %lt3A_110 = arith.constant 80 : i32
        %lt3A_111 = arith.cmpi slt, %add3A_109, %lt3A_110 : i32
        %convert_element_type3A_112 = arith.extui %lt3A_111 : i1 to i32
        %cond3A_113 = arith.constant 0 : i32
        %cond3A_114 = arith.cmpi ne, %convert_element_type3A_112, %cond3A_113 : i32
        scf.if %cond3A_114 {
          %add3A_138 = arith.constant 1 : i32
          %add3A_139 = arith.addi %scan3A_71, %add3A_138 : i32
          %dma_start3A_140 = arith.constant 1 : i32
          %dma_start3A_141 = arith.constant 0 : i32
          %dma_start3A_142 = arith.constant 0 : i32
          %dma_start3A_143 = tpu.memref_slice %arg8[%dma_start3A_140, %dma_start3A_141, %dma_start3A_142] : memref<2x128x128xf32, #tpu.memory_space<vmem>> -> memref<1x128x128xf32, #tpu.memory_space<vmem>>
          %dma_start3A_144 = tpu.memref_squeeze %dma_start3A_143 : memref<1x128x128xf32, #tpu.memory_space<vmem>> -> memref<128x128xf32, #tpu.memory_space<vmem>>
          %dma_start3A_145 = arith.constant 0 : i32
          %dma_start3A_146 = tpu.memref_slice %arg6[%add3A_139, %dma_start3A_145] : memref<80x128xi32, #tpu.memory_space<vmem>> -> memref<1x128xi32, #tpu.memory_space<vmem>>
          %dma_start3A_147 = tpu.memref_squeeze %dma_start3A_146 : memref<1x128xi32, #tpu.memory_space<vmem>> -> memref<128xi32, #tpu.memory_space<vmem>>
          %dma_start3A_148 = arith.constant 0 : i32
          %dma_start3A_149 = arith.constant 0 : i32
          %dma_start3A_150 = tpu.memref_slice %arg2[%dma_start3A_148, %dma_start3A_149] : memref<10016x128xf32, #tpu.memory_space<hbm>> -> memref<10016x128xf32, #tpu.memory_space<hbm>>
          tpu.enqueue_indirect_dma source(%dma_start3A_150 : memref<10016x128xf32, #tpu.memory_space<hbm>>) target(%dma_start3A_144 : memref<128x128xf32, #tpu.memory_space<vmem>>) offsets(%dma_start3A_147 : memref<128xi32, #tpu.memory_space<vmem>>) semaphore(%arg12 : memref<!tpu.dma_semaphore, #tpu.memory_space<semaphore_mem>>)
        } else {
        }
        %dma_wait3A = arith.constant 0 : i32
        %dma_wait3A_115 = arith.constant 0 : i32
        %dma_wait3A_116 = arith.constant 0 : i32
        %dma_wait3A_117 = tpu.memref_slice %arg8[%dma_wait3A, %dma_wait3A_115, %dma_wait3A_116] : memref<2x128x128xf32, #tpu.memory_space<vmem>> -> memref<1x128x128xf32, #tpu.memory_space<vmem>>
        %dma_wait3A_118 = tpu.memref_squeeze %dma_wait3A_117 : memref<1x128x128xf32, #tpu.memory_space<vmem>> -> memref<128x128xf32, #tpu.memory_space<vmem>>
        %dma_wait3A_119 = arith.constant 0 : i32
        %dma_wait3A_120 = tpu.memref_slice %arg6[%scan3A_71, %dma_wait3A_119] : memref<80x128xi32, #tpu.memory_space<vmem>> -> memref<1x128xi32, #tpu.memory_space<vmem>>
        %dma_wait3A_121 = tpu.memref_squeeze %dma_wait3A_120 : memref<1x128xi32, #tpu.memory_space<vmem>> -> memref<128xi32, #tpu.memory_space<vmem>>
        %dma_wait3A_122 = arith.constant 0 : i32
        %dma_wait3A_123 = arith.constant 0 : i32
        %dma_wait3A_124 = tpu.memref_slice %arg2[%dma_wait3A_122, %dma_wait3A_123] : memref<10016x128xf32, #tpu.memory_space<hbm>> -> memref<10016x128xf32, #tpu.memory_space<hbm>>
        tpu.wait_indirect_dma semaphore(%arg11 : memref<!tpu.dma_semaphore, #tpu.memory_space<semaphore_mem>>) src(%dma_wait3A_124 : memref<10016x128xf32, #tpu.memory_space<hbm>>) dst(%dma_wait3A_118 : memref<128x128xf32, #tpu.memory_space<vmem>>)
        %ge3A = arith.constant 1 : i32
        %ge3A_125 = arith.cmpi sge, %scan3A_71, %ge3A : i32
        %convert_element_type3A_126 = arith.extui %ge3A_125 : i1 to i32
        %cond3A_127 = arith.constant 0 : i32
        %cond3A_128 = arith.cmpi ne, %convert_element_type3A_126, %cond3A_127 : i32
        scf.if %cond3A_128 {
          %dma_wait3A_138 = arith.constant 0 : i32
          %dma_wait3A_139 = arith.constant 0 : i32
          %dma_wait3A_140 = tpu.memref_slice %arg7[%dma_wait3A_138, %dma_wait3A_139] : memref<2x128xi32, #tpu.memory_space<vmem>> -> memref<1x128xi32, #tpu.memory_space<vmem>>
          %dma_wait3A_141 = tpu.memref_squeeze %dma_wait3A_140 : memref<1x128xi32, #tpu.memory_space<vmem>> -> memref<128xi32, #tpu.memory_space<vmem>>
          %dma_wait3A_142 = arith.constant 0 : i32
          %dma_wait3A_143 = tpu.memref_slice %arg4[%mul3A_2, %dma_wait3A_142] : memref<2560x128xi32, #tpu.memory_space<hbm>> -> memref<1x128xi32, #tpu.memory_space<hbm>>
          %dma_wait3A_144 = tpu.memref_squeeze %dma_wait3A_143 : memref<1x128xi32, #tpu.memory_space<hbm>> -> memref<128xi32, #tpu.memory_space<hbm>>
          %dma_wait3A_145 = arith.constant 0 : i32
          %dma_wait3A_146 = tpu.memref_slice %arg7[%dma_wait3A_138, %dma_wait3A_145] : memref<2x128xi32, #tpu.memory_space<vmem>> -> memref<1x128xi32, #tpu.memory_space<vmem>>
          %dma_wait3A_147 = tpu.memref_squeeze %dma_wait3A_146 : memref<1x128xi32, #tpu.memory_space<vmem>> -> memref<128xi32, #tpu.memory_space<vmem>>
          %dma_wait3A_148 = arith.constant 0 : i32
          %dma_wait3A_149 = tpu.memref_slice %arg4[%mul3A_2, %dma_wait3A_148] : memref<2560x128xi32, #tpu.memory_space<hbm>> -> memref<1x128xi32, #tpu.memory_space<hbm>>
          %dma_wait3A_150 = tpu.memref_squeeze %dma_wait3A_149 : memref<1x128xi32, #tpu.memory_space<hbm>> -> memref<128xi32, #tpu.memory_space<hbm>>
          tpu.wait_dma2 semaphore(%arg13 : memref<!tpu.dma_semaphore, #tpu.memory_space<semaphore_mem>>) src(%dma_wait3A_150 : memref<128xi32, #tpu.memory_space<hbm>>) dst(%dma_wait3A_147 : memref<128xi32, #tpu.memory_space<vmem>>)
        } else {
        }
        %run_scoped3A_129 = arith.constant 0 : i32
        %run_scoped3A_130 = arith.constant 0 : i32
        "tpu.region"() ({
          %run_scoped3A_138 = tpu.sem_alloc : memref<!tpu.dma_semaphore, #tpu.memory_space<semaphore_mem>>
          %dma_start3A_139 = arith.constant 0 : i32
          %dma_start3A_140 = arith.constant 0 : i32
          %dma_start3A_141 = tpu.memref_slice %arg8[%run_scoped3A_129, %dma_start3A_139, %dma_start3A_140] : memref<2x128x128xf32, #tpu.memory_space<vmem>> -> memref<1x128x128xf32, #tpu.memory_space<vmem>>
          %dma_start3A_142 = tpu.memref_squeeze %dma_start3A_141 : memref<1x128x128xf32, #tpu.memory_space<vmem>> -> memref<128x128xf32, #tpu.memory_space<vmem>>
          %dma_start3A_143 = arith.constant 0 : i32
          %dma_start3A_144 = tpu.memref_slice %arg7[%run_scoped3A_130, %dma_start3A_143] : memref<2x128xi32, #tpu.memory_space<vmem>> -> memref<1x128xi32, #tpu.memory_space<vmem>>
          %dma_start3A_145 = tpu.memref_squeeze %dma_start3A_144 : memref<1x128xi32, #tpu.memory_space<vmem>> -> memref<128xi32, #tpu.memory_space<vmem>>
          %dma_start3A_146 = arith.constant 0 : i32
          %dma_start3A_147 = arith.constant 0 : i32
          %dma_start3A_148 = tpu.memref_slice %arg10[%dma_start3A_146, %dma_start3A_147] : memref<10016x128xf32, #tpu.memory_space<vmem_shared>> -> memref<10016x128xf32, #tpu.memory_space<vmem_shared>>
          tpu.enqueue_indirect_dma source(%dma_start3A_142 : memref<128x128xf32, #tpu.memory_space<vmem>>) target(%dma_start3A_148 : memref<10016x128xf32, #tpu.memory_space<vmem_shared>>) offsets(%dma_start3A_145 : memref<128xi32, #tpu.memory_space<vmem>>) semaphore(%run_scoped3A_138 : memref<!tpu.dma_semaphore, #tpu.memory_space<semaphore_mem>>) {add = true}
          %dma_wait3A_149 = arith.constant 0 : i32
          %dma_wait3A_150 = arith.constant 0 : i32
          %dma_wait3A_151 = tpu.memref_slice %arg8[%run_scoped3A_129, %dma_wait3A_149, %dma_wait3A_150] : memref<2x128x128xf32, #tpu.memory_space<vmem>> -> memref<1x128x128xf32, #tpu.memory_space<vmem>>
          %dma_wait3A_152 = tpu.memref_squeeze %dma_wait3A_151 : memref<1x128x128xf32, #tpu.memory_space<vmem>> -> memref<128x128xf32, #tpu.memory_space<vmem>>
          %dma_wait3A_153 = arith.constant 0 : i32
          %dma_wait3A_154 = tpu.memref_slice %arg7[%run_scoped3A_130, %dma_wait3A_153] : memref<2x128xi32, #tpu.memory_space<vmem>> -> memref<1x128xi32, #tpu.memory_space<vmem>>
          %dma_wait3A_155 = tpu.memref_squeeze %dma_wait3A_154 : memref<1x128xi32, #tpu.memory_space<vmem>> -> memref<128xi32, #tpu.memory_space<vmem>>
          %dma_wait3A_156 = arith.constant 0 : i32
          %dma_wait3A_157 = arith.constant 0 : i32
          %dma_wait3A_158 = tpu.memref_slice %arg10[%dma_wait3A_156, %dma_wait3A_157] : memref<10016x128xf32, #tpu.memory_space<vmem_shared>> -> memref<10016x128xf32, #tpu.memory_space<vmem_shared>>
          tpu.wait_indirect_dma semaphore(%run_scoped3A_138 : memref<!tpu.dma_semaphore, #tpu.memory_space<semaphore_mem>>) src(%dma_wait3A_152 : memref<128x128xf32, #tpu.memory_space<vmem>>) dst(%dma_wait3A_158 : memref<10016x128xf32, #tpu.memory_space<vmem_shared>>)
          tpu.yield
        }) : () -> ()
        %add3A_131 = arith.constant 2 : i32
        %add3A_132 = arith.addi %scan3A_71, %add3A_131 : i32
        %lt3A_133 = arith.constant 80 : i32
        %lt3A_134 = arith.cmpi slt, %add3A_132, %lt3A_133 : i32
        %convert_element_type3A_135 = arith.extui %lt3A_134 : i1 to i32
        %cond3A_136 = arith.constant 0 : i32
        %cond3A_137 = arith.cmpi ne, %convert_element_type3A_135, %cond3A_136 : i32
        scf.if %cond3A_137 {
          %add3A_138 = arith.addi %mul3A_2, %scan3A_71 : i32
          %add3A_139 = arith.constant 2 : i32
          %add3A_140 = arith.addi %add3A_138, %add3A_139 : i32
          %dma_start3A_141 = arith.constant 0 : i32
          %dma_start3A_142 = arith.constant 0 : i32
          %dma_start3A_143 = tpu.memref_slice %arg7[%dma_start3A_141, %dma_start3A_142] : memref<2x128xi32, #tpu.memory_space<vmem>> -> memref<1x128xi32, #tpu.memory_space<vmem>>
          %dma_start3A_144 = tpu.memref_squeeze %dma_start3A_143 : memref<1x128xi32, #tpu.memory_space<vmem>> -> memref<128xi32, #tpu.memory_space<vmem>>
          %dma_start3A_145 = arith.constant 0 : i32
          %dma_start3A_146 = tpu.memref_slice %arg4[%add3A_140, %dma_start3A_145] : memref<2560x128xi32, #tpu.memory_space<hbm>> -> memref<1x128xi32, #tpu.memory_space<hbm>>
          %dma_start3A_147 = tpu.memref_squeeze %dma_start3A_146 : memref<1x128xi32, #tpu.memory_space<hbm>> -> memref<128xi32, #tpu.memory_space<hbm>>
          %dma_start3A_148 = arith.constant 0 : i32
          %dma_start3A_149 = tpu.memref_slice %arg7[%dma_start3A_141, %dma_start3A_148] : memref<2x128xi32, #tpu.memory_space<vmem>> -> memref<1x128xi32, #tpu.memory_space<vmem>>
          %dma_start3A_150 = tpu.memref_squeeze %dma_start3A_149 : memref<1x128xi32, #tpu.memory_space<vmem>> -> memref<128xi32, #tpu.memory_space<vmem>>
          %dma_start3A_151 = arith.constant 0 : i32
          %dma_start3A_152 = tpu.memref_slice %arg4[%add3A_140, %dma_start3A_151] : memref<2560x128xi32, #tpu.memory_space<hbm>> -> memref<1x128xi32, #tpu.memory_space<hbm>>
          %dma_start3A_153 = tpu.memref_squeeze %dma_start3A_152 : memref<1x128xi32, #tpu.memory_space<hbm>> -> memref<128xi32, #tpu.memory_space<hbm>>
          tpu.enqueue_dma source(%dma_start3A_153 : memref<128xi32, #tpu.memory_space<hbm>>) target(%dma_start3A_150 : memref<128xi32, #tpu.memory_space<vmem>>) target_semaphore(%arg13 : memref<!tpu.dma_semaphore, #tpu.memory_space<semaphore_mem>>)
        } else {
        }
      } else {
      }
      %jit3A_87 = arith.constant 2 : i32
      %eq3A_88 = arith.constant 0 : i32
      %eq3A_89 = arith.cmpi eq, %jit3A_87, %eq3A_88 : i32
      %jit3A_90 = arith.constant 1 : i32
      %select_n3A_91 = arith.select %eq3A_89, %jit3A_90, %jit3A_87 : i32
      %rem3A_92 = arith.remsi %scan3A_71, %select_n3A_91 : i32
      %ne3A_93 = arith.constant 0 : i32
      %ne3A_94 = arith.cmpi ne, %rem3A_92, %ne3A_93 : i32
      %lt3A_95 = arith.constant 0 : i32
      %lt3A_96 = arith.cmpi slt, %rem3A_92, %lt3A_95 : i32
      %lt3A_97 = arith.constant 0 : i32
      %lt3A_98 = arith.cmpi slt, %select_n3A_91, %lt3A_97 : i32
      %ne3A_99 = arith.xori %lt3A_96, %lt3A_98 : i1
      %and3A_100 = arith.andi %ne3A_99, %ne3A_94 : i1
      %add3A_101 = arith.addi %rem3A_92, %select_n3A_91 : i32
      %select_n3A_102 = arith.select %and3A_100, %add3A_101, %rem3A_92 : i32
      %eq3A_103 = arith.constant 1 : i32
      %eq3A_104 = arith.cmpi eq, %select_n3A_102, %eq3A_103 : i32
      %convert_element_type3A_105 = arith.extui %eq3A_104 : i1 to i32
      %cond3A_106 = arith.constant 0 : i32
      %cond3A_107 = arith.cmpi ne, %convert_element_type3A_105, %cond3A_106 : i32
      scf.if %cond3A_107 {
        %add3A_108 = arith.constant 1 : i32
        %add3A_109 = arith.addi %scan3A_71, %add3A_108 : i32
        %lt3A_110 = arith.constant 80 : i32
        %lt3A_111 = arith.cmpi slt, %add3A_109, %lt3A_110 : i32
        %convert_element_type3A_112 = arith.extui %lt3A_111 : i1 to i32
        %cond3A_113 = arith.constant 0 : i32
        %cond3A_114 = arith.cmpi ne, %convert_element_type3A_112, %cond3A_113 : i32
        scf.if %cond3A_114 {
          %add3A_138 = arith.constant 1 : i32
          %add3A_139 = arith.addi %scan3A_71, %add3A_138 : i32
          %dma_start3A_140 = arith.constant 0 : i32
          %dma_start3A_141 = arith.constant 0 : i32
          %dma_start3A_142 = arith.constant 0 : i32
          %dma_start3A_143 = tpu.memref_slice %arg8[%dma_start3A_140, %dma_start3A_141, %dma_start3A_142] : memref<2x128x128xf32, #tpu.memory_space<vmem>> -> memref<1x128x128xf32, #tpu.memory_space<vmem>>
          %dma_start3A_144 = tpu.memref_squeeze %dma_start3A_143 : memref<1x128x128xf32, #tpu.memory_space<vmem>> -> memref<128x128xf32, #tpu.memory_space<vmem>>
          %dma_start3A_145 = arith.constant 0 : i32
          %dma_start3A_146 = tpu.memref_slice %arg6[%add3A_139, %dma_start3A_145] : memref<80x128xi32, #tpu.memory_space<vmem>> -> memref<1x128xi32, #tpu.memory_space<vmem>>
          %dma_start3A_147 = tpu.memref_squeeze %dma_start3A_146 : memref<1x128xi32, #tpu.memory_space<vmem>> -> memref<128xi32, #tpu.memory_space<vmem>>
          %dma_start3A_148 = arith.constant 0 : i32
          %dma_start3A_149 = arith.constant 0 : i32
          %dma_start3A_150 = tpu.memref_slice %arg2[%dma_start3A_148, %dma_start3A_149] : memref<10016x128xf32, #tpu.memory_space<hbm>> -> memref<10016x128xf32, #tpu.memory_space<hbm>>
          tpu.enqueue_indirect_dma source(%dma_start3A_150 : memref<10016x128xf32, #tpu.memory_space<hbm>>) target(%dma_start3A_144 : memref<128x128xf32, #tpu.memory_space<vmem>>) offsets(%dma_start3A_147 : memref<128xi32, #tpu.memory_space<vmem>>) semaphore(%arg11 : memref<!tpu.dma_semaphore, #tpu.memory_space<semaphore_mem>>)
        } else {
        }
        %dma_wait3A = arith.constant 1 : i32
        %dma_wait3A_115 = arith.constant 0 : i32
        %dma_wait3A_116 = arith.constant 0 : i32
        %dma_wait3A_117 = tpu.memref_slice %arg8[%dma_wait3A, %dma_wait3A_115, %dma_wait3A_116] : memref<2x128x128xf32, #tpu.memory_space<vmem>> -> memref<1x128x128xf32, #tpu.memory_space<vmem>>
        %dma_wait3A_118 = tpu.memref_squeeze %dma_wait3A_117 : memref<1x128x128xf32, #tpu.memory_space<vmem>> -> memref<128x128xf32, #tpu.memory_space<vmem>>
        %dma_wait3A_119 = arith.constant 0 : i32
        %dma_wait3A_120 = tpu.memref_slice %arg6[%scan3A_71, %dma_wait3A_119] : memref<80x128xi32, #tpu.memory_space<vmem>> -> memref<1x128xi32, #tpu.memory_space<vmem>>
        %dma_wait3A_121 = tpu.memref_squeeze %dma_wait3A_120 : memref<1x128xi32, #tpu.memory_space<vmem>> -> memref<128xi32, #tpu.memory_space<vmem>>
        %dma_wait3A_122 = arith.constant 0 : i32
        %dma_wait3A_123 = arith.constant 0 : i32
        %dma_wait3A_124 = tpu.memref_slice %arg2[%dma_wait3A_122, %dma_wait3A_123] : memref<10016x128xf32, #tpu.memory_space<hbm>> -> memref<10016x128xf32, #tpu.memory_space<hbm>>
        tpu.wait_indirect_dma semaphore(%arg12 : memref<!tpu.dma_semaphore, #tpu.memory_space<semaphore_mem>>) src(%dma_wait3A_124 : memref<10016x128xf32, #tpu.memory_space<hbm>>) dst(%dma_wait3A_118 : memref<128x128xf32, #tpu.memory_space<vmem>>)
        %ge3A = arith.constant 1 : i32
        %ge3A_125 = arith.cmpi sge, %scan3A_71, %ge3A : i32
        %convert_element_type3A_126 = arith.extui %ge3A_125 : i1 to i32
        %cond3A_127 = arith.constant 0 : i32
        %cond3A_128 = arith.cmpi ne, %convert_element_type3A_126, %cond3A_127 : i32
        scf.if %cond3A_128 {
          %dma_wait3A_138 = arith.constant 1 : i32
          %dma_wait3A_139 = arith.constant 0 : i32
          %dma_wait3A_140 = tpu.memref_slice %arg7[%dma_wait3A_138, %dma_wait3A_139] : memref<2x128xi32, #tpu.memory_space<vmem>> -> memref<1x128xi32, #tpu.memory_space<vmem>>
          %dma_wait3A_141 = tpu.memref_squeeze %dma_wait3A_140 : memref<1x128xi32, #tpu.memory_space<vmem>> -> memref<128xi32, #tpu.memory_space<vmem>>
          %dma_wait3A_142 = arith.constant 0 : i32
          %dma_wait3A_143 = tpu.memref_slice %arg4[%mul3A_2, %dma_wait3A_142] : memref<2560x128xi32, #tpu.memory_space<hbm>> -> memref<1x128xi32, #tpu.memory_space<hbm>>
          %dma_wait3A_144 = tpu.memref_squeeze %dma_wait3A_143 : memref<1x128xi32, #tpu.memory_space<hbm>> -> memref<128xi32, #tpu.memory_space<hbm>>
          %dma_wait3A_145 = arith.constant 0 : i32
          %dma_wait3A_146 = tpu.memref_slice %arg7[%dma_wait3A_138, %dma_wait3A_145] : memref<2x128xi32, #tpu.memory_space<vmem>> -> memref<1x128xi32, #tpu.memory_space<vmem>>
          %dma_wait3A_147 = tpu.memref_squeeze %dma_wait3A_146 : memref<1x128xi32, #tpu.memory_space<vmem>> -> memref<128xi32, #tpu.memory_space<vmem>>
          %dma_wait3A_148 = arith.constant 0 : i32
          %dma_wait3A_149 = tpu.memref_slice %arg4[%mul3A_2, %dma_wait3A_148] : memref<2560x128xi32, #tpu.memory_space<hbm>> -> memref<1x128xi32, #tpu.memory_space<hbm>>
          %dma_wait3A_150 = tpu.memref_squeeze %dma_wait3A_149 : memref<1x128xi32, #tpu.memory_space<hbm>> -> memref<128xi32, #tpu.memory_space<hbm>>
          tpu.wait_dma2 semaphore(%arg14 : memref<!tpu.dma_semaphore, #tpu.memory_space<semaphore_mem>>) src(%dma_wait3A_150 : memref<128xi32, #tpu.memory_space<hbm>>) dst(%dma_wait3A_147 : memref<128xi32, #tpu.memory_space<vmem>>)
        } else {
        }
        %run_scoped3A_129 = arith.constant 1 : i32
        %run_scoped3A_130 = arith.constant 1 : i32
        "tpu.region"() ({
          %run_scoped3A_138 = tpu.sem_alloc : memref<!tpu.dma_semaphore, #tpu.memory_space<semaphore_mem>>
          %dma_start3A_139 = arith.constant 0 : i32
          %dma_start3A_140 = arith.constant 0 : i32
          %dma_start3A_141 = tpu.memref_slice %arg8[%run_scoped3A_129, %dma_start3A_139, %dma_start3A_140] : memref<2x128x128xf32, #tpu.memory_space<vmem>> -> memref<1x128x128xf32, #tpu.memory_space<vmem>>
          %dma_start3A_142 = tpu.memref_squeeze %dma_start3A_141 : memref<1x128x128xf32, #tpu.memory_space<vmem>> -> memref<128x128xf32, #tpu.memory_space<vmem>>
          %dma_start3A_143 = arith.constant 0 : i32
          %dma_start3A_144 = tpu.memref_slice %arg7[%run_scoped3A_130, %dma_start3A_143] : memref<2x128xi32, #tpu.memory_space<vmem>> -> memref<1x128xi32, #tpu.memory_space<vmem>>
          %dma_start3A_145 = tpu.memref_squeeze %dma_start3A_144 : memref<1x128xi32, #tpu.memory_space<vmem>> -> memref<128xi32, #tpu.memory_space<vmem>>
          %dma_start3A_146 = arith.constant 0 : i32
          %dma_start3A_147 = arith.constant 0 : i32
          %dma_start3A_148 = tpu.memref_slice %arg10[%dma_start3A_146, %dma_start3A_147] : memref<10016x128xf32, #tpu.memory_space<vmem_shared>> -> memref<10016x128xf32, #tpu.memory_space<vmem_shared>>
          tpu.enqueue_indirect_dma source(%dma_start3A_142 : memref<128x128xf32, #tpu.memory_space<vmem>>) target(%dma_start3A_148 : memref<10016x128xf32, #tpu.memory_space<vmem_shared>>) offsets(%dma_start3A_145 : memref<128xi32, #tpu.memory_space<vmem>>) semaphore(%run_scoped3A_138 : memref<!tpu.dma_semaphore, #tpu.memory_space<semaphore_mem>>) {add = true}
          %dma_wait3A_149 = arith.constant 0 : i32
          %dma_wait3A_150 = arith.constant 0 : i32
          %dma_wait3A_151 = tpu.memref_slice %arg8[%run_scoped3A_129, %dma_wait3A_149, %dma_wait3A_150] : memref<2x128x128xf32, #tpu.memory_space<vmem>> -> memref<1x128x128xf32, #tpu.memory_space<vmem>>
          %dma_wait3A_152 = tpu.memref_squeeze %dma_wait3A_151 : memref<1x128x128xf32, #tpu.memory_space<vmem>> -> memref<128x128xf32, #tpu.memory_space<vmem>>
          %dma_wait3A_153 = arith.constant 0 : i32
          %dma_wait3A_154 = tpu.memref_slice %arg7[%run_scoped3A_130, %dma_wait3A_153] : memref<2x128xi32, #tpu.memory_space<vmem>> -> memref<1x128xi32, #tpu.memory_space<vmem>>
          %dma_wait3A_155 = tpu.memref_squeeze %dma_wait3A_154 : memref<1x128xi32, #tpu.memory_space<vmem>> -> memref<128xi32, #tpu.memory_space<vmem>>
          %dma_wait3A_156 = arith.constant 0 : i32
          %dma_wait3A_157 = arith.constant 0 : i32
          %dma_wait3A_158 = tpu.memref_slice %arg10[%dma_wait3A_156, %dma_wait3A_157] : memref<10016x128xf32, #tpu.memory_space<vmem_shared>> -> memref<10016x128xf32, #tpu.memory_space<vmem_shared>>
          tpu.wait_indirect_dma semaphore(%run_scoped3A_138 : memref<!tpu.dma_semaphore, #tpu.memory_space<semaphore_mem>>) src(%dma_wait3A_152 : memref<128x128xf32, #tpu.memory_space<vmem>>) dst(%dma_wait3A_158 : memref<10016x128xf32, #tpu.memory_space<vmem_shared>>)
          tpu.yield
        }) : () -> ()
        %add3A_131 = arith.constant 2 : i32
        %add3A_132 = arith.addi %scan3A_71, %add3A_131 : i32
        %lt3A_133 = arith.constant 80 : i32
        %lt3A_134 = arith.cmpi slt, %add3A_132, %lt3A_133 : i32
        %convert_element_type3A_135 = arith.extui %lt3A_134 : i1 to i32
        %cond3A_136 = arith.constant 0 : i32
        %cond3A_137 = arith.cmpi ne, %convert_element_type3A_135, %cond3A_136 : i32
        scf.if %cond3A_137 {
          %add3A_138 = arith.addi %mul3A_2, %scan3A_71 : i32
          %add3A_139 = arith.constant 2 : i32
          %add3A_140 = arith.addi %add3A_138, %add3A_139 : i32
          %dma_start3A_141 = arith.constant 1 : i32
          %dma_start3A_142 = arith.constant 0 : i32
          %dma_start3A_143 = tpu.memref_slice %arg7[%dma_start3A_141, %dma_start3A_142] : memref<2x128xi32, #tpu.memory_space<vmem>> -> memref<1x128xi32, #tpu.memory_space<vmem>>
          %dma_start3A_144 = tpu.memref_squeeze %dma_start3A_143 : memref<1x128xi32, #tpu.memory_space<vmem>> -> memref<128xi32, #tpu.memory_space<vmem>>
          %dma_start3A_145 = arith.constant 0 : i32
          %dma_start3A_146 = tpu.memref_slice %arg4[%add3A_140, %dma_start3A_145] : memref<2560x128xi32, #tpu.memory_space<hbm>> -> memref<1x128xi32, #tpu.memory_space<hbm>>
          %dma_start3A_147 = tpu.memref_squeeze %dma_start3A_146 : memref<1x128xi32, #tpu.memory_space<hbm>> -> memref<128xi32, #tpu.memory_space<hbm>>
          %dma_start3A_148 = arith.constant 0 : i32
          %dma_start3A_149 = tpu.memref_slice %arg7[%dma_start3A_141, %dma_start3A_148] : memref<2x128xi32, #tpu.memory_space<vmem>> -> memref<1x128xi32, #tpu.memory_space<vmem>>
          %dma_start3A_150 = tpu.memref_squeeze %dma_start3A_149 : memref<1x128xi32, #tpu.memory_space<vmem>> -> memref<128xi32, #tpu.memory_space<vmem>>
          %dma_start3A_151 = arith.constant 0 : i32
          %dma_start3A_152 = tpu.memref_slice %arg4[%add3A_140, %dma_start3A_151] : memref<2560x128xi32, #tpu.memory_space<hbm>> -> memref<1x128xi32, #tpu.memory_space<hbm>>
          %dma_start3A_153 = tpu.memref_squeeze %dma_start3A_152 : memref<1x128xi32, #tpu.memory_space<hbm>> -> memref<128xi32, #tpu.memory_space<hbm>>
          tpu.enqueue_dma source(%dma_start3A_153 : memref<128xi32, #tpu.memory_space<hbm>>) target(%dma_start3A_150 : memref<128xi32, #tpu.memory_space<vmem>>) target_semaphore(%arg14 : memref<!tpu.dma_semaphore, #tpu.memory_space<semaphore_mem>>)
        } else {
        }
      } else {
      }
    }
    %scan3A_52 = arith.constant 80 : i32
    %barrier3A_53 = arith.constant 0 : index
    tpu.barrier barrier_id(%barrier3A_53)
    %lt3A_54 = arith.constant 2 : i32
    %lt3A_55 = arith.cmpi slt, %arg1, %lt3A_54 : i32
    %jit3A_56 = arith.constant 1 : i32
    %jit3A_57 = arith.constant 0 : i32
    %select_n3A_58 = arith.select %lt3A_55, %jit3A_56, %jit3A_57 : i32
    %add3A_59 = arith.constant 39 : i32
    %add3A_60 = arith.addi %add3A_59, %select_n3A_58 : i32
    %while3A_61 = arith.constant 0 : i32
    %while3A_62 = arith.constant 0 : i32
    %while3A_63 = arith.subi %add3A_60, %while3A_62 : i32
    %while3A_64 = arith.addi %while3A_62, %while3A_63 : i32
    %while3A_65 = arith.constant 1 : i32
    %while3A_66 = arith.divsi %while3A_63, %while3A_65 : i32
    %while3A_67 = arith.muli %while3A_66, %while3A_65 : i32
    %while3A_68 = arith.addi %while3A_62, %while3A_67 : i32
    %while3A_69 = arith.constant 1 : i32
    scf.for %while3A_71 = %while3A_62 to %while3A_68 step %while3A_69  : i32 {
      %mul3A_72 = arith.constant 16 : i32
      %mul3A_73 = arith.muli %while3A_71, %mul3A_72 : i32
      %add3A_74 = arith.addi %arg1, %mul3A_73 : i32
      %mul3A_75 = arith.constant 16 : i32
      %mul3A_76 = arith.muli %add3A_74, %mul3A_75 : i32
      "tpu.region"() ({
        %run_scoped3A_77 = tpu.sem_alloc : memref<!tpu.dma_semaphore, #tpu.memory_space<semaphore_mem>>
        %dma_start3A_78 = arith.constant 0 : i32
        %dma_start3A_79 = tpu.memref_slice %arg5[%arg0, %mul3A_76, %dma_start3A_78] : memref<2x10016x128xf32, #tpu.memory_space<hbm>> -> memref<1x16x128xf32, #tpu.memory_space<hbm>>
        %dma_start3A_80 = tpu.memref_squeeze %dma_start3A_79 : memref<1x16x128xf32, #tpu.memory_space<hbm>> -> memref<16x128xf32, #tpu.memory_space<hbm>>
        %dma_start3A_81 = arith.constant 0 : i32
        %dma_start3A_82 = tpu.memref_slice %arg10[%mul3A_76, %dma_start3A_81] : memref<10016x128xf32, #tpu.memory_space<vmem_shared>> -> memref<16x128xf32, #tpu.memory_space<vmem_shared>>
        tpu.enqueue_dma source(%dma_start3A_82 : memref<16x128xf32, #tpu.memory_space<vmem_shared>>) target(%dma_start3A_80 : memref<16x128xf32, #tpu.memory_space<hbm>>) target_semaphore(%run_scoped3A_77 : memref<!tpu.dma_semaphore, #tpu.memory_space<semaphore_mem>>)
        %dma_wait3A = arith.constant 0 : i32
        %dma_wait3A_83 = tpu.memref_slice %arg5[%arg0, %mul3A_76, %dma_wait3A] : memref<2x10016x128xf32, #tpu.memory_space<hbm>> -> memref<1x16x128xf32, #tpu.memory_space<hbm>>
        %dma_wait3A_84 = tpu.memref_squeeze %dma_wait3A_83 : memref<1x16x128xf32, #tpu.memory_space<hbm>> -> memref<16x128xf32, #tpu.memory_space<hbm>>
        %dma_wait3A_85 = arith.constant 0 : i32
        %dma_wait3A_86 = tpu.memref_slice %arg10[%mul3A_76, %dma_wait3A_85] : memref<10016x128xf32, #tpu.memory_space<vmem_shared>> -> memref<16x128xf32, #tpu.memory_space<vmem_shared>>
        tpu.wait_dma2 semaphore(%run_scoped3A_77 : memref<!tpu.dma_semaphore, #tpu.memory_space<semaphore_mem>>) src(%dma_wait3A_86 : memref<16x128xf32, #tpu.memory_space<vmem_shared>>) dst(%dma_wait3A_84 : memref<16x128xf32, #tpu.memory_space<hbm>>)
        tpu.yield
      }) : () -> ()
    }
    %while3A_70 = arith.constant 1 : i32
    scf.for %while3A_71 = %while3A_68 to %while3A_64 step %while3A_70  : i32 {
      %mul3A_72 = arith.constant 16 : i32
      %mul3A_73 = arith.muli %while3A_71, %mul3A_72 : i32
      %add3A_74 = arith.addi %arg1, %mul3A_73 : i32
      %mul3A_75 = arith.constant 16 : i32
      %mul3A_76 = arith.muli %add3A_74, %mul3A_75 : i32
      "tpu.region"() ({
        %run_scoped3A_77 = tpu.sem_alloc : memref<!tpu.dma_semaphore, #tpu.memory_space<semaphore_mem>>
        %dma_start3A_78 = arith.constant 0 : i32
        %dma_start3A_79 = tpu.memref_slice %arg5[%arg0, %mul3A_76, %dma_start3A_78] : memref<2x10016x128xf32, #tpu.memory_space<hbm>> -> memref<1x16x128xf32, #tpu.memory_space<hbm>>
        %dma_start3A_80 = tpu.memref_squeeze %dma_start3A_79 : memref<1x16x128xf32, #tpu.memory_space<hbm>> -> memref<16x128xf32, #tpu.memory_space<hbm>>
        %dma_start3A_81 = arith.constant 0 : i32
        %dma_start3A_82 = tpu.memref_slice %arg10[%mul3A_76, %dma_start3A_81] : memref<10016x128xf32, #tpu.memory_space<vmem_shared>> -> memref<16x128xf32, #tpu.memory_space<vmem_shared>>
        tpu.enqueue_dma source(%dma_start3A_82 : memref<16x128xf32, #tpu.memory_space<vmem_shared>>) target(%dma_start3A_80 : memref<16x128xf32, #tpu.memory_space<hbm>>) target_semaphore(%run_scoped3A_77 : memref<!tpu.dma_semaphore, #tpu.memory_space<semaphore_mem>>)
        %dma_wait3A = arith.constant 0 : i32
        %dma_wait3A_83 = tpu.memref_slice %arg5[%arg0, %mul3A_76, %dma_wait3A] : memref<2x10016x128xf32, #tpu.memory_space<hbm>> -> memref<1x16x128xf32, #tpu.memory_space<hbm>>
        %dma_wait3A_84 = tpu.memref_squeeze %dma_wait3A_83 : memref<1x16x128xf32, #tpu.memory_space<hbm>> -> memref<16x128xf32, #tpu.memory_space<hbm>>
        %dma_wait3A_85 = arith.constant 0 : i32
        %dma_wait3A_86 = tpu.memref_slice %arg10[%mul3A_76, %dma_wait3A_85] : memref<10016x128xf32, #tpu.memory_space<vmem_shared>> -> memref<16x128xf32, #tpu.memory_space<vmem_shared>>
        tpu.wait_dma2 semaphore(%run_scoped3A_77 : memref<!tpu.dma_semaphore, #tpu.memory_space<semaphore_mem>>) src(%dma_wait3A_86 : memref<16x128xf32, #tpu.memory_space<vmem_shared>>) dst(%dma_wait3A_84 : memref<16x128xf32, #tpu.memory_space<hbm>>)
        tpu.yield
      }) : () -> ()
    }
    return
  }
}

module attributes {stable_mosaic.version = 14 : i64} {
  func.func @_prep_body(%arg0: memref<2x2x10016x16xf32, #tpu.memory_space<vmem>>, %arg1: memref<10000x128xf32, #tpu.memory_space<vmem>>, %arg2: memref<10016x128xf32, #tpu.memory_space<vmem>>, %arg3: memref<2x10016x1xf32, #tpu.memory_space<vmem>>) attributes {dimension_semantics = [], scalar_prefetch = 0 : i64, scratch_operands = 0 : i64, tpu.core_type = #tpu.core_type<tc>} {
    %get3A = arith.constant 0 : index
    %get3A_0 = arith.constant 0 : index
    %get3A_1 = arith.constant 0 : index
    %get3A_2 = arith.constant 0 : index
    %get3A_3 = vector.load %arg0[%get3A, %get3A_0, %get3A_1, %get3A_2] : memref<2x2x10016x16xf32, #tpu.memory_space<vmem>>, vector<1x2x10016x16xf32>
    %get3A_4 = vector.shape_cast %get3A_3 : vector<1x2x10016x16xf32> to vector<2x10016x16xf32>
    %get3A_5 = arith.constant 1 : index
    %get3A_6 = arith.constant 0 : index
    %get3A_7 = arith.constant 0 : index
    %get3A_8 = arith.constant 0 : index
    %get3A_9 = vector.load %arg0[%get3A_5, %get3A_6, %get3A_7, %get3A_8] : memref<2x2x10016x16xf32, #tpu.memory_space<vmem>>, vector<1x2x10016x16xf32>
    %get3A_10 = vector.shape_cast %get3A_9 : vector<1x2x10016x16xf32> to vector<2x10016x16xf32>
    %add3A = arith.addf %get3A_4, %get3A_10 : vector<2x10016x16xf32>
    %slice3A = vector.extract_strided_slice %add3A {offsets = [0, 0, 0], sizes = [2, 10016, 1], strides = [1, 1, 1]} : vector<2x10016x16xf32> to vector<2x10016x1xf32>
    %max3A = arith.constant 1.000000e+00 : f32
    %max3A_11 = vector.broadcast %max3A : f32 to vector<2x10016x1xf32>
    %max3A_12 = arith.maximumf %slice3A, %max3A_11 : vector<2x10016x1xf32>
    %rsqrt3A = math.rsqrt %max3A_12 : vector<2x10016x1xf32>
    %iota3A = tpu.iota {dimensions = array<i32: 1>} : vector<1x10016x1xi32>
    %lt3A = arith.constant 10000 : i32
    %lt3A_13 = vector.broadcast %lt3A : i32 to vector<1x10016x1xi32>
    %lt3A_14 = arith.cmpi slt, %iota3A, %lt3A_13 : vector<1x10016x1xi32>
    %jit3A = arith.constant 0.000000e+00 : f32
    %broadcast_in_dim3A = vector.shape_cast %lt3A_14 : vector<1x10016x1xi1> to vector<1x10016x1xi1>
    %broadcast_in_dim3A_15 = vector.broadcast %broadcast_in_dim3A : vector<1x10016x1xi1> to vector<2x10016x1xi1>
    %broadcast_in_dim3A_16 = vector.broadcast %jit3A : f32 to vector<2x10016x1xf32>
    %select_n3A = arith.select %broadcast_in_dim3A_15, %rsqrt3A, %broadcast_in_dim3A_16 : vector<2x10016x1xi1>, vector<2x10016x1xf32>
    %swap3A = arith.constant 0 : index
    %swap3A_17 = arith.constant 0 : index
    %swap3A_18 = arith.constant 0 : index
    %swap3A_19 = vector.load %arg3[%swap3A, %swap3A_17, %swap3A_18] : memref<2x10016x1xf32, #tpu.memory_space<vmem>>, vector<2x10016x1xf32>
    tpu.vector_store %arg3[%swap3A, %swap3A_17, %swap3A_18], %select_n3A {strides = array<i32>} : memref<2x10016x1xf32, #tpu.memory_space<vmem>>, vector<2x10016x1xf32>,
    %get3A_20 = arith.constant 0 : index
    %get3A_21 = arith.constant 0 : index
    %get3A_22 = vector.load %arg1[%get3A_20, %get3A_21] : memref<10000x128xf32, #tpu.memory_space<vmem>>, vector<10000x128xf32>
    %slice3A_23 = vector.extract_strided_slice %select_n3A {offsets = [0, 0, 0], sizes = [1, 10000, 1], strides = [1, 1, 1]} : vector<2x10016x1xf32> to vector<1x10000x1xf32>
    %squeeze3A = vector.shape_cast %slice3A_23 : vector<1x10000x1xf32> to vector<10000x1xf32>
    %mul3A = vector.broadcast %squeeze3A : vector<10000x1xf32> to vector<10000x128xf32>
    %mul3A_24 = arith.mulf %get3A_22, %mul3A : vector<10000x128xf32>
    %swap3A_25 = arith.constant 0 : index
    %swap3A_26 = arith.constant 0 : index
    %swap3A_27 = vector.load %arg2[%swap3A_25, %swap3A_26] : memref<10016x128xf32, #tpu.memory_space<vmem>>, vector<10000x128xf32>
    tpu.vector_store %arg2[%swap3A_25, %swap3A_26], %mul3A_24 {strides = array<i32>} : memref<10016x128xf32, #tpu.memory_space<vmem>>, vector<10000x128xf32>,
    %broadcast_in_dim3A_28 = arith.constant 0.000000e+00 : f32
    %broadcast_in_dim3A_29 = vector.broadcast %broadcast_in_dim3A_28 : f32 to vector<16x128xf32>
    %swap3A_30 = arith.constant 10000 : index
    %swap3A_31 = arith.constant 0 : index
    %swap3A_32 = vector.load %arg2[%swap3A_30, %swap3A_31] : memref<10016x128xf32, #tpu.memory_space<vmem>>, vector<16x128xf32>
    tpu.vector_store %arg2[%swap3A_30, %swap3A_31], %broadcast_in_dim3A_29 {strides = array<i32>} : memref<10016x128xf32, #tpu.memory_space<vmem>>, vector<16x128xf32>,
    return
  }
}

module attributes {stable_mosaic.version = 14 : i64} {
  func.func @_dense_body(%arg0: memref<2x10016x128xf32, #tpu.memory_space<vmem>>, %arg1: memref<10016x1xf32, #tpu.memory_space<vmem>>, %arg2: memref<10016x1xf32, #tpu.memory_space<vmem>>, %arg3: memref<128x128xf32, #tpu.memory_space<vmem>>, %arg4: memref<1x128xf32, #tpu.memory_space<vmem>>, %arg5: memref<1x128xf32, #tpu.memory_space<vmem>>, %arg6: memref<1x128xf32, #tpu.memory_space<vmem>>, %arg7: memref<10016x128xf32, #tpu.memory_space<vmem>>) attributes {dimension_semantics = [], scalar_prefetch = 0 : i64, scratch_operands = 0 : i64, tpu.core_type = #tpu.core_type<tc>} {
    %get3A = arith.constant 0 : index
    %get3A_0 = arith.constant 0 : index
    %get3A_1 = arith.constant 0 : index
    %get3A_2 = vector.load %arg0[%get3A, %get3A_0, %get3A_1] : memref<2x10016x128xf32, #tpu.memory_space<vmem>>, vector<1x10016x128xf32>
    %get3A_3 = vector.shape_cast %get3A_2 : vector<1x10016x128xf32> to vector<10016x128xf32>
    %get3A_4 = arith.constant 1 : index
    %get3A_5 = arith.constant 0 : index
    %get3A_6 = arith.constant 0 : index
    %get3A_7 = vector.load %arg0[%get3A_4, %get3A_5, %get3A_6] : memref<2x10016x128xf32, #tpu.memory_space<vmem>>, vector<1x10016x128xf32>
    %get3A_8 = vector.shape_cast %get3A_7 : vector<1x10016x128xf32> to vector<10016x128xf32>
    %add3A = arith.addf %get3A_3, %get3A_8 : vector<10016x128xf32>
    %get3A_9 = arith.constant 0 : index
    %get3A_10 = arith.constant 0 : index
    %get3A_11 = vector.load %arg1[%get3A_9, %get3A_10] : memref<10016x1xf32, #tpu.memory_space<vmem>>, vector<10016x1xf32>
    %mul3A = vector.broadcast %get3A_11 : vector<10016x1xf32> to vector<10016x128xf32>
    %mul3A_12 = arith.mulf %add3A, %mul3A : vector<10016x128xf32>
    %get3A_13 = arith.constant 0 : index
    %get3A_14 = arith.constant 0 : index
    %get3A_15 = vector.load %arg3[%get3A_13, %get3A_14] : memref<128x128xf32, #tpu.memory_space<vmem>>, vector<128x128xf32>
    %dot_general3A = arith.constant dense<0.000000e+00> : vector<10016x128xf32>
    %dot_general3A_16 = tpu.matmul %mul3A_12, %get3A_15, %dot_general3A {dimension_numbers = #tpu.dot_dimension_numbers<[1], [0], [0], [1], [0, 0, 1, 1], [], []>, transpose_lhs_hint = false} : vector<10016x128xf32>, vector<128x128xf32>, vector<10016x128xf32> -> vector<10016x128xf32>
    %get3A_17 = arith.constant 0 : index
    %get3A_18 = arith.constant 0 : index
    %get3A_19 = vector.load %arg4[%get3A_17, %get3A_18] : memref<1x128xf32, #tpu.memory_space<vmem>>, vector<1x128xf32>
    %add3A_20 = vector.broadcast %get3A_19 : vector<1x128xf32> to vector<10016x128xf32>
    %add3A_21 = arith.addf %dot_general3A_16, %add3A_20 : vector<10016x128xf32>
    %slice3A = vector.extract_strided_slice %add3A_21 {offsets = [0, 0], sizes = [10000, 128], strides = [1, 1]} : vector<10016x128xf32> to vector<10000x128xf32>
    %reduce_sum3A = arith.constant dense<0.000000e+00> : vector<128xf32>
    %reduce_sum3A_22 = vector.multi_reduction <add>, %slice3A, %reduce_sum3A [0] : vector<10000x128xf32> to vector<128xf32>
    %broadcast_in_dim3A = vector.shape_cast %reduce_sum3A_22 : vector<128xf32> to vector<1x128xf32>
    %div3A = arith.constant 1.000000e+04 : f32
    %div3A_23 = vector.broadcast %div3A : f32 to vector<1x128xf32>
    %div3A_24 = arith.divf %broadcast_in_dim3A, %div3A_23 : vector<1x128xf32>
    %sub3A = vector.broadcast %div3A_24 : vector<1x128xf32> to vector<10000x128xf32>
    %sub3A_25 = arith.subf %slice3A, %sub3A : vector<10000x128xf32>
    %integer_pow3A = arith.mulf %sub3A_25, %sub3A_25 : vector<10000x128xf32>
    %reduce_sum3A_26 = arith.constant dense<0.000000e+00> : vector<128xf32>
    %reduce_sum3A_27 = vector.multi_reduction <add>, %integer_pow3A, %reduce_sum3A_26 [0] : vector<10000x128xf32> to vector<128xf32>
    %broadcast_in_dim3A_28 = vector.shape_cast %reduce_sum3A_27 : vector<128xf32> to vector<1x128xf32>
    %div3A_29 = arith.constant 1.000000e+04 : f32
    %div3A_30 = vector.broadcast %div3A_29 : f32 to vector<1x128xf32>
    %div3A_31 = arith.divf %broadcast_in_dim3A_28, %div3A_30 : vector<1x128xf32>
    %sub3A_32 = vector.broadcast %div3A_24 : vector<1x128xf32> to vector<10016x128xf32>
    %sub3A_33 = arith.subf %add3A_21, %sub3A_32 : vector<10016x128xf32>
    %add3A_34 = arith.constant 9.99999974E-6 : f32
    %add3A_35 = vector.broadcast %add3A_34 : f32 to vector<1x128xf32>
    %add3A_36 = arith.addf %div3A_31, %add3A_35 : vector<1x128xf32>
    %rsqrt3A = math.rsqrt %add3A_36 : vector<1x128xf32>
    %mul3A_37 = vector.broadcast %rsqrt3A : vector<1x128xf32> to vector<10016x128xf32>
    %mul3A_38 = arith.mulf %sub3A_33, %mul3A_37 : vector<10016x128xf32>
    %get3A_39 = arith.constant 0 : index
    %get3A_40 = arith.constant 0 : index
    %get3A_41 = vector.load %arg5[%get3A_39, %get3A_40] : memref<1x128xf32, #tpu.memory_space<vmem>>, vector<1x128xf32>
    %mul3A_42 = vector.broadcast %get3A_41 : vector<1x128xf32> to vector<10016x128xf32>
    %mul3A_43 = arith.mulf %mul3A_38, %mul3A_42 : vector<10016x128xf32>
    %get3A_44 = arith.constant 0 : index
    %get3A_45 = arith.constant 0 : index
    %get3A_46 = vector.load %arg6[%get3A_44, %get3A_45] : memref<1x128xf32, #tpu.memory_space<vmem>>, vector<1x128xf32>
    %add3A_47 = vector.broadcast %get3A_46 : vector<1x128xf32> to vector<10016x128xf32>
    %add3A_48 = arith.addf %mul3A_43, %add3A_47 : vector<10016x128xf32>
    %max3A = arith.constant 0.000000e+00 : f32
    %max3A_49 = vector.broadcast %max3A : f32 to vector<10016x128xf32>
    %max3A_50 = arith.maximumf %add3A_48, %max3A_49 : vector<10016x128xf32>
    %get3A_51 = arith.constant 0 : index
    %get3A_52 = arith.constant 0 : index
    %get3A_53 = vector.load %arg2[%get3A_51, %get3A_52] : memref<10016x1xf32, #tpu.memory_space<vmem>>, vector<10016x1xf32>
    %mul3A_54 = vector.broadcast %get3A_53 : vector<10016x1xf32> to vector<10016x128xf32>
    %mul3A_55 = arith.mulf %max3A_50, %mul3A_54 : vector<10016x128xf32>
    %swap3A = arith.constant 0 : index
    %swap3A_56 = arith.constant 0 : index
    %swap3A_57 = vector.load %arg7[%swap3A, %swap3A_56] : memref<10016x128xf32, #tpu.memory_space<vmem>>, vector<10016x128xf32>
    tpu.vector_store %arg7[%swap3A, %swap3A_56], %mul3A_55 {strides = array<i32>} : memref<10016x128xf32, #tpu.memory_space<vmem>>, vector<10016x128xf32>,
    return
  }
}

module attributes {stable_mosaic.version = 14 : i64} {
  func.func @_head_body(%arg0: memref<2x10016x128xf32, #tpu.memory_space<vmem>>, %arg1: memref<10016x1xf32, #tpu.memory_space<vmem>>, %arg2: memref<128x128xf32, #tpu.memory_space<vmem>>, %arg3: memref<1x128xf32, #tpu.memory_space<vmem>>, %arg4: memref<1x128xf32, #tpu.memory_space<vmem>>, %arg5: memref<1x128xf32, #tpu.memory_space<vmem>>, %arg6: memref<128x2xf32, #tpu.memory_space<vmem>>, %arg7: memref<1x2xf32, #tpu.memory_space<vmem>>, %arg8: memref<1x2xf32, #tpu.memory_space<vmem>>) attributes {dimension_semantics = [], scalar_prefetch = 0 : i64, scratch_operands = 0 : i64, tpu.core_type = #tpu.core_type<tc>} {
    %get3A = arith.constant 0 : index
    %get3A_0 = arith.constant 0 : index
    %get3A_1 = arith.constant 0 : index
    %get3A_2 = vector.load %arg0[%get3A, %get3A_0, %get3A_1] : memref<2x10016x128xf32, #tpu.memory_space<vmem>>, vector<1x10016x128xf32>
    %get3A_3 = vector.shape_cast %get3A_2 : vector<1x10016x128xf32> to vector<10016x128xf32>
    %get3A_4 = arith.constant 1 : index
    %get3A_5 = arith.constant 0 : index
    %get3A_6 = arith.constant 0 : index
    %get3A_7 = vector.load %arg0[%get3A_4, %get3A_5, %get3A_6] : memref<2x10016x128xf32, #tpu.memory_space<vmem>>, vector<1x10016x128xf32>
    %get3A_8 = vector.shape_cast %get3A_7 : vector<1x10016x128xf32> to vector<10016x128xf32>
    %add3A = arith.addf %get3A_3, %get3A_8 : vector<10016x128xf32>
    %get3A_9 = arith.constant 0 : index
    %get3A_10 = arith.constant 0 : index
    %get3A_11 = vector.load %arg1[%get3A_9, %get3A_10] : memref<10016x1xf32, #tpu.memory_space<vmem>>, vector<10016x1xf32>
    %mul3A = vector.broadcast %get3A_11 : vector<10016x1xf32> to vector<10016x128xf32>
    %mul3A_12 = arith.mulf %add3A, %mul3A : vector<10016x128xf32>
    %get3A_13 = arith.constant 0 : index
    %get3A_14 = arith.constant 0 : index
    %get3A_15 = vector.load %arg2[%get3A_13, %get3A_14] : memref<128x128xf32, #tpu.memory_space<vmem>>, vector<128x128xf32>
    %dot_general3A = arith.constant dense<0.000000e+00> : vector<10016x128xf32>
    %dot_general3A_16 = tpu.matmul %mul3A_12, %get3A_15, %dot_general3A {dimension_numbers = #tpu.dot_dimension_numbers<[1], [0], [0], [1], [0, 0, 1, 1], [], []>, transpose_lhs_hint = false} : vector<10016x128xf32>, vector<128x128xf32>, vector<10016x128xf32> -> vector<10016x128xf32>
    %get3A_17 = arith.constant 0 : index
    %get3A_18 = arith.constant 0 : index
    %get3A_19 = vector.load %arg3[%get3A_17, %get3A_18] : memref<1x128xf32, #tpu.memory_space<vmem>>, vector<1x128xf32>
    %add3A_20 = vector.broadcast %get3A_19 : vector<1x128xf32> to vector<10016x128xf32>
    %add3A_21 = arith.addf %dot_general3A_16, %add3A_20 : vector<10016x128xf32>
    %slice3A = vector.extract_strided_slice %add3A_21 {offsets = [0, 0], sizes = [10000, 128], strides = [1, 1]} : vector<10016x128xf32> to vector<10000x128xf32>
    %reduce_sum3A = arith.constant dense<0.000000e+00> : vector<128xf32>
    %reduce_sum3A_22 = vector.multi_reduction <add>, %slice3A, %reduce_sum3A [0] : vector<10000x128xf32> to vector<128xf32>
    %broadcast_in_dim3A = vector.shape_cast %reduce_sum3A_22 : vector<128xf32> to vector<1x128xf32>
    %div3A = arith.constant 1.000000e+04 : f32
    %div3A_23 = vector.broadcast %div3A : f32 to vector<1x128xf32>
    %div3A_24 = arith.divf %broadcast_in_dim3A, %div3A_23 : vector<1x128xf32>
    %sub3A = vector.broadcast %div3A_24 : vector<1x128xf32> to vector<10000x128xf32>
    %sub3A_25 = arith.subf %slice3A, %sub3A : vector<10000x128xf32>
    %integer_pow3A = arith.mulf %sub3A_25, %sub3A_25 : vector<10000x128xf32>
    %reduce_sum3A_26 = arith.constant dense<0.000000e+00> : vector<128xf32>
    %reduce_sum3A_27 = vector.multi_reduction <add>, %integer_pow3A, %reduce_sum3A_26 [0] : vector<10000x128xf32> to vector<128xf32>
    %broadcast_in_dim3A_28 = vector.shape_cast %reduce_sum3A_27 : vector<128xf32> to vector<1x128xf32>
    %div3A_29 = arith.constant 1.000000e+04 : f32
    %div3A_30 = vector.broadcast %div3A_29 : f32 to vector<1x128xf32>
    %div3A_31 = arith.divf %broadcast_in_dim3A_28, %div3A_30 : vector<1x128xf32>
    %sub3A_32 = vector.broadcast %div3A_24 : vector<1x128xf32> to vector<10016x128xf32>
    %sub3A_33 = arith.subf %add3A_21, %sub3A_32 : vector<10016x128xf32>
    %add3A_34 = arith.constant 9.99999974E-6 : f32
    %add3A_35 = vector.broadcast %add3A_34 : f32 to vector<1x128xf32>
    %add3A_36 = arith.addf %div3A_31, %add3A_35 : vector<1x128xf32>
    %rsqrt3A = math.rsqrt %add3A_36 : vector<1x128xf32>
    %mul3A_37 = vector.broadcast %rsqrt3A : vector<1x128xf32> to vector<10016x128xf32>
    %mul3A_38 = arith.mulf %sub3A_33, %mul3A_37 : vector<10016x128xf32>
    %get3A_39 = arith.constant 0 : index
    %get3A_40 = arith.constant 0 : index
    %get3A_41 = vector.load %arg4[%get3A_39, %get3A_40] : memref<1x128xf32, #tpu.memory_space<vmem>>, vector<1x128xf32>
    %mul3A_42 = vector.broadcast %get3A_41 : vector<1x128xf32> to vector<10016x128xf32>
    %mul3A_43 = arith.mulf %mul3A_38, %mul3A_42 : vector<10016x128xf32>
    %get3A_44 = arith.constant 0 : index
    %get3A_45 = arith.constant 0 : index
    %get3A_46 = vector.load %arg5[%get3A_44, %get3A_45] : memref<1x128xf32, #tpu.memory_space<vmem>>, vector<1x128xf32>
    %add3A_47 = vector.broadcast %get3A_46 : vector<1x128xf32> to vector<10016x128xf32>
    %add3A_48 = arith.addf %mul3A_43, %add3A_47 : vector<10016x128xf32>
    %max3A = arith.constant 0.000000e+00 : f32
    %max3A_49 = vector.broadcast %max3A : f32 to vector<10016x128xf32>
    %max3A_50 = arith.maximumf %add3A_48, %max3A_49 : vector<10016x128xf32>
    %slice3A_51 = vector.extract_strided_slice %max3A_50 {offsets = [0, 0], sizes = [10000, 128], strides = [1, 1]} : vector<10016x128xf32> to vector<10000x128xf32>
    %reduce_sum3A_52 = arith.constant dense<0.000000e+00> : vector<128xf32>
    %reduce_sum3A_53 = vector.multi_reduction <add>, %slice3A_51, %reduce_sum3A_52 [0] : vector<10000x128xf32> to vector<128xf32>
    %broadcast_in_dim3A_54 = vector.shape_cast %reduce_sum3A_53 : vector<128xf32> to vector<1x128xf32>
    %div3A_55 = arith.constant 1.000000e+04 : f32
    %div3A_56 = vector.broadcast %div3A_55 : f32 to vector<1x128xf32>
    %div3A_57 = arith.divf %broadcast_in_dim3A_54, %div3A_56 : vector<1x128xf32>
    %get3A_58 = arith.constant 0 : index
    %get3A_59 = arith.constant 0 : index
    %get3A_60 = vector.load %arg6[%get3A_58, %get3A_59] : memref<128x2xf32, #tpu.memory_space<vmem>>, vector<128x2xf32>
    %dot_general3A_61 = arith.constant dense<0.000000e+00> : vector<1x2xf32>
    %dot_general3A_62 = tpu.matmul %div3A_57, %get3A_60, %dot_general3A_61 {dimension_numbers = #tpu.dot_dimension_numbers<[1], [0], [0], [1], [0, 0, 1, 1], [], []>, transpose_lhs_hint = false} : vector<1x128xf32>, vector<128x2xf32>, vector<1x2xf32> -> vector<1x2xf32>
    %get3A_63 = arith.constant 0 : index
    %get3A_64 = arith.constant 0 : index
    %get3A_65 = vector.load %arg7[%get3A_63, %get3A_64] : memref<1x2xf32, #tpu.memory_space<vmem>>, vector<1x2xf32>
    %add3A_66 = arith.addf %dot_general3A_62, %get3A_65 : vector<1x2xf32>
    %swap3A = arith.constant 0 : index
    %swap3A_67 = arith.constant 0 : index
    %swap3A_68 = vector.load %arg8[%swap3A, %swap3A_67] : memref<1x2xf32, #tpu.memory_space<vmem>>, vector<1x2xf32>
    tpu.vector_store %arg8[%swap3A, %swap3A_67], %add3A_66 {strides = array<i32>} : memref<1x2xf32, #tpu.memory_space<vmem>>, vector<1x2xf32>,
    return
  }
}

</mosaic_0001>

<sc_bundles>
// kernel: kernel.11.cloned.1.call-start
scs
__scs_entry_jumppad:
0x0: {  	(pc) =	sbr.rel $0x88, $3  }
0x1: {  	(tag) =	ssettag $0x0;
	lr =	simm.s32 $0x1  }
0x2: {  	[smem:$0x3F95] =	sst lr;
	_ =	strace $0xD0000000  }
0x3: {  	_ = 	snop  }
0x4: {  	_ = 	snop  }
0x5: {  	_ = 	snop  }
0x6: {  	_ = 	snop  }
0x7: {  	_ = 	snop  }
__scs_overlays_trampoline_lowered:
0x8: {  	[smem:$0x3FA4] =	sst s0  }
0x9: {  	[smem:$0x3FA5] =	sst s1  }
0xa: {  	[smem:$0x3FA6] =	sst s2  }
0xb: {  	[smem:$0x3FA7] =	sst s3  }
0xc: {  	[smem:$0x3FA8] =	sst s4  }
0xd: {  	[smem:$0x3FA9] =	sst s5  }
0xe: {  	[smem:$0x3FAA] =	sst s6  }
0xf: {  	[smem:$0x3FAB] =	sst s7  }
0x10: {  	[smem:$0x3FAC] =	sst s8  }
0x11: {  	[smem:$0x3FAD] =	sst s9;
	s0 =	simm.s32 @!p0 $0x0  }
0x12: {  	s1 =	sld [smem:$0x3F93];
	s0 =	simm.s32 @p0 $0x1  }
0x13: {  	[smem:$0x3FAE] =	sst s0;
	s0 =	simm.s32 @!p1 $0x0  }
0x14: {  	s2 =	sld [smem:$0x3F92];
	s0 =	simm.s32 @p1 $0x1  }
0x15: {  	[smem:$0x3FAF] =	sst s0;
	s0 =	simm.s32 @!p2 $0x0  }
0x16: {  	s3 =	sld [smem:$0x3FDB];
	s0 =	simm.s32 @p2 $0x1  }
0x17: {  	s4 =	simm.s32 $0x1BF5;
	[smem:$0x3FB1] =	sst s0  }
0x18: {  	s0 =	sld [smem:$0x3F94];
	_ =	swait.ge [sflag:s4], $0x0  }
0x19: {  	s7 =	sld [smem:$0x3F95]  }
0x1a: {  	s8 =	sadd.s32 $0xFFFFE003, lr  }
0x1b: {  	s9 =	sadd.s32 $0xFFFFFEF7, lr;
	s5 =	simm.s32 $0xFFFFFFFF;
	p2 =	slt.u32 s8, $0xFFFFF086  }
0x1c: {  	p1 =	slt.u32 s9, $0xF7A;
	s5 =	simm.s32 @!p2 $0x0  }
0x1d: {  	s5 =	simm.s32 @p1 $0x1;
	p0 =	seq.s32 s7, s2  }
0x1e: {  	s7 =	smul.u32 @!p0 $0xF7A, s2;
	p2 =	seq.s32 @!p0 s5, $0x0  }
0x1f: {  	s9 =	smul.u32 $0xF7A, s1;
	s8 =	simm.s32 @!p0 $0x1BF5;
	p2 =	por !p2, p0  }
0x20: {  	[sflag:s8] =	ssyncset.s32 @!p0 $0xFFFFF086;
	s6 =	sadd.s32 @!p0 s3, s7;
	s7 =	simm.s32 @!p0 $0x108  }
0x21: {  	s3 =	sadd.s32 s3, s9;
	s6 =	sadd.s32 @!p0 $0x88, s6;
	s7 =	simm.s32 @p2 $0x1082  }
0x22: {  	[simem:s7], [sflag:s8] =	dma.local @!p0 [hbm:s6], $0xF7A  }
0x23: {  	s9 =	sor.u32 $0xD0000000, s2;
	s6 =	simm.s32 $0x108;
	_ =	swait.ge @!p0 [sflag:s8], $0x0  }
0x24: {  	s3 =	sadd.s32 $0x88, s3;
	s6 =	simm.s32 @!p1 $0x1082;
	[sflag:s4] =	ssyncset.s32 $0xFFFFF086  }
0x25: {  	[simem:s6], [sflag:s4] =	dma.local [hbm:s3], $0xF7A  }
0x26: {  	[smem:$0x3F95] =	sst s1;
	(tag) =	ssettag s2;
	_ =	strace s9  }
0x27: {  	s1 =	sld [smem:$0x3FA5]  }
0x28: {  	s2 =	sld [smem:$0x3FA6]  }
0x29: {  	s4 =	sld [smem:$0x3FA8]  }
0x2a: {  	p0 =	seq.s32 s5, $0x0;
	s5 =	sld [smem:$0x3FA9]  }
0x2b: {  	s6 =	sld [smem:$0x3FAA]  }
0x2c: {  	s7 =	sld [smem:$0x3FAB]  }
0x2d: {  	s3 =	simm.s32 $0x108;
	s8 =	sld [smem:$0x3FAC]  }
0x2e: {  	s3 =	simm.s32 @!p0 $0x1082;
	s9 =	sld [smem:$0x3FAD]  }
0x2f: {  	lr =	sadd.s32 s0, s3;
	s0 =	sld [smem:$0x3FA4]  }
0x30: {  	s3 =	sld [smem:$0x3FA7]  }
0x31: {  	[smem:$0x3FB0] =	sst s10  }
0x32: {  	s10 =	sld [smem:$0x3FAE];
	_ =	sdelay $0x3  }
0x33: {  	p0 =	seq.s32 s10, $0x1;
	s10 =	sld [smem:$0x3FB0];
	_ =	sdelay $0x3  }
0x34: {  	[smem:$0x3FB0] =	sst s10  }
0x35: {  	s10 =	sld [smem:$0x3FAF];
	_ =	sdelay $0x3  }
0x36: {  	p1 =	seq.s32 s10, $0x1;
	s10 =	sld [smem:$0x3FB0];
	_ =	sdelay $0x3  }
0x37: {  	[smem:$0x3FB0] =	sst s10  }
0x38: {  	s10 =	sld [smem:$0x3FB1]  }
0x39: {  	_ = 	snop;
	(pc) =	sbr.ind lr, $3  }
0x3a: {  	_ = 	snop  }
0x3b: {  	_ = 	snop  }
0x3c: {  	p2 =	seq.s32 s10, $0x1;
	s10 =	sld [smem:$0x3FB0]  }
0x3d: {  	_ =	shalt  }
0x3e: {  	_ =	shalt  }
0x3f: {  	_ =	shalt  }
0x40: {  	_ =	shalt  }
0x41: {  	_ =	shalt  }
0x42: {  	_ =	shalt  }
0x43: {  	_ =	shalt  }
0x44: {  	_ =	shalt  }
0x45: {  	_ =	shalt  }
0x46: {  	_ =	shalt  }
0x47: {  	_ =	shalt  }
0x48: {  	_ =	shalt  }
0x49: {  	_ =	shalt  }
0x4a: {  	_ =	shalt  }
0x4b: {  	_ =	shalt  }
0x4c: {  	_ =	shalt  }
0x4d: {  	_ =	shalt  }
0x4e: {  	_ =	shalt  }
0x4f: {  	_ =	shalt  }
0x50: {  	_ =	shalt  }
0x51: {  	_ =	shalt  }
0x52: {  	_ =	shalt  }
0x53: {  	_ =	shalt  }
0x54: {  	_ =	shalt  }
0x55: {  	_ =	shalt  }
0x56: {  	_ =	shalt  }
0x57: {  	_ =	shalt  }
0x58: {  	_ =	shalt  }
0x59: {  	_ =	shalt  }
0x5a: {  	_ =	shalt  }
0x5b: {  	_ =	shalt  }
0x5c: {  	_ =	shalt  }
0x5d: {  	_ =	shalt  }
0x5e: {  	_ =	shalt  }
0x5f: {  	_ =	shalt  }
0x60: {  	_ =	shalt  }
0x61: {  	_ =	shalt  }
0x62: {  	_ =	shalt  }
0x63: {  	_ =	shalt  }
0x64: {  	_ =	shalt  }
0x65: {  	_ =	shalt  }
0x66: {  	_ =	shalt  }
0x67: {  	_ =	shalt  }
0x68: {  	_ =	shalt  }
0x69: {  	_ =	shalt  }
0x6a: {  	_ =	shalt  }
0x6b: {  	_ =	shalt  }
0x6c: {  	_ =	shalt  }
0x6d: {  	_ =	shalt  }
0x6e: {  	_ =	shalt  }
0x6f: {  	_ =	shalt  }
0x70: {  	_ =	shalt  }
0x71: {  	_ =	shalt  }
0x72: {  	_ =	shalt  }
0x73: {  	_ =	shalt  }
0x74: {  	_ =	shalt  }
0x75: {  	_ =	shalt  }
0x76: {  	_ =	shalt  }
0x77: {  	_ =	shalt  }
0x78: {  	_ =	shalt  }
0x79: {  	_ =	shalt  }
0x7a: {  	_ =	shalt  }
0x7b: {  	_ =	shalt  }
0x7c: {  	_ =	shalt  }
0x7d: {  	_ =	shalt  }
0x7e: {  	_ =	shalt  }
0x7f: {  	_ =	shalt  }
0x80: {  	_ =	shalt  }
0x81: {  	_ =	shalt  }
0x82: {  	_ =	shalt  }
0x83: {  	_ =	shalt  }
0x84: {  	_ =	shalt  }
0x85: {  	_ =	shalt  }
0x86: {  	_ =	shalt  }
0x87: {  	_ =	shalt  }
.Lfunc_end0:
.L_simem_size_0:
called_computation.1_lowered:
.L_overlay_start_0:
0x88: {  	s2 =	sld [smem:$0x3FD9]  }
0x89: {  	s3 =	sld [smem:$0x3FFE];
	_ =	sdelay $0x1  }
0x8a: {  	s1 =	srdreg.scid  }
0x8b: {  	s0 =	sand.u32 $0x1, s1  }
0x8c: {  	s16 =	sshll.u32 s0, $0xA;
	s2 =	sadd.s32 s3, s2  }
0x8d: {  	s2 =	sadd.s32 s2, s16  }
0x8e: {  	[smem:$0x3FBC] =	sst s2  }
0x8f: {  	_ = 	snop  }
0x90: {  	(tm) =	ssettm $0x1  }
0x91: {  	s17 =	sld [smem:$0x3FFB];
	_ =	sdelay $0x3  }
0x92: {  	_ =	strace s17  }
0x93: {  	s2 =	sld [smem:$0x3FFC];
	_ =	sdelay $0x3  }
0x94: {  	_ =	strace s2  }
0x95: {  	s2 =	sld [smem:$0x3FFD];
	_ =	sdelay $0x3  }
0x96: {  	_ =	strace s2  }
0x97: {  	_ =	strace $0x8FFFFFFF  }
0x98: {  	s18 =	sld [smem:$0x3FDB];
	_ =	sdelay $0x1  }
0x99: {  	s19 =	simm.s32 $_scs_section_size  }
0x9a: {  	s4 =	simm.s32 $_size__tile_overlayer_lowered;
	s5 =	simm.s32 $_tile_overlayer_lowered  }
0x9b: {  	s22 =	simm.s32 $0x1BFF;
	s21 =	sshll.u32 s5, $0x1;
	s2 =	sadd.s32 s19, s18  }
0x9c: {  	s6 =	simm.s32 $0x0;
	s20 =	sshll.u32 s4, $0x1;
	s4 =	sadd.s32 s21, s2  }
0x9d: {  	[timem:s6], [sflag:s22] =	dma.local [hbm:s4], s20  }
0x9e: {  	_ =	swait.ge [sflag:s22], s20  }
0x9f: {  	s3 =	ssub.s32 $0x0, s20;
	[sflag:s22] =	ssyncset.done $0x0  }
0xa0: {  	[sflag:s22] =	ssyncadd.s32 s3;
	_ =	sdelay $0x1  }
0xa1: {  	s23 =	simm.s32 $0x1B8B  }
0xa2: {  	_ =	swait.ge [sflag:s23], $0x1  }
0xa3: {  	[sflag:s23] =	ssyncset.done $0x0  }
0xa4: {  	s25 =	simm.s32 $0x1B8E;
	s24 =	sld [smem:$0x3FFE];
	[sflag:s23] =	ssyncadd.s32 $0xFFFFFFFF  }
0xa5: {  	s26 =	simm.s32 $execute0_lowered;
	[smem:$0x3FD2] =	sst s25  }
0xa6: {  	s4 =	sshll.u32 s26, $0x1;
	_ =	strace $0x80000049;
	[dreg:$0x1] =	wrdreg $0xFFFFFFFF  }
0xa7: {  	s28 =	simm.s32 $_size_execute0_lowered;
	s2 =	sadd.s32 s2, s4;
	[dreg:$0x0] =	wrdreg $0x0  }
0xa8: {  	s4 =	sshll.u32 s28, $0x1;
	[dreg:$0x2] =	wrdreg s2  }
0xa9: {  	[dreg:$0x3] =	wrdreg s4  }
0xaa: {  	[dreg:$0x4] =	wrdreg $0xC0  }
0xab: {  	_ =	task [dreg:s6], $0x5FFFF  }
0xac: {  	[dreg:$0x1] =	wrdreg $0xFFFFFFFF  }
0xad: {  	[dreg:$0x0] =	wrdreg $0x60  }
0xae: {  	[dreg:$0x2] =	wrdreg s24  }
0xaf: {  	[dreg:$0x3] =	wrdreg $0xB1000  }
0xb0: {  	[dreg:$0x4] =	wrdreg $0x9  }
0xb1: {  	_ =	task.clear_ibuf [dreg:s6], $0x5FFFF;
	_ =	strace $0x90000049  }
0xb2: {  	s29 =	simm.s32 $0x9;
	_ =	strace $0x8000004B  }
0xb3: {  	_ =	swait.ge [sflag:s29], $0x1  }
0xb4: {  	[sflag:s29] =	ssyncadd.s32 $0xFFFFFFFF  }
0xb5: {  	_ =	strace $0x9000004B  }
0xb6: {  	_ =	sfence  }
0xb7: {  	s30 =	sld [smem:$0x0];
	_ =	sdelay $0x2  }
0xb8: {  	s31 =	sshll.u32 s1, $0xD;
	s1 =	sshrl.u32 s1, $0x2  }
0xb9: {  	s3 =	sand.u32 $0x4000, s31;
	s1 =	sadd.s32 s1, s30  }
0xba: {  	s0 =	sor.u32 s3, s0;
	s1 =	sshll.u32 s1, $0x11  }
0xbb: {  	s0 =	sor.u32 s1, s0  }
0xbc: {  	s0 =	sadd.s32 $0x8F2B, s0  }
0xbd: {  	[sflag:s0] =	ssyncadd.remote.s32 $0x1  }
0xbe: {  	_ =	sfence.sel $0xFFFF  }
0xbf: {  	[dreg:$0x0] =	wrdreg $0xFFFFFFFF;
	(pc) =	sbr.abs _section_cstart, $3  }
0xc0: {  	[dreg:$0x1] =	wrdreg $0xFFFFFFFF  }
0xc1: {  	_ =	task.clear_ibuf [dreg:s6], $0x2FFFF;
	_ =	strace $0x9FFFFFFF  }
0xc2: {  	(tm) =	ssettm $0x7FFFFFFF  }
0xc3: {  	_ =	shalt  }
tec
execute0_lowered:
.L_overlay_start_1:
0x0: {  	(tag) =	ssettag $0x1  }
0x1: {  	s6 =	rddreg [dreg:$0x0]  }
0x2: {  	s2 =	rddreg [dreg:$0x1]  }
0x3: {  	s4 =	srdreg.scid;
	s1 =	stileid.u32  }
0x4: {  	s3 =	simm.s32 $0x0;
	s16 =	simm.s32 $0x2800;
	s17 =	simm.s32 $0xA900  }
0x5: {  	s18 =	simm.s32 $0x80;
	s19 =	simm.s32 $0x2900;
	s20 =	simm.s32 $0x2880  }
0x6: {  	s21 =	simm.s32 $0x6900;
	s22 =	simm.s32 $0x2;
	s23 =	simm.s32 $0x4  }
0x7: {  	s24 =	simm.s32 $0x0;
	s9 =	sand.u32 $0x1, s4;
	s29 =	sshll.u32 s1, $0x1  }
0x8: {  	[smem:$0x7FF] =	sst s3;
	s10 =	sshll.u32 s1, $0xB;
	s31 =	smul.u32 $0xA00, s1  }
0x9: {  	p0 =	slt.u32 s1, $0x2;
	s4 =	sor.u32 s9, s29;
	s5 =	smul.u32 $0x139000, s9  }
0xa: {  	_ =	strace $0x8000004A;
	s8 =	ssub.s32 $0x2, s9;
	s15 =	smul.u32 $0x500, s9  }
0xb: {  	s9 =	sadd.s32 s10, s2;
	s7 =	smul.u32 $0x500, s4;
	s13 =	sshrl.u32 s8, $0x1  }
0xc: {  	s4 =	sadd.s32 $0x16C00, s6;
	s5 =	sadd.s32 s10, s5;
	s30 =	ssub.s32 s8, s13  }
0xd: {  	s8 =	simm.s32 $0x28;
	s13 =	sadd.s32 s15, s31;
	s15 =	simm.s32 $0x5  }
0xe: {  	s11 =	sadd.s32 s7, s6;
	s12 =	sshrl.u32 s5, $0x3;
	s5 =	sadd.s32 $0x2C00, s6  }
0xf: {  	s8 =	simm.s32 @!p0 $0x27;
	s13 =	sor.u32 $0x30, s13;
	s14 =	sadd.s32 s12, s6  }
0x10: {  	s6 =	sadd.s32 $0xCC00, s11;
	s7 =	sadd.s32 s5, s7;
	s11 =	smax.u32 s30, $0x1  }
0x11: {  	v0 =	vimm.f32 $0.0e+00;
	s10 =	sadd.s32 $0x10, s7;
	s12 =	sadd.s32 $0x20, s7;
	s14 =	sadd.s32 $0x3DE00, s14  }
.LBB2_1:
0x12: {  	s25 =	simm.s32 $0x0;
	s26 =	simm.s32 $0x200  }
.LBB2_2:
0x13: {  	p0 =	sne.s32 s26, $0x1E00;
	[tilespmem:s25+$0xA970] =	vst v0  }
0x14: {  	[tilespmem:s25+$0xA900] =	vst v0  }
0x15: {  	[tilespmem:s25+$0xA910] =	vst v0  }
.Ltmp0:
0x16: {  	[tilespmem:s25+$0xA920] =	vst v0;
	(pc) =	sbr.rel @p0 .LBB2_2-.Ltmp0, $4  }
0x17: {  	[tilespmem:s25+$0xA930] =	vst v0  }
0x18: {  	[tilespmem:s25+$0xA940] =	vst v0  }
0x19: {  	[tilespmem:s25+$0xA950] =	vst v0  }
0x1a: {  	[tilespmem:s25+$0xA960] =	vst v0;
	s25 =	sshra.s32 s26, $0x2;
	s26 =	sadd.s32 $0x200, s26  }
0x1b: {  	[tilespmem:s25+$0xA970] =	vst v0  }
0x1c: {  	[tilespmem:s25+$0xA900] =	vst v0  }
0x1d: {  	[tilespmem:s25+$0xA910] =	vst v0  }
0x1e: {  	[tilespmem:s25+$0xA920] =	vst v0  }
0x1f: {  	[tilespmem:s25+$0xA930] =	vst v0  }
0x20: {  	[tilespmem:s25+$0xA940] =	vst v0  }
0x21: {  	[tilespmem:s25+$0xA950] =	vst v0  }
0x22: {  	[tilespmem:s25+$0xA960] =	vst v0  }
0x23: {  	[tilespmem:s3], [sflag:$0x5] =	stream.linear.gather [hbm4b:s6+s3], $0x2800, $0x38;
	[tilespmem:$0x1EA00] =	vst v63  }
0x24: {  	_ =	swait.ge [sflag:s15], $0x2800  }
0x25: {  	[sflag:s15] =	ssyncset.done $0x0  }
0x26: {  	[sflag:s15] =	ssyncadd.s32 $0xFFFFD800  }
0x27: {  	[tilespmem:s16], [sflag:$0x5] =	stream.linear.gather [hbm4b:s7+s3], $0x80, $0x38;
	[tilespmem:$0x1EA00] =	vst v63  }
0x28: {  	p0 =	sne.s32 s8, $0x1;
	_ =	swait.ge [sflag:s15], $0x80  }
.Ltmp1:
0x29: {  	[sflag:s15] =	ssyncset.done $0x0;
	(pc) =	sbr.rel @!p0 .LBB2_5-.Ltmp1, $4  }
0x2a: {  	[sflag:s15] =	ssyncadd.s32 $0xFFFFFF80  }
0x2b: {  	[spmem:s9] =	stream.linear.scatter [tilespmem:s17], [sflag:$0x5], $0x800, $0x38;
	[tilespmem:$0x1EA00] =	vst v63  }
0x2c: {  	_ =	swait.ge [sflag:s15], $0x800  }
0x2d: {  	s25 =	sadd.s32 $0xFFFFFFFF, s8;
	s26 =	smov.u32 s9;
	[sflag:s15] =	ssyncset.done $0x0  }
.LBB2_4:
0x2e: {  	p1 =	sne.s32 s25, $0x1;
	[sflag:s15] =	ssyncadd.s32 $0xFFFFF800;
	s26 =	sadd.s32 $0x8000, s26  }
.Ltmp2:
0x2f: {  	s25 =	sadd.s32 $0xFFFFFFFF, s25;
	(pc) =	sbr.rel @p1 .LBB2_4-.Ltmp2, $4  }
0x30: {  	_ = 	snop  }
0x31: {  	[spmem:s26] =	stream.linear.scatter [tilespmem:s17], [sflag:$0x5], $0x800, $0x38;
	[tilespmem:$0x1EA00] =	vst v63  }
0x32: {  	_ =	swait.ge [sflag:s15], $0x800  }
0x33: {  	[sflag:s15] =	ssyncset.done $0x0  }
.LBB2_5:
0x34: {  	[sflag:s15] =	ssyncadd.s32 $0xFFFFF800  }
0x35: {  	[bflag:$0x0] =	sbarrier.arrive $0xFFFF  }
0x36: {  	[tilespmem:s19], [sflag:$0x1] =	stream.indirect.gather [hbm4b:s4+s18], $0x80, s3, s18, $0xb8;
	[tilespmem:$0x1EA00] =	vst v63  }
0x37: {  	_ = 	snop  }
0x38: {  	[tilespmem:s20], [sflag:$0x4] =	stream.linear.gather [hbm4b:s10+s3], $0x80, $0x38;
	[tilespmem:$0x1EA00] =	vst v63  }
0x39: {  	s25 =	simm.s32 $0x1  }
0x3a: {  	[tilespmem:s21], [sflag:$0x2] =	stream.indirect.gather [hbm4b:s4+s18], $0x80, s18, s18, $0xb8;
	[tilespmem:$0x1EA00] =	vst v63  }
0x3b: {  	_ =	swait.ge [sflag:s25], $0x4000  }
0x3c: {  	[sflag:s25] =	ssyncset.done $0x0  }
0x3d: {  	[sflag:s25] =	ssyncadd.s32 $0xFFFFC000  }
0x3e: {  	[spmem:s2] =	stream.indirect.scatter.add.f32 [tilespmem:s19], [sflag:$0x5], $0x80, s16, s18, $0xb8;
	[tilespmem:$0x1EA00] =	vst v63  }
.Ltmp3:
0x3f: {  	_ = 	snop;
	(pc) =	sbr.rel .LBB2_6-.Ltmp3, $4  }
0x40: {  	_ =	swait.ge [sflag:s15], $0x4000  }
0x41: {  	[sflag:s15] =	ssyncset.done $0x0  }
0x42: {  	s26 =	simm.s32 $0x100;
	s28 =	smov.u32 s13;
	[sflag:s15] =	ssyncadd.s32 $0xFFFFC000  }
0x43: {  	[tilespmem:s16], [sflag:$0x3] =	stream.linear.gather [hbm4b:s12+s3], $0x80, $0x38;
	[tilespmem:$0x1EA00] =	vst v63  }
.LBB2_8:
0x44: {  	s25 =	sadd.s32 $0x1, s25  }
0x45: {  	p1 =	sne.s32 s25, $0x4F  }
.Ltmp4:
0x46: {  	_ = 	snop;
	(pc) =	sbr.rel @!p1 .LBB2_9-.Ltmp4, $2  }
0x47: {  	_ =	sdelay $0x2  }
0x48: {  	s28 =	sadd.s32 $0x10, s28;
	s26 =	sadd.s32 $0x80, s26  }
.LBB2_6:
0x49: {  	s29 =	sand.u32 $0x1, s25  }
0x4a: {  	p1 =	seq.s32 s29, $0x1  }
0x4b: {  	s30 =	simm.s32 @!p1 $0x80;
	s31 =	simm.s32 @!p1 $0x6900  }
0x4c: {  	[tilespmem:s31], [sflag:$0x2] =	stream.indirect.gather @!p1 [hbm4b:s4+s30], $0x80, s26, s30, $0xb8;
	[tilespmem:$0x1EA00] =	vst v63  }
0x4d: {  	s31 =	simm.s32 @!p1 $0x1  }
0x4e: {  	_ =	swait.ge @!p1 [sflag:s31], $0x4000  }
0x4f: {  	[sflag:s31] =	ssyncset.done @!p1 $0x0  }
0x50: {  	[sflag:s31] =	ssyncadd.s32 @!p1 $0xFFFFC000;
	s31 =	simm.s32 @!p1 $0x3  }
0x51: {  	_ =	swait.ge @!p1 [sflag:s31], $0x80  }
0x52: {  	[sflag:s31] =	ssyncset.done @!p1 $0x0  }
0x53: {  	s0 =	simm.s32 @!p1 $0x2900;
	[sflag:s31] =	ssyncadd.s32 @!p1 $0xFFFFFF80;
	s31 =	simm.s32 @!p1 $0x2800  }
0x54: {  	[spmem:s2] =	stream.indirect.scatter.add.f32 @!p1 [tilespmem:s0], [sflag:$0x5], $0x80, s31, s30, $0xb8;
	[tilespmem:$0x1EA00] =	vst v63  }
0x55: {  	s0 =	simm.s32 @!p1 $0x5  }
0x56: {  	p2 =	sgt.u32 @!p1 s25, $0x4D;
	_ =	swait.ge @!p1 [sflag:s0], $0x4000  }
0x57: {  	p2 =	por p2, p1;
	[sflag:s0] =	ssyncset.done @!p1 $0x0  }
0x58: {  	[sflag:s0] =	ssyncadd.s32 @!p1 $0xFFFFC000;
	s0 =	sand.u32 @!p2 $0xFFFFFE0, s28  }
0x59: {  	s30 =	simm.s32 @!p2 $0x0;
	s31 =	simm.s32 @!p2 $0x2800;
	s0 =	sadd.s32 @!p2 s5, s0  }
0x5a: {  	[tilespmem:s31], [sflag:$0x3] =	stream.linear.gather @!p2 [hbm4b:s0+s30], $0x80, $0x38;
	[tilespmem:$0x1EA00] =	vst v63  }
0x5b: {  	p2 =	seq.s32 @!p1 s29, $0x0  }
0x5c: {  	p1 =	por p1, !p2  }
.Ltmp5:
0x5d: {  	_ = 	snop;
	(pc) =	sbr.rel @!p1 .LBB2_8-.Ltmp5, $1  }
0x5e: {  	_ =	sdelay $0x3  }
0x5f: {  	[tilespmem:s19], [sflag:$0x1] =	stream.indirect.gather [hbm4b:s4+s18], $0x80, s26, s18, $0xb8;
	[tilespmem:$0x1EA00] =	vst v63  }
0x60: {  	_ =	swait.ge [sflag:s22], $0x4000  }
0x61: {  	[sflag:s22] =	ssyncset.done $0x0  }
0x62: {  	[sflag:s22] =	ssyncadd.s32 $0xFFFFC000  }
0x63: {  	_ =	swait.ge [sflag:s23], $0x80  }
0x64: {  	[sflag:s23] =	ssyncset.done $0x0  }
0x65: {  	[sflag:s23] =	ssyncadd.s32 $0xFFFFFF80  }
0x66: {  	[spmem:s2] =	stream.indirect.scatter.add.f32 [tilespmem:s21], [sflag:$0x5], $0x80, s20, s18, $0xb8;
	[tilespmem:$0x1EA00] =	vst v63  }
.Ltmp6:
0x67: {  	_ = 	snop;
	(pc) =	sbr.rel .LBB2_8-.Ltmp6, $4  }
0x68: {  	p1 =	sgt.u32 s25, $0x4D;
	_ =	swait.ge [sflag:s15], $0x4000  }
0x69: {  	s0 =	sadd.s32 @!p1 s28, s5;
	[sflag:s15] =	ssyncset.done $0x0  }
0x6a: {  	s29 =	simm.s32 @!p1 $0x0;
	s30 =	simm.s32 @!p1 $0x2880;
	[sflag:s15] =	ssyncadd.s32 $0xFFFFC000  }
0x6b: {  	[tilespmem:s30], [sflag:$0x4] =	stream.linear.gather @!p1 [hbm4b:s0+s29], $0x80, $0x38;
	[tilespmem:$0x1EA00] =	vst v63  }
.LBB2_9:
0x6c: {  	_ =	swait.ge [sflag:s22], $0x4000  }
0x6d: {  	[sflag:s22] =	ssyncset.done $0x0  }
0x6e: {  	[sflag:s22] =	ssyncadd.s32 $0xFFFFC000  }
0x6f: {  	_ =	swait.ge [sflag:s23], $0x80  }
0x70: {  	[sflag:s23] =	ssyncset.done $0x0  }
0x71: {  	[sflag:s23] =	ssyncadd.s32 $0xFFFFFF80  }
0x72: {  	[spmem:s2] =	stream.indirect.scatter.add.f32 [tilespmem:s21], [sflag:$0x5], $0x80, s20, s18, $0xb8;
	[tilespmem:$0x1EA00] =	vst v63  }
0x73: {  	_ =	swait.ge [sflag:s15], $0x4000  }
.Ltmp7:
0x74: {  	[sflag:s15] =	ssyncset.done $0x0;
	(pc) =	sbr.rel @!p0 .LBB2_11-.Ltmp7, $4  }
0x75: {  	s0 =	sshll.u32 s1, $0x6;
	s31 =	sshrl.u32 s9, $0x3;
	[sflag:s15] =	ssyncadd.s32 $0xFFFFC000  }
0x76: {  	s26 =	sadd.s32 $0xFFFFFFFF, s8;
	s25 =	sor.u32 $0x1C05, s0;
	[bflag:$0x0] =	sbarrier.arrive $0xFFFF  }
0x77: {  	[hbm:s14], [sflag:s25] =	dma.local [spmem:s31], $0x100  }
0x78: {  	s28 =	sadd.s32 $0x1000, s14;
	s29 =	smov.u32 s9;
	_ =	swait.ge [sflag:s15], $0x100  }
.LBB2_10:
0x79: {  	[sflag:s15] =	ssyncset.done $0x0;
	s29 =	sadd.s32 $0x8000, s29;
	p0 =	sne.s32 s26, $0x1  }
.Ltmp8:
0x7a: {  	s0 =	sshrl.u32 s29, $0x3;
	[sflag:s15] =	ssyncadd.s32 $0xFFFFFF00;
	(pc) =	sbr.rel @p0 .LBB2_10-.Ltmp8, $3  }
0x7b: {  	[hbm:s28], [sflag:s25] =	dma.local [spmem:s0], $0x100  }
0x7c: {  	s26 =	sadd.s32 $0xFFFFFFFF, s26;
	_ =	sdelay $0x1  }
0x7d: {  	s28 =	sadd.s32 $0x1000, s28;
	_ =	swait.ge [sflag:s15], $0x100  }
.LBB2_11:
0x7e: {  	s24 =	sadd.s32 $0x1, s24  }
0x7f: {  	p0 =	sne.s32 s24, s11  }
.Ltmp9:
0x80: {  	_ = 	snop;
	(pc) =	sbr.rel @p0 .LBB2_1-.Ltmp9, $3  }
0x81: {  	_ =	sdelay $0x1  }
0x82: {  	[sflag:s15] =	ssyncset.done $0x0  }
0x83: {  	[sflag:s15] =	ssyncadd.s32 $0xFFFFFF00  }
0x84: {  	_ =	sfence.sel $0x180000  }
0x85: {  	[bflag:$0x0] =	sbarrier.arrive $0xFFFF  }
0x86: {  	_ =	strace $0x9000004A  }
0x87: {  	[bflag:$0x2] =	sbarrier.arrive $0xFFFF  }
0x88: {  	p0 =	sne.s32 s1, $0x0;
	s0 =	rddreg [dreg:$0x2]  }
0x89: {  	s0 =	sadd.s32 @!p0 $0x100000, s0  }
0x8a: {  	[sflag:s0] =	ssyncadd.tile.s32 @!p0 $0x1;
	_ =	shalt  }
.Lfunc_end2:
_tile_overlayer_lowered:
.L_overlay_start_2:
0x8b: {  	(tag) =	ssettag $0x2  }
0x8c: {  	s0 =	rddreg [dreg:$0x0];
	s2 =	stileid.u32  }
0x8d: {  	s1 =	rddreg [dreg:$0x1];
	p0 =	sne.s32 s2, $0x0  }
0x8e: {  	s3 =	rddreg [dreg:$0x2];
	[bflag:$0x3] =	sbarrier.arrive $0xFFFF;
	s2 =	simm.s32 @!p0 $0x1C05  }
0x8f: {  	[timem:s3], [sflag:s2] =	dma.local @!p0 [hbm:s0], s1  }
0x90: {  	s0 =	simm.s32 @!p0 $0x5  }
0x91: {  	_ =	swait.ge @!p0 [sflag:s0], s1  }
0x92: {  	s1 =	ssub.s32 @!p0 $0x0, s1;
	[sflag:s0] =	ssyncset.done @!p0 $0x0  }
0x93: {  	[sflag:s0] =	ssyncadd.s32 @!p0 s1  }
0x94: {  	[bflag:$0x3] =	sbarrier.arrive $0xFFFF  }
0x95: {  	_ =	shalt  }

// kernel: kernel.14.cloned.1.call-start
scs
__scs_entry_jumppad:
0x0: {  	(pc) =	sbr.rel $0x88, $3  }
0x1: {  	(tag) =	ssettag $0x0;
	lr =	simm.s32 $0x1  }
0x2: {  	[smem:$0x3F95] =	sst lr;
	_ =	strace $0xD0000000  }
0x3: {  	_ = 	snop  }
0x4: {  	_ = 	snop  }
0x5: {  	_ = 	snop  }
0x6: {  	_ = 	snop  }
0x7: {  	_ = 	snop  }
__scs_overlays_trampoline_lowered:
0x8: {  	[smem:$0x3FA4] =	sst s0  }
0x9: {  	[smem:$0x3FA5] =	sst s1  }
0xa: {  	[smem:$0x3FA6] =	sst s2  }
0xb: {  	[smem:$0x3FA7] =	sst s3  }
0xc: {  	[smem:$0x3FA8] =	sst s4  }
0xd: {  	[smem:$0x3FA9] =	sst s5  }
0xe: {  	[smem:$0x3FAA] =	sst s6  }
0xf: {  	[smem:$0x3FAB] =	sst s7  }
0x10: {  	[smem:$0x3FAC] =	sst s8  }
0x11: {  	[smem:$0x3FAD] =	sst s9;
	s0 =	simm.s32 @!p0 $0x0  }
0x12: {  	s1 =	sld [smem:$0x3F93];
	s0 =	simm.s32 @p0 $0x1  }
0x13: {  	[smem:$0x3FAE] =	sst s0;
	s0 =	simm.s32 @!p1 $0x0  }
0x14: {  	s2 =	sld [smem:$0x3F92];
	s0 =	simm.s32 @p1 $0x1  }
0x15: {  	[smem:$0x3FAF] =	sst s0;
	s0 =	simm.s32 @!p2 $0x0  }
0x16: {  	s3 =	sld [smem:$0x3FDB];
	s0 =	simm.s32 @p2 $0x1  }
0x17: {  	s4 =	simm.s32 $0x1BF5;
	[smem:$0x3FB1] =	sst s0  }
0x18: {  	s0 =	sld [smem:$0x3F94];
	_ =	swait.ge [sflag:s4], $0x0  }
0x19: {  	s7 =	sld [smem:$0x3F95]  }
0x1a: {  	s8 =	sadd.s32 $0xFFFFE003, lr  }
0x1b: {  	s9 =	sadd.s32 $0xFFFFFEF7, lr;
	s5 =	simm.s32 $0xFFFFFFFF;
	p2 =	slt.u32 s8, $0xFFFFF086  }
0x1c: {  	p1 =	slt.u32 s9, $0xF7A;
	s5 =	simm.s32 @!p2 $0x0  }
0x1d: {  	s5 =	simm.s32 @p1 $0x1;
	p0 =	seq.s32 s7, s2  }
0x1e: {  	s7 =	smul.u32 @!p0 $0xF7A, s2;
	p2 =	seq.s32 @!p0 s5, $0x0  }
0x1f: {  	s9 =	smul.u32 $0xF7A, s1;
	s8 =	simm.s32 @!p0 $0x1BF5;
	p2 =	por !p2, p0  }
0x20: {  	[sflag:s8] =	ssyncset.s32 @!p0 $0xFFFFF086;
	s6 =	sadd.s32 @!p0 s3, s7;
	s7 =	simm.s32 @!p0 $0x108  }
0x21: {  	s3 =	sadd.s32 s3, s9;
	s6 =	sadd.s32 @!p0 $0x88, s6;
	s7 =	simm.s32 @p2 $0x1082  }
0x22: {  	[simem:s7], [sflag:s8] =	dma.local @!p0 [hbm:s6], $0xF7A  }
0x23: {  	s9 =	sor.u32 $0xD0000000, s2;
	s6 =	simm.s32 $0x108;
	_ =	swait.ge @!p0 [sflag:s8], $0x0  }
0x24: {  	s3 =	sadd.s32 $0x88, s3;
	s6 =	simm.s32 @!p1 $0x1082;
	[sflag:s4] =	ssyncset.s32 $0xFFFFF086  }
0x25: {  	[simem:s6], [sflag:s4] =	dma.local [hbm:s3], $0xF7A  }
0x26: {  	[smem:$0x3F95] =	sst s1;
	(tag) =	ssettag s2;
	_ =	strace s9  }
0x27: {  	s1 =	sld [smem:$0x3FA5]  }
0x28: {  	s2 =	sld [smem:$0x3FA6]  }
0x29: {  	s4 =	sld [smem:$0x3FA8]  }
0x2a: {  	p0 =	seq.s32 s5, $0x0;
	s5 =	sld [smem:$0x3FA9]  }
0x2b: {  	s6 =	sld [smem:$0x3FAA]  }
0x2c: {  	s7 =	sld [smem:$0x3FAB]  }
0x2d: {  	s3 =	simm.s32 $0x108;
	s8 =	sld [smem:$0x3FAC]  }
0x2e: {  	s3 =	simm.s32 @!p0 $0x1082;
	s9 =	sld [smem:$0x3FAD]  }
0x2f: {  	lr =	sadd.s32 s0, s3;
	s0 =	sld [smem:$0x3FA4]  }
0x30: {  	s3 =	sld [smem:$0x3FA7]  }
0x31: {  	[smem:$0x3FB0] =	sst s10  }
0x32: {  	s10 =	sld [smem:$0x3FAE];
	_ =	sdelay $0x3  }
0x33: {  	p0 =	seq.s32 s10, $0x1;
	s10 =	sld [smem:$0x3FB0];
	_ =	sdelay $0x3  }
0x34: {  	[smem:$0x3FB0] =	sst s10  }
0x35: {  	s10 =	sld [smem:$0x3FAF];
	_ =	sdelay $0x3  }
0x36: {  	p1 =	seq.s32 s10, $0x1;
	s10 =	sld [smem:$0x3FB0];
	_ =	sdelay $0x3  }
0x37: {  	[smem:$0x3FB0] =	sst s10  }
0x38: {  	s10 =	sld [smem:$0x3FB1]  }
0x39: {  	_ = 	snop;
	(pc) =	sbr.ind lr, $3  }
0x3a: {  	_ = 	snop  }
0x3b: {  	_ = 	snop  }
0x3c: {  	p2 =	seq.s32 s10, $0x1;
	s10 =	sld [smem:$0x3FB0]  }
0x3d: {  	_ =	shalt  }
0x3e: {  	_ =	shalt  }
0x3f: {  	_ =	shalt  }
0x40: {  	_ =	shalt  }
0x41: {  	_ =	shalt  }
0x42: {  	_ =	shalt  }
0x43: {  	_ =	shalt  }
0x44: {  	_ =	shalt  }
0x45: {  	_ =	shalt  }
0x46: {  	_ =	shalt  }
0x47: {  	_ =	shalt  }
0x48: {  	_ =	shalt  }
0x49: {  	_ =	shalt  }
0x4a: {  	_ =	shalt  }
0x4b: {  	_ =	shalt  }
0x4c: {  	_ =	shalt  }
0x4d: {  	_ =	shalt  }
0x4e: {  	_ =	shalt  }
0x4f: {  	_ =	shalt  }
0x50: {  	_ =	shalt  }
0x51: {  	_ =	shalt  }
0x52: {  	_ =	shalt  }
0x53: {  	_ =	shalt  }
0x54: {  	_ =	shalt  }
0x55: {  	_ =	shalt  }
0x56: {  	_ =	shalt  }
0x57: {  	_ =	shalt  }
0x58: {  	_ =	shalt  }
0x59: {  	_ =	shalt  }
0x5a: {  	_ =	shalt  }
0x5b: {  	_ =	shalt  }
0x5c: {  	_ =	shalt  }
0x5d: {  	_ =	shalt  }
0x5e: {  	_ =	shalt  }
0x5f: {  	_ =	shalt  }
0x60: {  	_ =	shalt  }
0x61: {  	_ =	shalt  }
0x62: {  	_ =	shalt  }
0x63: {  	_ =	shalt  }
0x64: {  	_ =	shalt  }
0x65: {  	_ =	shalt  }
0x66: {  	_ =	shalt  }
0x67: {  	_ =	shalt  }
0x68: {  	_ =	shalt  }
0x69: {  	_ =	shalt  }
0x6a: {  	_ =	shalt  }
0x6b: {  	_ =	shalt  }
0x6c: {  	_ =	shalt  }
0x6d: {  	_ =	shalt  }
0x6e: {  	_ =	shalt  }
0x6f: {  	_ =	shalt  }
0x70: {  	_ =	shalt  }
0x71: {  	_ =	shalt  }
0x72: {  	_ =	shalt  }
0x73: {  	_ =	shalt  }
0x74: {  	_ =	shalt  }
0x75: {  	_ =	shalt  }
0x76: {  	_ =	shalt  }
0x77: {  	_ =	shalt  }
0x78: {  	_ =	shalt  }
0x79: {  	_ =	shalt  }
0x7a: {  	_ =	shalt  }
0x7b: {  	_ =	shalt  }
0x7c: {  	_ =	shalt  }
0x7d: {  	_ =	shalt  }
0x7e: {  	_ =	shalt  }
0x7f: {  	_ =	shalt  }
0x80: {  	_ =	shalt  }
0x81: {  	_ =	shalt  }
0x82: {  	_ =	shalt  }
0x83: {  	_ =	shalt  }
0x84: {  	_ =	shalt  }
0x85: {  	_ =	shalt  }
0x86: {  	_ =	shalt  }
0x87: {  	_ =	shalt  }
.Lfunc_end0:
.L_simem_size_0:
called_computation.2_lowered:
.L_overlay_start_0:
0x88: {  	s2 =	sld [smem:$0x3FD9]  }
0x89: {  	s3 =	sld [smem:$0x3FFE];
	_ =	sdelay $0x1  }
0x8a: {  	s1 =	srdreg.scid  }
0x8b: {  	s0 =	sand.u32 $0x1, s1  }
0x8c: {  	s16 =	sshll.u32 s0, $0xA;
	s2 =	sadd.s32 s3, s2  }
0x8d: {  	s2 =	sadd.s32 s2, s16  }
0x8e: {  	[smem:$0x3FBC] =	sst s2  }
0x8f: {  	_ = 	snop  }
0x90: {  	(tm) =	ssettm $0x1  }
0x91: {  	s17 =	sld [smem:$0x3FFB];
	_ =	sdelay $0x3  }
0x92: {  	_ =	strace s17  }
0x93: {  	s2 =	sld [smem:$0x3FFC];
	_ =	sdelay $0x3  }
0x94: {  	_ =	strace s2  }
0x95: {  	s2 =	sld [smem:$0x3FFD];
	_ =	sdelay $0x3  }
0x96: {  	_ =	strace s2  }
0x97: {  	_ =	strace $0x8FFFFFFF  }
0x98: {  	s18 =	sld [smem:$0x3FDB];
	_ =	sdelay $0x1  }
0x99: {  	s19 =	simm.s32 $_scs_section_size  }
0x9a: {  	s4 =	simm.s32 $_size__tile_overlayer_lowered;
	s5 =	simm.s32 $_tile_overlayer_lowered  }
0x9b: {  	s22 =	simm.s32 $0x1BFF;
	s21 =	sshll.u32 s5, $0x1;
	s2 =	sadd.s32 s19, s18  }
0x9c: {  	s6 =	simm.s32 $0x0;
	s20 =	sshll.u32 s4, $0x1;
	s4 =	sadd.s32 s21, s2  }
0x9d: {  	[timem:s6], [sflag:s22] =	dma.local [hbm:s4], s20  }
0x9e: {  	_ =	swait.ge [sflag:s22], s20  }
0x9f: {  	s3 =	ssub.s32 $0x0, s20;
	[sflag:s22] =	ssyncset.done $0x0  }
0xa0: {  	[sflag:s22] =	ssyncadd.s32 s3;
	_ =	sdelay $0x1  }
0xa1: {  	s23 =	simm.s32 $0x1B8B  }
0xa2: {  	_ =	swait.ge [sflag:s23], $0x1  }
0xa3: {  	[sflag:s23] =	ssyncset.done $0x0  }
0xa4: {  	s25 =	simm.s32 $0x1B8E;
	s24 =	sld [smem:$0x3FFE];
	[sflag:s23] =	ssyncadd.s32 $0xFFFFFFFF  }
0xa5: {  	s26 =	simm.s32 $execute0_lowered;
	[smem:$0x3FD2] =	sst s25  }
0xa6: {  	s4 =	sshll.u32 s26, $0x1;
	_ =	strace $0x8000004C;
	[dreg:$0x1] =	wrdreg $0xFFFFFFFF  }
0xa7: {  	s28 =	simm.s32 $_size_execute0_lowered;
	s2 =	sadd.s32 s2, s4;
	[dreg:$0x0] =	wrdreg $0x0  }
0xa8: {  	s4 =	sshll.u32 s28, $0x1;
	[dreg:$0x2] =	wrdreg s2  }
0xa9: {  	[dreg:$0x3] =	wrdreg s4  }
0xaa: {  	[dreg:$0x4] =	wrdreg $0xC0  }
0xab: {  	_ =	task [dreg:s6], $0x5FFFF  }
0xac: {  	[dreg:$0x1] =	wrdreg $0xFFFFFFFF  }
0xad: {  	[dreg:$0x0] =	wrdreg $0x60  }
0xae: {  	[dreg:$0x2] =	wrdreg s24  }
0xaf: {  	[dreg:$0x3] =	wrdreg $0xB1000  }
0xb0: {  	[dreg:$0x4] =	wrdreg $0x9  }
0xb1: {  	_ =	task.clear_ibuf [dreg:s6], $0x5FFFF;
	_ =	strace $0x9000004C  }
0xb2: {  	s29 =	simm.s32 $0x9;
	_ =	strace $0x8000004E  }
0xb3: {  	_ =	swait.ge [sflag:s29], $0x1  }
0xb4: {  	[sflag:s29] =	ssyncadd.s32 $0xFFFFFFFF  }
0xb5: {  	_ =	strace $0x9000004E  }
0xb6: {  	_ =	sfence  }
0xb7: {  	s30 =	sld [smem:$0x0];
	_ =	sdelay $0x2  }
0xb8: {  	s31 =	sshll.u32 s1, $0xD;
	s1 =	sshrl.u32 s1, $0x2  }
0xb9: {  	s3 =	sand.u32 $0x4000, s31;
	s1 =	sadd.s32 s1, s30  }
0xba: {  	s0 =	sor.u32 s3, s0;
	s1 =	sshll.u32 s1, $0x11  }
0xbb: {  	s0 =	sor.u32 s1, s0  }
0xbc: {  	s0 =	sadd.s32 $0x8F2B, s0  }
0xbd: {  	[sflag:s0] =	ssyncadd.remote.s32 $0x1  }
0xbe: {  	_ =	sfence.sel $0xFFFF  }
0xbf: {  	[dreg:$0x0] =	wrdreg $0xFFFFFFFF;
	(pc) =	sbr.abs _section_cstart, $3  }
0xc0: {  	[dreg:$0x1] =	wrdreg $0xFFFFFFFF  }
0xc1: {  	_ =	task.clear_ibuf [dreg:s6], $0x2FFFF;
	_ =	strace $0x9FFFFFFF  }
0xc2: {  	(tm) =	ssettm $0x7FFFFFFF  }
0xc3: {  	_ =	shalt  }
tec
execute0_lowered:
.L_overlay_start_1:
0x0: {  	(tag) =	ssettag $0x1  }
0x1: {  	s6 =	rddreg [dreg:$0x0]  }
0x2: {  	s2 =	rddreg [dreg:$0x1]  }
0x3: {  	s4 =	srdreg.scid;
	s1 =	stileid.u32  }
0x4: {  	s3 =	simm.s32 $0x0;
	s16 =	simm.s32 $0x2800;
	s17 =	simm.s32 $0xA900  }
0x5: {  	s18 =	simm.s32 $0x80;
	s19 =	simm.s32 $0x2900;
	s20 =	simm.s32 $0x2880  }
0x6: {  	s21 =	simm.s32 $0x6900;
	s22 =	simm.s32 $0x2;
	s23 =	simm.s32 $0x4  }
0x7: {  	s24 =	simm.s32 $0x0;
	s9 =	sand.u32 $0x1, s4;
	s29 =	sshll.u32 s1, $0x1  }
0x8: {  	[smem:$0x7FF] =	sst s3;
	s10 =	sshll.u32 s1, $0xB;
	s31 =	smul.u32 $0xA00, s1  }
0x9: {  	p0 =	slt.u32 s1, $0x2;
	s4 =	sor.u32 s9, s29;
	s5 =	smul.u32 $0x139000, s9  }
0xa: {  	_ =	strace $0x8000004D;
	s8 =	ssub.s32 $0x2, s9;
	s15 =	smul.u32 $0x500, s9  }
0xb: {  	s9 =	sadd.s32 s10, s2;
	s7 =	smul.u32 $0x500, s4;
	s13 =	sshrl.u32 s8, $0x1  }
0xc: {  	s4 =	sadd.s32 $0x16C00, s6;
	s5 =	sadd.s32 s10, s5;
	s30 =	ssub.s32 s8, s13  }
0xd: {  	s8 =	simm.s32 $0x28;
	s13 =	sadd.s32 s15, s31;
	s15 =	simm.s32 $0x5  }
0xe: {  	s11 =	sadd.s32 s7, s6;
	s12 =	sshrl.u32 s5, $0x3;
	s5 =	sadd.s32 $0x2C00, s6  }
0xf: {  	s8 =	simm.s32 @!p0 $0x27;
	s13 =	sor.u32 $0x30, s13;
	s14 =	sadd.s32 s12, s6  }
0x10: {  	s6 =	sadd.s32 $0xCC00, s11;
	s7 =	sadd.s32 s5, s7;
	s11 =	smax.u32 s30, $0x1  }
0x11: {  	v0 =	vimm.f32 $0.0e+00;
	s10 =	sadd.s32 $0x10, s7;
	s12 =	sadd.s32 $0x20, s7;
	s14 =	sadd.s32 $0x3DE00, s14  }
.LBB2_1:
0x12: {  	s25 =	simm.s32 $0x0;
	s26 =	simm.s32 $0x200  }
.LBB2_2:
0x13: {  	p0 =	sne.s32 s26, $0x1E00;
	[tilespmem:s25+$0xA970] =	vst v0  }
0x14: {  	[tilespmem:s25+$0xA900] =	vst v0  }
0x15: {  	[tilespmem:s25+$0xA910] =	vst v0  }
.Ltmp0:
0x16: {  	[tilespmem:s25+$0xA920] =	vst v0;
	(pc) =	sbr.rel @p0 .LBB2_2-.Ltmp0, $4  }
0x17: {  	[tilespmem:s25+$0xA930] =	vst v0  }
0x18: {  	[tilespmem:s25+$0xA940] =	vst v0  }
0x19: {  	[tilespmem:s25+$0xA950] =	vst v0  }
0x1a: {  	[tilespmem:s25+$0xA960] =	vst v0;
	s25 =	sshra.s32 s26, $0x2;
	s26 =	sadd.s32 $0x200, s26  }
0x1b: {  	[tilespmem:s25+$0xA970] =	vst v0  }
0x1c: {  	[tilespmem:s25+$0xA900] =	vst v0  }
0x1d: {  	[tilespmem:s25+$0xA910] =	vst v0  }
0x1e: {  	[tilespmem:s25+$0xA920] =	vst v0  }
0x1f: {  	[tilespmem:s25+$0xA930] =	vst v0  }
0x20: {  	[tilespmem:s25+$0xA940] =	vst v0  }
0x21: {  	[tilespmem:s25+$0xA950] =	vst v0  }
0x22: {  	[tilespmem:s25+$0xA960] =	vst v0  }
0x23: {  	[tilespmem:s3], [sflag:$0x5] =	stream.linear.gather [hbm4b:s6+s3], $0x2800, $0x38;
	[tilespmem:$0x1EA00] =	vst v63  }
0x24: {  	_ =	swait.ge [sflag:s15], $0x2800  }
0x25: {  	[sflag:s15] =	ssyncset.done $0x0  }
0x26: {  	[sflag:s15] =	ssyncadd.s32 $0xFFFFD800  }
0x27: {  	[tilespmem:s16], [sflag:$0x5] =	stream.linear.gather [hbm4b:s7+s3], $0x80, $0x38;
	[tilespmem:$0x1EA00] =	vst v63  }
0x28: {  	p0 =	sne.s32 s8, $0x1;
	_ =	swait.ge [sflag:s15], $0x80  }
.Ltmp1:
0x29: {  	[sflag:s15] =	ssyncset.done $0x0;
	(pc) =	sbr.rel @!p0 .LBB2_5-.Ltmp1, $4  }
0x2a: {  	[sflag:s15] =	ssyncadd.s32 $0xFFFFFF80  }
0x2b: {  	[spmem:s9] =	stream.linear.scatter [tilespmem:s17], [sflag:$0x5], $0x800, $0x38;
	[tilespmem:$0x1EA00] =	vst v63  }
0x2c: {  	_ =	swait.ge [sflag:s15], $0x800  }
0x2d: {  	s25 =	sadd.s32 $0xFFFFFFFF, s8;
	s26 =	smov.u32 s9;
	[sflag:s15] =	ssyncset.done $0x0  }
.LBB2_4:
0x2e: {  	p1 =	sne.s32 s25, $0x1;
	[sflag:s15] =	ssyncadd.s32 $0xFFFFF800;
	s26 =	sadd.s32 $0x8000, s26  }
.Ltmp2:
0x2f: {  	s25 =	sadd.s32 $0xFFFFFFFF, s25;
	(pc) =	sbr.rel @p1 .LBB2_4-.Ltmp2, $4  }
0x30: {  	_ = 	snop  }
0x31: {  	[spmem:s26] =	stream.linear.scatter [tilespmem:s17], [sflag:$0x5], $0x800, $0x38;
	[tilespmem:$0x1EA00] =	vst v63  }
0x32: {  	_ =	swait.ge [sflag:s15], $0x800  }
0x33: {  	[sflag:s15] =	ssyncset.done $0x0  }
.LBB2_5:
0x34: {  	[sflag:s15] =	ssyncadd.s32 $0xFFFFF800  }
0x35: {  	[bflag:$0x0] =	sbarrier.arrive $0xFFFF  }
0x36: {  	[tilespmem:s19], [sflag:$0x1] =	stream.indirect.gather [hbm4b:s4+s18], $0x80, s3, s18, $0xb8;
	[tilespmem:$0x1EA00] =	vst v63  }
0x37: {  	_ = 	snop  }
0x38: {  	[tilespmem:s20], [sflag:$0x4] =	stream.linear.gather [hbm4b:s10+s3], $0x80, $0x38;
	[tilespmem:$0x1EA00] =	vst v63  }
0x39: {  	s25 =	simm.s32 $0x1  }
0x3a: {  	[tilespmem:s21], [sflag:$0x2] =	stream.indirect.gather [hbm4b:s4+s18], $0x80, s18, s18, $0xb8;
	[tilespmem:$0x1EA00] =	vst v63  }
0x3b: {  	_ =	swait.ge [sflag:s25], $0x4000  }
0x3c: {  	[sflag:s25] =	ssyncset.done $0x0  }
0x3d: {  	[sflag:s25] =	ssyncadd.s32 $0xFFFFC000  }
0x3e: {  	[spmem:s2] =	stream.indirect.scatter.add.f32 [tilespmem:s19], [sflag:$0x5], $0x80, s16, s18, $0xb8;
	[tilespmem:$0x1EA00] =	vst v63  }
.Ltmp3:
0x3f: {  	_ = 	snop;
	(pc) =	sbr.rel .LBB2_6-.Ltmp3, $4  }
0x40: {  	_ =	swait.ge [sflag:s15], $0x4000  }
0x41: {  	[sflag:s15] =	ssyncset.done $0x0  }
0x42: {  	s26 =	simm.s32 $0x100;
	s28 =	smov.u32 s13;
	[sflag:s15] =	ssyncadd.s32 $0xFFFFC000  }
0x43: {  	[tilespmem:s16], [sflag:$0x3] =	stream.linear.gather [hbm4b:s12+s3], $0x80, $0x38;
	[tilespmem:$0x1EA00] =	vst v63  }
.LBB2_8:
0x44: {  	s25 =	sadd.s32 $0x1, s25  }
0x45: {  	p1 =	sne.s32 s25, $0x4F  }
.Ltmp4:
0x46: {  	_ = 	snop;
	(pc) =	sbr.rel @!p1 .LBB2_9-.Ltmp4, $2  }
0x47: {  	_ =	sdelay $0x2  }
0x48: {  	s28 =	sadd.s32 $0x10, s28;
	s26 =	sadd.s32 $0x80, s26  }
.LBB2_6:
0x49: {  	s29 =	sand.u32 $0x1, s25  }
0x4a: {  	p1 =	seq.s32 s29, $0x1  }
0x4b: {  	s30 =	simm.s32 @!p1 $0x80;
	s31 =	simm.s32 @!p1 $0x6900  }
0x4c: {  	[tilespmem:s31], [sflag:$0x2] =	stream.indirect.gather @!p1 [hbm4b:s4+s30], $0x80, s26, s30, $0xb8;
	[tilespmem:$0x1EA00] =	vst v63  }
0x4d: {  	s31 =	simm.s32 @!p1 $0x1  }
0x4e: {  	_ =	swait.ge @!p1 [sflag:s31], $0x4000  }
0x4f: {  	[sflag:s31] =	ssyncset.done @!p1 $0x0  }
0x50: {  	[sflag:s31] =	ssyncadd.s32 @!p1 $0xFFFFC000;
	s31 =	simm.s32 @!p1 $0x3  }
0x51: {  	_ =	swait.ge @!p1 [sflag:s31], $0x80  }
0x52: {  	[sflag:s31] =	ssyncset.done @!p1 $0x0  }
0x53: {  	s0 =	simm.s32 @!p1 $0x2900;
	[sflag:s31] =	ssyncadd.s32 @!p1 $0xFFFFFF80;
	s31 =	simm.s32 @!p1 $0x2800  }
0x54: {  	[spmem:s2] =	stream.indirect.scatter.add.f32 @!p1 [tilespmem:s0], [sflag:$0x5], $0x80, s31, s30, $0xb8;
	[tilespmem:$0x1EA00] =	vst v63  }
0x55: {  	s0 =	simm.s32 @!p1 $0x5  }
0x56: {  	p2 =	sgt.u32 @!p1 s25, $0x4D;
	_ =	swait.ge @!p1 [sflag:s0], $0x4000  }
0x57: {  	p2 =	por p2, p1;
	[sflag:s0] =	ssyncset.done @!p1 $0x0  }
0x58: {  	[sflag:s0] =	ssyncadd.s32 @!p1 $0xFFFFC000;
	s0 =	sand.u32 @!p2 $0xFFFFFE0, s28  }
0x59: {  	s30 =	simm.s32 @!p2 $0x0;
	s31 =	simm.s32 @!p2 $0x2800;
	s0 =	sadd.s32 @!p2 s5, s0  }
0x5a: {  	[tilespmem:s31], [sflag:$0x3] =	stream.linear.gather @!p2 [hbm4b:s0+s30], $0x80, $0x38;
	[tilespmem:$0x1EA00] =	vst v63  }
0x5b: {  	p2 =	seq.s32 @!p1 s29, $0x0  }
0x5c: {  	p1 =	por p1, !p2  }
.Ltmp5:
0x5d: {  	_ = 	snop;
	(pc) =	sbr.rel @!p1 .LBB2_8-.Ltmp5, $1  }
0x5e: {  	_ =	sdelay $0x3  }
0x5f: {  	[tilespmem:s19], [sflag:$0x1] =	stream.indirect.gather [hbm4b:s4+s18], $0x80, s26, s18, $0xb8;
	[tilespmem:$0x1EA00] =	vst v63  }
0x60: {  	_ =	swait.ge [sflag:s22], $0x4000  }
0x61: {  	[sflag:s22] =	ssyncset.done $0x0  }
0x62: {  	[sflag:s22] =	ssyncadd.s32 $0xFFFFC000  }
0x63: {  	_ =	swait.ge [sflag:s23], $0x80  }
0x64: {  	[sflag:s23] =	ssyncset.done $0x0  }
0x65: {  	[sflag:s23] =	ssyncadd.s32 $0xFFFFFF80  }
0x66: {  	[spmem:s2] =	stream.indirect.scatter.add.f32 [tilespmem:s21], [sflag:$0x5], $0x80, s20, s18, $0xb8;
	[tilespmem:$0x1EA00] =	vst v63  }
.Ltmp6:
0x67: {  	_ = 	snop;
	(pc) =	sbr.rel .LBB2_8-.Ltmp6, $4  }
0x68: {  	p1 =	sgt.u32 s25, $0x4D;
	_ =	swait.ge [sflag:s15], $0x4000  }
0x69: {  	s0 =	sadd.s32 @!p1 s28, s5;
	[sflag:s15] =	ssyncset.done $0x0  }
0x6a: {  	s29 =	simm.s32 @!p1 $0x0;
	s30 =	simm.s32 @!p1 $0x2880;
	[sflag:s15] =	ssyncadd.s32 $0xFFFFC000  }
0x6b: {  	[tilespmem:s30], [sflag:$0x4] =	stream.linear.gather @!p1 [hbm4b:s0+s29], $0x80, $0x38;
	[tilespmem:$0x1EA00] =	vst v63  }
.LBB2_9:
0x6c: {  	_ =	swait.ge [sflag:s22], $0x4000  }
0x6d: {  	[sflag:s22] =	ssyncset.done $0x0  }
0x6e: {  	[sflag:s22] =	ssyncadd.s32 $0xFFFFC000  }
0x6f: {  	_ =	swait.ge [sflag:s23], $0x80  }
0x70: {  	[sflag:s23] =	ssyncset.done $0x0  }
0x71: {  	[sflag:s23] =	ssyncadd.s32 $0xFFFFFF80  }
0x72: {  	[spmem:s2] =	stream.indirect.scatter.add.f32 [tilespmem:s21], [sflag:$0x5], $0x80, s20, s18, $0xb8;
	[tilespmem:$0x1EA00] =	vst v63  }
0x73: {  	_ =	swait.ge [sflag:s15], $0x4000  }
.Ltmp7:
0x74: {  	[sflag:s15] =	ssyncset.done $0x0;
	(pc) =	sbr.rel @!p0 .LBB2_11-.Ltmp7, $4  }
0x75: {  	s0 =	sshll.u32 s1, $0x6;
	s31 =	sshrl.u32 s9, $0x3;
	[sflag:s15] =	ssyncadd.s32 $0xFFFFC000  }
0x76: {  	s26 =	sadd.s32 $0xFFFFFFFF, s8;
	s25 =	sor.u32 $0x1C05, s0;
	[bflag:$0x0] =	sbarrier.arrive $0xFFFF  }
0x77: {  	[hbm:s14], [sflag:s25] =	dma.local [spmem:s31], $0x100  }
0x78: {  	s28 =	sadd.s32 $0x1000, s14;
	s29 =	smov.u32 s9;
	_ =	swait.ge [sflag:s15], $0x100  }
.LBB2_10:
0x79: {  	[sflag:s15] =	ssyncset.done $0x0;
	s29 =	sadd.s32 $0x8000, s29;
	p0 =	sne.s32 s26, $0x1  }
.Ltmp8:
0x7a: {  	s0 =	sshrl.u32 s29, $0x3;
	[sflag:s15] =	ssyncadd.s32 $0xFFFFFF00;
	(pc) =	sbr.rel @p0 .LBB2_10-.Ltmp8, $3  }
0x7b: {  	[hbm:s28], [sflag:s25] =	dma.local [spmem:s0], $0x100  }
0x7c: {  	s26 =	sadd.s32 $0xFFFFFFFF, s26;
	_ =	sdelay $0x1  }
0x7d: {  	s28 =	sadd.s32 $0x1000, s28;
	_ =	swait.ge [sflag:s15], $0x100  }
.LBB2_11:
0x7e: {  	s24 =	sadd.s32 $0x1, s24  }
0x7f: {  	p0 =	sne.s32 s24, s11  }
.Ltmp9:
0x80: {  	_ = 	snop;
	(pc) =	sbr.rel @p0 .LBB2_1-.Ltmp9, $3  }
0x81: {  	_ =	sdelay $0x1  }
0x82: {  	[sflag:s15] =	ssyncset.done $0x0  }
0x83: {  	[sflag:s15] =	ssyncadd.s32 $0xFFFFFF00  }
0x84: {  	_ =	sfence.sel $0x180000  }
0x85: {  	[bflag:$0x0] =	sbarrier.arrive $0xFFFF  }
0x86: {  	_ =	strace $0x9000004D  }
0x87: {  	[bflag:$0x2] =	sbarrier.arrive $0xFFFF  }
0x88: {  	p0 =	sne.s32 s1, $0x0;
	s0 =	rddreg [dreg:$0x2]  }
0x89: {  	s0 =	sadd.s32 @!p0 $0x100000, s0  }
0x8a: {  	[sflag:s0] =	ssyncadd.tile.s32 @!p0 $0x1;
	_ =	shalt  }
.Lfunc_end2:
_tile_overlayer_lowered:
.L_overlay_start_2:
0x8b: {  	(tag) =	ssettag $0x2  }
0x8c: {  	s0 =	rddreg [dreg:$0x0];
	s2 =	stileid.u32  }
0x8d: {  	s1 =	rddreg [dreg:$0x1];
	p0 =	sne.s32 s2, $0x0  }
0x8e: {  	s3 =	rddreg [dreg:$0x2];
	[bflag:$0x3] =	sbarrier.arrive $0xFFFF;
	s2 =	simm.s32 @!p0 $0x1C05  }
0x8f: {  	[timem:s3], [sflag:s2] =	dma.local @!p0 [hbm:s0], s1  }
0x90: {  	s0 =	simm.s32 @!p0 $0x5  }
0x91: {  	_ =	swait.ge @!p0 [sflag:s0], s1  }
0x92: {  	s1 =	ssub.s32 @!p0 $0x0, s1;
	[sflag:s0] =	ssyncset.done @!p0 $0x0  }
0x93: {  	[sflag:s0] =	ssyncadd.s32 @!p0 s1  }
0x94: {  	[bflag:$0x3] =	sbarrier.arrive $0xFFFF  }
0x95: {  	_ =	shalt  }

// kernel: kernel.8.cloned.1.call-start
scs
__scs_entry_jumppad:
0x0: {  	(pc) =	sbr.rel $0x88, $3  }
0x1: {  	(tag) =	ssettag $0x0;
	lr =	simm.s32 $0x1  }
0x2: {  	[smem:$0x3F95] =	sst lr;
	_ =	strace $0xD0000000  }
0x3: {  	_ = 	snop  }
0x4: {  	_ = 	snop  }
0x5: {  	_ = 	snop  }
0x6: {  	_ = 	snop  }
0x7: {  	_ = 	snop  }
__scs_overlays_trampoline_lowered:
0x8: {  	[smem:$0x3FA4] =	sst s0  }
0x9: {  	[smem:$0x3FA5] =	sst s1  }
0xa: {  	[smem:$0x3FA6] =	sst s2  }
0xb: {  	[smem:$0x3FA7] =	sst s3  }
0xc: {  	[smem:$0x3FA8] =	sst s4  }
0xd: {  	[smem:$0x3FA9] =	sst s5  }
0xe: {  	[smem:$0x3FAA] =	sst s6  }
0xf: {  	[smem:$0x3FAB] =	sst s7  }
0x10: {  	[smem:$0x3FAC] =	sst s8  }
0x11: {  	[smem:$0x3FAD] =	sst s9;
	s0 =	simm.s32 @!p0 $0x0  }
0x12: {  	s1 =	sld [smem:$0x3F93];
	s0 =	simm.s32 @p0 $0x1  }
0x13: {  	[smem:$0x3FAE] =	sst s0;
	s0 =	simm.s32 @!p1 $0x0  }
0x14: {  	s2 =	sld [smem:$0x3F92];
	s0 =	simm.s32 @p1 $0x1  }
0x15: {  	[smem:$0x3FAF] =	sst s0;
	s0 =	simm.s32 @!p2 $0x0  }
0x16: {  	s3 =	sld [smem:$0x3FDB];
	s0 =	simm.s32 @p2 $0x1  }
0x17: {  	s4 =	simm.s32 $0x1BF5;
	[smem:$0x3FB1] =	sst s0  }
0x18: {  	s0 =	sld [smem:$0x3F94];
	_ =	swait.ge [sflag:s4], $0x0  }
0x19: {  	s7 =	sld [smem:$0x3F95]  }
0x1a: {  	s8 =	sadd.s32 $0xFFFFE003, lr  }
0x1b: {  	s9 =	sadd.s32 $0xFFFFFEF7, lr;
	s5 =	simm.s32 $0xFFFFFFFF;
	p2 =	slt.u32 s8, $0xFFFFF086  }
0x1c: {  	p1 =	slt.u32 s9, $0xF7A;
	s5 =	simm.s32 @!p2 $0x0  }
0x1d: {  	s5 =	simm.s32 @p1 $0x1;
	p0 =	seq.s32 s7, s2  }
0x1e: {  	s7 =	smul.u32 @!p0 $0xF7A, s2;
	p2 =	seq.s32 @!p0 s5, $0x0  }
0x1f: {  	s9 =	smul.u32 $0xF7A, s1;
	s8 =	simm.s32 @!p0 $0x1BF5;
	p2 =	por !p2, p0  }
0x20: {  	[sflag:s8] =	ssyncset.s32 @!p0 $0xFFFFF086;
	s6 =	sadd.s32 @!p0 s3, s7;
	s7 =	simm.s32 @!p0 $0x108  }
0x21: {  	s3 =	sadd.s32 s3, s9;
	s6 =	sadd.s32 @!p0 $0x88, s6;
	s7 =	simm.s32 @p2 $0x1082  }
0x22: {  	[simem:s7], [sflag:s8] =	dma.local @!p0 [hbm:s6], $0xF7A  }
0x23: {  	s9 =	sor.u32 $0xD0000000, s2;
	s6 =	simm.s32 $0x108;
	_ =	swait.ge @!p0 [sflag:s8], $0x0  }
0x24: {  	s3 =	sadd.s32 $0x88, s3;
	s6 =	simm.s32 @!p1 $0x1082;
	[sflag:s4] =	ssyncset.s32 $0xFFFFF086  }
0x25: {  	[simem:s6], [sflag:s4] =	dma.local [hbm:s3], $0xF7A  }
0x26: {  	[smem:$0x3F95] =	sst s1;
	(tag) =	ssettag s2;
	_ =	strace s9  }
0x27: {  	s1 =	sld [smem:$0x3FA5]  }
0x28: {  	s2 =	sld [smem:$0x3FA6]  }
0x29: {  	s4 =	sld [smem:$0x3FA8]  }
0x2a: {  	p0 =	seq.s32 s5, $0x0;
	s5 =	sld [smem:$0x3FA9]  }
0x2b: {  	s6 =	sld [smem:$0x3FAA]  }
0x2c: {  	s7 =	sld [smem:$0x3FAB]  }
0x2d: {  	s3 =	simm.s32 $0x108;
	s8 =	sld [smem:$0x3FAC]  }
0x2e: {  	s3 =	simm.s32 @!p0 $0x1082;
	s9 =	sld [smem:$0x3FAD]  }
0x2f: {  	lr =	sadd.s32 s0, s3;
	s0 =	sld [smem:$0x3FA4]  }
0x30: {  	s3 =	sld [smem:$0x3FA7]  }
0x31: {  	[smem:$0x3FB0] =	sst s10  }
0x32: {  	s10 =	sld [smem:$0x3FAE];
	_ =	sdelay $0x3  }
0x33: {  	p0 =	seq.s32 s10, $0x1;
	s10 =	sld [smem:$0x3FB0];
	_ =	sdelay $0x3  }
0x34: {  	[smem:$0x3FB0] =	sst s10  }
0x35: {  	s10 =	sld [smem:$0x3FAF];
	_ =	sdelay $0x3  }
0x36: {  	p1 =	seq.s32 s10, $0x1;
	s10 =	sld [smem:$0x3FB0];
	_ =	sdelay $0x3  }
0x37: {  	[smem:$0x3FB0] =	sst s10  }
0x38: {  	s10 =	sld [smem:$0x3FB1]  }
0x39: {  	_ = 	snop;
	(pc) =	sbr.ind lr, $3  }
0x3a: {  	_ = 	snop  }
0x3b: {  	_ = 	snop  }
0x3c: {  	p2 =	seq.s32 s10, $0x1;
	s10 =	sld [smem:$0x3FB0]  }
0x3d: {  	_ =	shalt  }
0x3e: {  	_ =	shalt  }
0x3f: {  	_ =	shalt  }
0x40: {  	_ =	shalt  }
0x41: {  	_ =	shalt  }
0x42: {  	_ =	shalt  }
0x43: {  	_ =	shalt  }
0x44: {  	_ =	shalt  }
0x45: {  	_ =	shalt  }
0x46: {  	_ =	shalt  }
0x47: {  	_ =	shalt  }
0x48: {  	_ =	shalt  }
0x49: {  	_ =	shalt  }
0x4a: {  	_ =	shalt  }
0x4b: {  	_ =	shalt  }
0x4c: {  	_ =	shalt  }
0x4d: {  	_ =	shalt  }
0x4e: {  	_ =	shalt  }
0x4f: {  	_ =	shalt  }
0x50: {  	_ =	shalt  }
0x51: {  	_ =	shalt  }
0x52: {  	_ =	shalt  }
0x53: {  	_ =	shalt  }
0x54: {  	_ =	shalt  }
0x55: {  	_ =	shalt  }
0x56: {  	_ =	shalt  }
0x57: {  	_ =	shalt  }
0x58: {  	_ =	shalt  }
0x59: {  	_ =	shalt  }
0x5a: {  	_ =	shalt  }
0x5b: {  	_ =	shalt  }
0x5c: {  	_ =	shalt  }
0x5d: {  	_ =	shalt  }
0x5e: {  	_ =	shalt  }
0x5f: {  	_ =	shalt  }
0x60: {  	_ =	shalt  }
0x61: {  	_ =	shalt  }
0x62: {  	_ =	shalt  }
0x63: {  	_ =	shalt  }
0x64: {  	_ =	shalt  }
0x65: {  	_ =	shalt  }
0x66: {  	_ =	shalt  }
0x67: {  	_ =	shalt  }
0x68: {  	_ =	shalt  }
0x69: {  	_ =	shalt  }
0x6a: {  	_ =	shalt  }
0x6b: {  	_ =	shalt  }
0x6c: {  	_ =	shalt  }
0x6d: {  	_ =	shalt  }
0x6e: {  	_ =	shalt  }
0x6f: {  	_ =	shalt  }
0x70: {  	_ =	shalt  }
0x71: {  	_ =	shalt  }
0x72: {  	_ =	shalt  }
0x73: {  	_ =	shalt  }
0x74: {  	_ =	shalt  }
0x75: {  	_ =	shalt  }
0x76: {  	_ =	shalt  }
0x77: {  	_ =	shalt  }
0x78: {  	_ =	shalt  }
0x79: {  	_ =	shalt  }
0x7a: {  	_ =	shalt  }
0x7b: {  	_ =	shalt  }
0x7c: {  	_ =	shalt  }
0x7d: {  	_ =	shalt  }
0x7e: {  	_ =	shalt  }
0x7f: {  	_ =	shalt  }
0x80: {  	_ =	shalt  }
0x81: {  	_ =	shalt  }
0x82: {  	_ =	shalt  }
0x83: {  	_ =	shalt  }
0x84: {  	_ =	shalt  }
0x85: {  	_ =	shalt  }
0x86: {  	_ =	shalt  }
0x87: {  	_ =	shalt  }
.Lfunc_end0:
.L_simem_size_0:
called_computation_lowered:
.L_overlay_start_0:
0x88: {  	s2 =	sld [smem:$0x3FD9]  }
0x89: {  	s3 =	sld [smem:$0x3FFE];
	_ =	sdelay $0x1  }
0x8a: {  	s1 =	srdreg.scid  }
0x8b: {  	s0 =	sand.u32 $0x1, s1  }
0x8c: {  	s16 =	sshll.u32 s0, $0xA;
	s2 =	sadd.s32 s3, s2  }
0x8d: {  	s2 =	sadd.s32 s2, s16  }
0x8e: {  	[smem:$0x3FBC] =	sst s2  }
0x8f: {  	_ = 	snop  }
0x90: {  	(tm) =	ssettm $0x1  }
0x91: {  	s17 =	sld [smem:$0x3FFB];
	_ =	sdelay $0x3  }
0x92: {  	_ =	strace s17  }
0x93: {  	s2 =	sld [smem:$0x3FFC];
	_ =	sdelay $0x3  }
0x94: {  	_ =	strace s2  }
0x95: {  	s2 =	sld [smem:$0x3FFD];
	_ =	sdelay $0x3  }
0x96: {  	_ =	strace s2  }
0x97: {  	_ =	strace $0x8FFFFFFF  }
0x98: {  	s18 =	sld [smem:$0x3FDB];
	_ =	sdelay $0x1  }
0x99: {  	s19 =	simm.s32 $_scs_section_size  }
0x9a: {  	s4 =	simm.s32 $_size__tile_overlayer_lowered;
	s5 =	simm.s32 $_tile_overlayer_lowered  }
0x9b: {  	s22 =	simm.s32 $0x1BFF;
	s21 =	sshll.u32 s5, $0x1;
	s2 =	sadd.s32 s19, s18  }
0x9c: {  	s6 =	simm.s32 $0x0;
	s20 =	sshll.u32 s4, $0x1;
	s4 =	sadd.s32 s21, s2  }
0x9d: {  	[timem:s6], [sflag:s22] =	dma.local [hbm:s4], s20  }
0x9e: {  	_ =	swait.ge [sflag:s22], s20  }
0x9f: {  	s3 =	ssub.s32 $0x0, s20;
	[sflag:s22] =	ssyncset.done $0x0  }
0xa0: {  	[sflag:s22] =	ssyncadd.s32 s3;
	_ =	sdelay $0x1  }
0xa1: {  	s23 =	simm.s32 $0x1B8B  }
0xa2: {  	_ =	swait.ge [sflag:s23], $0x1  }
0xa3: {  	[sflag:s23] =	ssyncset.done $0x0  }
0xa4: {  	s25 =	simm.s32 $0x1B8E;
	s24 =	sld [smem:$0x3FFE];
	[sflag:s23] =	ssyncadd.s32 $0xFFFFFFFF  }
0xa5: {  	s26 =	simm.s32 $execute0_lowered;
	[smem:$0x3FD2] =	sst s25  }
0xa6: {  	s4 =	sshll.u32 s26, $0x1;
	_ =	strace $0x80000046;
	[dreg:$0x1] =	wrdreg $0xFFFFFFFF  }
0xa7: {  	s28 =	simm.s32 $_size_execute0_lowered;
	s2 =	sadd.s32 s2, s4;
	[dreg:$0x0] =	wrdreg $0x0  }
0xa8: {  	s4 =	sshll.u32 s28, $0x1;
	[dreg:$0x2] =	wrdreg s2  }
0xa9: {  	[dreg:$0x3] =	wrdreg s4  }
0xaa: {  	[dreg:$0x4] =	wrdreg $0xC0  }
0xab: {  	_ =	task [dreg:s6], $0x5FFFF  }
0xac: {  	[dreg:$0x1] =	wrdreg $0xFFFFFFFF  }
0xad: {  	[dreg:$0x0] =	wrdreg $0x60  }
0xae: {  	[dreg:$0x2] =	wrdreg s24  }
0xaf: {  	[dreg:$0x3] =	wrdreg $0x59000  }
0xb0: {  	[dreg:$0x4] =	wrdreg $0x80200  }
0xb1: {  	[dreg:$0x5] =	wrdreg $0x9  }
0xb2: {  	_ =	task.clear_ibuf [dreg:s6], $0x6FFFF;
	_ =	strace $0x90000046  }
0xb3: {  	s29 =	simm.s32 $0x9;
	_ =	strace $0x80000048  }
0xb4: {  	_ =	swait.ge [sflag:s29], $0x1  }
0xb5: {  	[sflag:s29] =	ssyncadd.s32 $0xFFFFFFFF  }
0xb6: {  	_ =	strace $0x90000048  }
0xb7: {  	_ =	sfence  }
0xb8: {  	s30 =	sld [smem:$0x0];
	_ =	sdelay $0x2  }
0xb9: {  	s31 =	sshll.u32 s1, $0xD;
	s1 =	sshrl.u32 s1, $0x2  }
0xba: {  	s3 =	sand.u32 $0x4000, s31;
	s1 =	sadd.s32 s1, s30  }
0xbb: {  	s0 =	sor.u32 s3, s0;
	s1 =	sshll.u32 s1, $0x11  }
0xbc: {  	s0 =	sor.u32 s1, s0  }
0xbd: {  	s0 =	sadd.s32 $0x8F2B, s0  }
0xbe: {  	[sflag:s0] =	ssyncadd.remote.s32 $0x1  }
0xbf: {  	_ =	sfence.sel $0xFFFF  }
0xc0: {  	[dreg:$0x0] =	wrdreg $0xFFFFFFFF;
	(pc) =	sbr.abs _section_cstart, $3  }
0xc1: {  	[dreg:$0x1] =	wrdreg $0xFFFFFFFF  }
0xc2: {  	_ =	task.clear_ibuf [dreg:s6], $0x2FFFF;
	_ =	strace $0x9FFFFFFF  }
0xc3: {  	(tm) =	ssettm $0x7FFFFFFF  }
tec
execute0_lowered:
.L_overlay_start_1:
0x0: {  	(tag) =	ssettag $0x1  }
0x1: {  	s5 =	rddreg [dreg:$0x0]  }
0x2: {  	s2 =	rddreg [dreg:$0x1];
	s1 =	srdreg.scid  }
0x3: {  	s0 =	stileid.u32;
	s3 =	rddreg [dreg:$0x2]  }
0x4: {  	s4 =	simm.s32 $0x0;
	s15 =	simm.s32 $0x5800;
	s16 =	simm.s32 $0x80  }
0x5: {  	s17 =	simm.s32 $0x5000;
	s18 =	simm.s32 $0x1;
	s19 =	simm.s32 $0x0  }
0x6: {  	s6 =	sand.u32 $0x1, s1;
	s7 =	sshll.u32 s0, $0x1;
	s1 =	rddreg [dreg:$0x3]  }
0x7: {  	[smem:$0x7FF] =	sst s4;
	s12 =	sadd.s32 $0x16C00, s5;
	p0 =	slt.u32 s0, $0x2  }
0x8: {  	s10 =	sshll.u32 s0, $0x8;
	s7 =	sor.u32 s6, s7;
	_ =	strace $0x80000047  }
0x9: {  	s8 =	ssub.s32 $0x2, s6;
	s9 =	smul.u32 $0x4E400, s6;
	s6 =	simm.s32 $0x28  }
0xa: {  	s7 =	smul.u32 $0x500, s7;
	s31 =	sshrl.u32 s8, $0x1;
	s6 =	simm.s32 @!p0 $0x27  }
0xb: {  	s8 =	ssub.s32 s8, s31;
	s11 =	sadd.s32 s10, s9;
	s9 =	sadd.s32 s10, s2  }
0xc: {  	s10 =	sadd.s32 s10, s3;
	s7 =	sadd.s32 s7, s5;
	s13 =	sadd.s32 $0x27200, s11  }
0xd: {  	s8 =	smax.u32 s8, $0x1;
	s14 =	sshrl.u32 s11, $0x3;
	s13 =	sshrl.u32 s13, $0x3  }
0xe: {  	s5 =	sadd.s32 $0xCC00, s7;
	s7 =	sadd.s32 $0x2C00, s7;
	s11 =	sadd.s32 s13, s12  }
0xf: {  	v0 =	vimm.f32 $1.000000000e+00;
	v1 =	vimm.f32 $0.0e+00;
	s12 =	sadd.s32 s14, s12;
	s13 =	simm.s32 $0x2;
	s14 =	simm.s32 $0x2800  }
.LBB2_1:
0x10: {  	s20 =	simm.s32 $0x40;
	s21 =	simm.s32 $0x0  }
.LBB2_2:
0x11: {  	p0 =	sne.s32 s20, $0x1FC0;
	[tilespmem:s21+$0x5000] =	vst v0;
	s21 =	smov.u32 s20;
	s20 =	sadd.s32 $0x40, s20  }
.Ltmp0:
0x12: {  	(pc) =	sbr.rel @p0 .LBB2_2-.Ltmp0, $2  }
0x13: {  	_ =	sdelay $0x2  }
0x14: {  	s21 =	sshra.s32 s21, $0x2  }
0x15: {  	[tilespmem:s21+$0x5000] =	vst v0  }
0x16: {  	[tilespmem:$0x5800] =	vst v1  }
0x17: {  	[tilespmem:$0x5810] =	vst v1  }
0x18: {  	[tilespmem:$0x5820] =	vst v1  }
0x19: {  	[tilespmem:$0x5830] =	vst v1  }
0x1a: {  	[tilespmem:$0x5840] =	vst v1  }
0x1b: {  	[tilespmem:$0x5850] =	vst v1  }
0x1c: {  	[tilespmem:$0x5860] =	vst v1  }
0x1d: {  	[tilespmem:$0x5870] =	vst v1  }
0x1e: {  	[tilespmem:$0x5880] =	vst v1  }
0x1f: {  	[tilespmem:$0x5890] =	vst v1  }
0x20: {  	[tilespmem:$0x58A0] =	vst v1  }
0x21: {  	[tilespmem:$0x58B0] =	vst v1  }
0x22: {  	[tilespmem:$0x58C0] =	vst v1  }
0x23: {  	[tilespmem:$0x58D0] =	vst v1  }
0x24: {  	[tilespmem:$0x58E0] =	vst v1  }
0x25: {  	[tilespmem:$0x58F0] =	vst v1  }
0x26: {  	[tilespmem:s4], [sflag:$0x2] =	stream.linear.gather [hbm4b:s5+s4], $0x2800, $0x38;
	[tilespmem:$0xA740] =	vst v63  }
0x27: {  	_ =	swait.ge [sflag:s13], $0x2800  }
0x28: {  	[sflag:s13] =	ssyncset.done $0x0  }
0x29: {  	[sflag:s13] =	ssyncadd.s32 $0xFFFFD800  }
0x2a: {  	[tilespmem:s14], [sflag:$0x2] =	stream.linear.gather [hbm4b:s7+s4], $0x2800, $0x38;
	[tilespmem:$0xA740] =	vst v63  }
0x2b: {  	_ =	swait.ge [sflag:s13], $0x2800  }
0x2c: {  	[sflag:s13] =	ssyncset.done $0x0  }
0x2d: {  	[sflag:s13] =	ssyncadd.s32 $0xFFFFD800  }
0x2e: {  	[spmem:s9] =	stream.linear.scatter [tilespmem:s15], [sflag:$0x2], $0x100, $0x38;
	[tilespmem:$0xA740] =	vst v63  }
0x2f: {  	p0 =	sne.s32 s6, $0x1;
	_ =	swait.ge [sflag:s13], $0x100  }
.Ltmp1:
0x30: {  	[sflag:s13] =	ssyncset.done $0x0;
	(pc) =	sbr.rel @!p0 .LBB2_5-.Ltmp1, $4  }
0x31: {  	[sflag:s13] =	ssyncadd.s32 $0xFFFFFF00  }
0x32: {  	[spmem:s10] =	stream.linear.scatter [tilespmem:s15], [sflag:$0x2], $0x100, $0x38;
	[tilespmem:$0xA740] =	vst v63  }
0x33: {  	s20 =	sadd.s32 $0xFFFFFFFF, s6;
	_ =	swait.ge [sflag:s13], $0x100  }
0x34: {  	s21 =	smov.u32 s9;
	s22 =	smov.u32 s10;
	[sflag:s13] =	ssyncset.done $0x0  }
.LBB2_4:
0x35: {  	[sflag:s13] =	ssyncadd.s32 $0xFFFFFF00;
	s21 =	sadd.s32 $0x1000, s21;
	s22 =	sadd.s32 $0x1000, s22  }
0x36: {  	[spmem:s21] =	stream.linear.scatter [tilespmem:s15], [sflag:$0x2], $0x100, $0x38;
	[tilespmem:$0xA740] =	vst v63  }
0x37: {  	p1 =	sne.s32 s20, $0x1;
	s20 =	sadd.s32 $0xFFFFFFFF, s20;
	_ =	swait.ge [sflag:s13], $0x100  }
.Ltmp2:
0x38: {  	[sflag:s13] =	ssyncset.done $0x0;
	(pc) =	sbr.rel @p1 .LBB2_4-.Ltmp2, $4  }
0x39: {  	[sflag:s13] =	ssyncadd.s32 $0xFFFFFF00  }
0x3a: {  	[spmem:s22] =	stream.linear.scatter [tilespmem:s15], [sflag:$0x2], $0x100, $0x38;
	[tilespmem:$0xA740] =	vst v63  }
0x3b: {  	_ =	swait.ge [sflag:s13], $0x100  }
0x3c: {  	[sflag:s13] =	ssyncset.done $0x0  }
.LBB2_5:
0x3d: {  	[sflag:s13] =	ssyncadd.s32 $0xFFFFFF00  }
0x3e: {  	s20 =	simm.s32 $0x0;
	[bflag:$0x0] =	sbarrier.arrive $0xFFFF  }
0x3f: {  	[spmem:s2] =	stream.indirect.scatter.add.f32 [tilespmem:s17], [sflag:$0x1], $0x10, s20, s16, $0xb8;
	[tilespmem:$0xA740] =	vst v63  }
0x40: {  	s21 =	simm.s32 $0x2800;
	s20 =	simm.s32 $0x200  }
.LBB2_6:
0x41: {  	[spmem:s3] =	stream.indirect.scatter.add.f32 [tilespmem:s17], [sflag:$0x1], $0x10, s21, s16, $0xb8;
	[tilespmem:$0xA740] =	vst v63  }
0x42: {  	s21 =	smov.u32 s20;
	p1 =	sne.s32 s20, $0x9E00  }
.Ltmp3:
0x43: {  	s20 =	sadd.s32 $0x200, s20;
	(pc) =	sbr.rel @p1 .LBB2_6-.Ltmp3, $4  }
0x44: {  	_ = 	snop  }
0x45: {  	s21 =	sshra.s32 s21, $0x2  }
0x46: {  	[spmem:s2] =	stream.indirect.scatter.add.f32 [tilespmem:s17], [sflag:$0x1], $0x10, s21, s16, $0xb8;
	[tilespmem:$0xA740] =	vst v63  }
0x47: {  	s21 =	sadd.s32 $0x2800, s21  }
0x48: {  	[spmem:s3] =	stream.indirect.scatter.add.f32 [tilespmem:s17], [sflag:$0x1], $0x10, s21, s16, $0xb8;
	[tilespmem:$0xA740] =	vst v63  }
0x49: {  	_ =	swait.ge [sflag:s18], $0x800  }
0x4a: {  	s20 =	simm.s32 $0x9F;
	[sflag:s18] =	ssyncset.done $0x0  }
.LBB2_8:
0x4b: {  	p1 =	sne.s32 s20, $0x1;
	s20 =	sadd.s32 $0xFFFFFFFF, s20;
	[sflag:s18] =	ssyncadd.s32 $0xFFFFF800  }
.Ltmp4:
0x4c: {  	(pc) =	sbr.rel @p1 .LBB2_8-.Ltmp4, $3  }
0x4d: {  	_ =	sdelay $0x1  }
0x4e: {  	_ =	swait.ge [sflag:s18], $0x800  }
0x4f: {  	[sflag:s18] =	ssyncset.done $0x0  }
.Ltmp5:
0x50: {  	(pc) =	sbr.rel @!p0 .LBB2_10-.Ltmp5, $4  }
0x51: {  	_ = 	snop  }
0x52: {  	[sflag:s18] =	ssyncadd.s32 $0xFFFFF800  }
0x53: {  	s22 =	sshrl.u32 s9, $0x3;
	s21 =	sadd.s32 $0xFFFFFFFF, s6;
	[bflag:$0x0] =	sbarrier.arrive $0xFFFF  }
0x54: {  	s20 =	sshll.u32 s0, $0x6;
	s26 =	sadd.s32 $0x1000, s9;
	p1 =	por $0x0, $0x0  }
0x55: {  	s23 =	sor.u32 $0x1C02, s20  }
0x56: {  	[hbm:s12], [sflag:s23] =	dma.local [spmem:s22], $0x20  }
0x57: {  	p0 =	sne.s32 s21, $0x1;
	s25 =	sadd.s32 $0xFFFFFFFF, s21;
	_ =	swait.ge [sflag:s13], $0x20  }
.Ltmp6:
0x58: {  	s24 =	sshrl.u32 s10, $0x3;
	[sflag:s13] =	ssyncset.done $0x0;
	(pc) =	sbr.rel @!p0 .LBB2_13-.Ltmp6, $4  }
0x59: {  	s21 =	sadd.s32 $0x1000, s10;
	p1 =	por $0x1, $0x1;
	[sflag:s13] =	ssyncadd.s32 $0xFFFFFFE0  }
0x5a: {  	[hbm:s11], [sflag:s23] =	dma.local [spmem:s24], $0x20  }
0x5b: {  	s22 =	sshrl.u32 s26, $0x3;
	s26 =	sadd.s32 $0x1000, s26;
	_ =	swait.ge [sflag:s13], $0x20  }
0x5c: {  	s23 =	sadd.s32 $0x200, s11;
	s24 =	sadd.s32 $0x200, s12;
	[sflag:s13] =	ssyncset.done $0x0  }
.LBB2_12:
0x5d: {  	s28 =	sshrl.u32 s26, $0x3;
	s29 =	sor.u32 $0x1C02, s20;
	[sflag:s13] =	ssyncadd.s32 $0xFFFFFFE0  }
0x5e: {  	[hbm:s24], [sflag:s29] =	dma.local [spmem:s22], $0x20  }
0x5f: {  	p0 =	sne.s32 s25, $0x1;
	s25 =	sadd.s32 $0xFFFFFFFF, s25;
	_ =	swait.ge [sflag:s13], $0x20  }
.Ltmp7:
0x60: {  	s22 =	smov.u32 s28;
	[sflag:s13] =	ssyncset.done $0x0;
	(pc) =	sbr.rel @p0 .LBB2_12-.Ltmp7, $4  }
0x61: {  	s28 =	sshrl.u32 s21, $0x3;
	s21 =	sadd.s32 $0x1000, s21;
	[sflag:s13] =	ssyncadd.s32 $0xFFFFFFE0  }
0x62: {  	[hbm:s23], [sflag:s29] =	dma.local [spmem:s28], $0x20  }
0x63: {  	s24 =	sadd.s32 $0x200, s24;
	s23 =	sadd.s32 $0x200, s23;
	_ =	swait.ge [sflag:s13], $0x20  }
0x64: {  	s26 =	sadd.s32 $0x1000, s26;
	[sflag:s13] =	ssyncset.done $0x0  }
.LBB2_13:
0x65: {  	s20 =	sor.u32 $0x1C02, s20;
	[sflag:s13] =	ssyncadd.s32 @p1 $0xFFFFFFE0  }
0x66: {  	[hbm:s24], [sflag:s20] =	dma.local [spmem:s22], $0x20  }
0x67: {  	_ =	swait.ge [sflag:s13], $0x20  }
0x68: {  	s19 =	sadd.s32 $0x1, s19;
	[sflag:s13] =	ssyncset.done $0x0  }
0x69: {  	s21 =	sshrl.u32 s21, $0x3;
	p0 =	sne.s32 s19, s8;
	[sflag:s13] =	ssyncadd.s32 $0xFFFFFFE0  }
0x6a: {  	[hbm:s23], [sflag:s20] =	dma.local [spmem:s21], $0x20  }
.Ltmp8:
0x6b: {  	_ = 	snop;
	(pc) =	sbr.rel @p0 .LBB2_1-.Ltmp8, $4  }
.Ltmp9:
0x6c: {  	_ = 	snop;
	(pc) =	sbr.rel @!p0 .LBB2_14-.Ltmp9, $4  }
0x6d: {  	_ =	swait.ge [sflag:s13], $0x20  }
0x6e: {  	[sflag:s13] =	ssyncset.done $0x0  }
0x6f: {  	[sflag:s13] =	ssyncadd.s32 $0xFFFFFFE0  }
0x70: {  	_ = 	snop  }
.LBB2_10:
.Ltmp10:
0x71: {  	(pc) =	sbr.rel .LBB2_13-.Ltmp10, $2  }
0x72: {  	_ =	sdelay $0x2  }
0x73: {  	s24 =	smov.u32 s12;
	s21 =	smov.u32 s10;
	s23 =	smov.u32 s11  }
.LBB2_14:
0x74: {  	_ =	sfence.sel $0x180000  }
0x75: {  	[bflag:$0x0] =	sbarrier.arrive $0xFFFF  }
0x76: {  	p0 =	sne.s32 s0, $0x0;
	_ =	strace $0x90000047  }
0x77: {  	s0 =	sadd.s32 @!p0 $0x100000, s1;
	[bflag:$0x2] =	sbarrier.arrive $0xFFFF  }
0x78: {  	[sflag:s0] =	ssyncadd.tile.s32 @!p0 $0x1;
	_ =	shalt  }
.Lfunc_end2:
_tile_overlayer_lowered:
.L_overlay_start_2:
0x79: {  	(tag) =	ssettag $0x2  }
0x7a: {  	s0 =	rddreg [dreg:$0x0];
	s2 =	stileid.u32  }
0x7b: {  	s1 =	rddreg [dreg:$0x1];
	p0 =	sne.s32 s2, $0x0  }
0x7c: {  	s3 =	rddreg [dreg:$0x2];
	[bflag:$0x3] =	sbarrier.arrive $0xFFFF;
	s2 =	simm.s32 @!p0 $0x1C02  }
0x7d: {  	[timem:s3], [sflag:s2] =	dma.local @!p0 [hbm:s0], s1  }
0x7e: {  	s0 =	simm.s32 @!p0 $0x2  }
0x7f: {  	_ =	swait.ge @!p0 [sflag:s0], s1  }
0x80: {  	s1 =	ssub.s32 @!p0 $0x0, s1;
	[sflag:s0] =	ssyncset.done @!p0 $0x0  }
0x81: {  	[sflag:s0] =	ssyncadd.s32 @!p0 s1  }
0x82: {  	[bflag:$0x3] =	sbarrier.arrive $0xFFFF  }
0x83: {  	_ =	shalt  }

</sc_bundles>
